<compile_context>
chip_gen: v7x
topology: tpu7x:2x2x1
jax: 0.10.2.dev20260603
libtpu: 0.0.44.dev20260713+nightly
codegen_flags: <defaults>
</compile_context>

<pallas_src>
import jax
import jax.numpy as jnp
from jax import lax
from jax.experimental import pallas as pl
from jax.experimental.pallas import tpu as pltpu
from jax.experimental.pallas import tpu_sc as plsc

_TIMESTEPS = 1000
_NROWS = 2048
_W = 256
_NWORKERS = 32
_ROWS_PER_W = _NROWS // _NWORKERS
_HOLO = 1024
_LANES = 16


def _build_holo_row(buf, r, hbuf, lane_f32):
    for g in range(_W // _LANES):
        v = buf[r, pl.ds(g * _LANES, _LANES)]
        q0 = (v * 1000.0).astype(jnp.int32) - 1
        q = jnp.where(q0 < 0, _TIMESTEPS - 1, q0)
        valid = v != 0.0
        _, winner = plsc.scan_count(q, mask=valid)
        val = jnp.float32(g * _LANES) + lane_f32
        plsc.store_scatter(hbuf, [q], val, mask=winner)


def _sc_loss_kernel(rec_hbm, tgt_hbm, out_hbm, rbuf, tbuf, hr, ht,
                    accv, sem_r, sem_t):
    wid = lax.axis_index("c") * 16 + lax.axis_index("s")
    base = wid * _ROWS_PER_W

    cp_r = pltpu.make_async_copy(rec_hbm.at[pl.ds(base, _ROWS_PER_W)],
                                 rbuf, sem_r)
    cp_t = pltpu.make_async_copy(tgt_hbm.at[pl.ds(base, _ROWS_PER_W)],
                                 tbuf, sem_t)
    cp_r.start()
    cp_t.start()

    lane_f32 = lax.iota(jnp.int32, _LANES).astype(jnp.float32)
    zf = jnp.zeros((_LANES,), jnp.float32)

    for j in range(_HOLO // _LANES):
        hr[pl.ds(j * _LANES, _LANES)] = zf
        ht[pl.ds(j * _LANES, _LANES)] = zf

    cp_r.wait()
    cp_t.wait()

    def row_body(r, acc):
        _build_holo_row(rbuf, r, hr, lane_f32)
        _build_holo_row(tbuf, r, ht, lane_f32)
        for j in range(_HOLO // _LANES):
            sl = pl.ds(j * _LANES, _LANES)
            d = hr[sl] - ht[sl]
            acc = acc + d * d
            hr[sl] = zf
            ht[sl] = zf
        return acc

    acc = lax.fori_loop(0, _ROWS_PER_W, row_body, jnp.zeros((_LANES,),
                                                            jnp.float32))
    accv[...] = acc
    pltpu.sync_copy(accv, out_hbm.at[wid])


@jax.jit
def kernel(reconstructed_image, target_image):
    rec = jnp.reshape(reconstructed_image, (_NROWS, _W))
    tgt = jnp.reshape(target_image, (_NROWS, _W))

    mesh = plsc.VectorSubcoreMesh(core_axis_name="c", subcore_axis_name="s")
    partials = pl.kernel(
        _sc_loss_kernel,
        mesh=mesh,
        compiler_params=pltpu.CompilerParams(needs_layout_passes=False),
        out_type=jax.ShapeDtypeStruct((_NWORKERS, _LANES), jnp.float32),
        scratch_types=[
            pltpu.VMEM((_ROWS_PER_W, _W), jnp.float32),
            pltpu.VMEM((_ROWS_PER_W, _W), jnp.float32),
            pltpu.VMEM((_HOLO,), jnp.float32),
            pltpu.VMEM((_HOLO,), jnp.float32),
            pltpu.VMEM((_LANES,), jnp.float32),
            pltpu.SemaphoreType.DMA,
            pltpu.SemaphoreType.DMA,
        ],
    )(rec, tgt)

    denom = jnp.float32(8 * 1 * 256 * _TIMESTEPS)
    return jnp.sum(partials) / denom

# --- scband reference (transcript-rebuilt; emitter-appended) ---
"""Pipeline reference for scband-simple3-dloss-old-15040975470953 (READ-ONLY COPY).

The authoritative reference and input builder live on the scoring server;
editing this copy changes nothing except your own understanding.
"""

import jax, jax.numpy as jnp
import numpy as np

TIMESTEPS = 1000


def holographic_transform(input_image):
    # output_batch: [B, C, H, timesteps]
    out = jnp.zeros((input_image.shape[0], input_image.shape[1], input_image.shape[2], TIMESTEPS), dtype=input_image.dtype)
    H, W = input_image.shape[2], input_image.shape[3]
    gx, gy = jnp.meshgrid(jnp.arange(H), jnp.arange(W), indexing="ij")
    gx = gx.ravel()
    gy = gy.ravel()
    for b in range(input_image.shape[0]):
        img = input_image[b, 0]
        values = img[gx, gy]
        mask = values != 0
        quantized = (values * TIMESTEPS).astype(jnp.int32) - 1
        quantized = jnp.where(mask, quantized, TIMESTEPS)
        # scatter-overwrite: out[b, 0, nzx, quantized] = nzy (cast to float)
        out = out.at[b, 0, gx, quantized].set(gy.astype(input_image.dtype))
    return out


def setup_inputs(seed: int = 0) -> dict:
    key = jax.random.key(seed)
    k1, k2 = jax.random.split(key)
    reconstructed_image = jax.random.uniform(k1, (8, 1, 256, 256), dtype=jnp.float32)
    target_image = jax.random.uniform(k2, (8, 1, 256, 256), dtype=jnp.float32)
    return {"reconstructed_image": reconstructed_image, "target_image": target_image}


def reference(reconstructed_image, target_image):
    reconstructed_hologram_vy = holographic_transform(reconstructed_image)
    target_hologram_vy = holographic_transform(target_image)
    vy_loss = jnp.mean((reconstructed_hologram_vy - target_hologram_vy) ** 2)
    return vy_loss

if __name__ == "__main__":
    import jax
    _d = setup_inputs()
    print(jax.jit(kernel)(*tuple(_d.values())))

</pallas_src>

<mosaic_0001>
#map = affine_map<(d0, d1) -> (0, 0)>
module attributes {stable_mosaic.version = 14 : i64} {
  func.func @_sc_loss_kernel(%arg0: i32, %arg1: i32, %arg2: memref<2048x256xf32, #tpu.memory_space<hbm>>, %arg3: memref<2048x256xf32, #tpu.memory_space<hbm>>, %arg4: memref<32x16xf32, #tpu.memory_space<hbm>>, %arg5: memref<64x256xf32, #tpu.memory_space<vmem>>, %arg6: memref<64x256xf32, #tpu.memory_space<vmem>>, %arg7: memref<1024xf32, #tpu.memory_space<vmem>>, %arg8: memref<1024xf32, #tpu.memory_space<vmem>>, %arg9: memref<16xf32, #tpu.memory_space<vmem>>, %arg10: memref<!tpu.dma_semaphore, #tpu.memory_space<semaphore_mem>>, %arg11: memref<!tpu.dma_semaphore, #tpu.memory_space<semaphore_mem>>) attributes {dimension_semantics = [#tpu.dimension_semantics<core_parallel>, #tpu.dimension_semantics<subcore_parallel>], iteration_bounds = array<i64: 2, 16>, scalar_prefetch = 0 : i64, scratch_operands = 7 : i64, tpu.core_type = #tpu.core_type<sc_vector_subcore>, window_params = [{transform_indices = #map}, {transform_indices = #map}, {transform_indices = #map}]} {
    %mul3A = arith.constant 16 : i32
    %mul3A_0 = arith.muli %arg0, %mul3A : i32
    %add3A = arith.addi %mul3A_0, %arg1 : i32
    %mul3A_1 = arith.constant 64 : i32
    %mul3A_2 = arith.muli %add3A, %mul3A_1 : i32
    %dma_start3A = arith.constant 0 : i32
    %dma_start3A_3 = tpu.memref_slice %arg2[%mul3A_2, %dma_start3A] : memref<2048x256xf32, #tpu.memory_space<hbm>> -> memref<64x256xf32, #tpu.memory_space<hbm>>
    %dma_start3A_4 = arith.constant 0 : i32
    %dma_start3A_5 = tpu.memref_slice %arg2[%mul3A_2, %dma_start3A_4] : memref<2048x256xf32, #tpu.memory_space<hbm>> -> memref<64x256xf32, #tpu.memory_space<hbm>>
    tpu.enqueue_dma source(%dma_start3A_5 : memref<64x256xf32, #tpu.memory_space<hbm>>) target(%arg5 : memref<64x256xf32, #tpu.memory_space<vmem>>) target_semaphore(%arg10 : memref<!tpu.dma_semaphore, #tpu.memory_space<semaphore_mem>>)
    %dma_start3A_6 = arith.constant 0 : i32
    %dma_start3A_7 = tpu.memref_slice %arg3[%mul3A_2, %dma_start3A_6] : memref<2048x256xf32, #tpu.memory_space<hbm>> -> memref<64x256xf32, #tpu.memory_space<hbm>>
    %dma_start3A_8 = arith.constant 0 : i32
    %dma_start3A_9 = tpu.memref_slice %arg3[%mul3A_2, %dma_start3A_8] : memref<2048x256xf32, #tpu.memory_space<hbm>> -> memref<64x256xf32, #tpu.memory_space<hbm>>
    tpu.enqueue_dma source(%dma_start3A_9 : memref<64x256xf32, #tpu.memory_space<hbm>>) target(%arg6 : memref<64x256xf32, #tpu.memory_space<vmem>>) target_semaphore(%arg11 : memref<!tpu.dma_semaphore, #tpu.memory_space<semaphore_mem>>)
    %iota3A = tpu.iota {dimensions = array<i32: 0>} : vector<16xi32>
    %convert_element_type3A = arith.sitofp %iota3A : vector<16xi32> to vector<16xf32>
    %broadcast_in_dim3A = arith.constant 0.000000e+00 : f32
    %broadcast_in_dim3A_10 = vector.broadcast %broadcast_in_dim3A : f32 to vector<16xf32>
    %swap3A = arith.constant 0 : index
    %swap3A_11 = tpu.vector_load %arg7[%swap3A] {strides = array<i32>} : memref<1024xf32, #tpu.memory_space<vmem>>, vector<16xf32>,
    tpu.vector_store %arg7[%swap3A], %broadcast_in_dim3A_10 {strides = array<i32>} : memref<1024xf32, #tpu.memory_space<vmem>>, vector<16xf32>,
    %swap3A_12 = arith.constant 0 : index
    %swap3A_13 = tpu.vector_load %arg8[%swap3A_12] {strides = array<i32>} : memref<1024xf32, #tpu.memory_space<vmem>>, vector<16xf32>,
    tpu.vector_store %arg8[%swap3A_12], %broadcast_in_dim3A_10 {strides = array<i32>} : memref<1024xf32, #tpu.memory_space<vmem>>, vector<16xf32>,
    %swap3A_14 = arith.constant 16 : index
    %swap3A_15 = tpu.vector_load %arg7[%swap3A_14] {strides = array<i32>} : memref<1024xf32, #tpu.memory_space<vmem>>, vector<16xf32>,
    tpu.vector_store %arg7[%swap3A_14], %broadcast_in_dim3A_10 {strides = array<i32>} : memref<1024xf32, #tpu.memory_space<vmem>>, vector<16xf32>,
    %swap3A_16 = arith.constant 16 : index
    %swap3A_17 = tpu.vector_load %arg8[%swap3A_16] {strides = array<i32>} : memref<1024xf32, #tpu.memory_space<vmem>>, vector<16xf32>,
    tpu.vector_store %arg8[%swap3A_16], %broadcast_in_dim3A_10 {strides = array<i32>} : memref<1024xf32, #tpu.memory_space<vmem>>, vector<16xf32>,
    %swap3A_18 = arith.constant 32 : index
    %swap3A_19 = tpu.vector_load %arg7[%swap3A_18] {strides = array<i32>} : memref<1024xf32, #tpu.memory_space<vmem>>, vector<16xf32>,
    tpu.vector_store %arg7[%swap3A_18], %broadcast_in_dim3A_10 {strides = array<i32>} : memref<1024xf32, #tpu.memory_space<vmem>>, vector<16xf32>,
    %swap3A_20 = arith.constant 32 : index
    %swap3A_21 = tpu.vector_load %arg8[%swap3A_20] {strides = array<i32>} : memref<1024xf32, #tpu.memory_space<vmem>>, vector<16xf32>,
    tpu.vector_store %arg8[%swap3A_20], %broadcast_in_dim3A_10 {strides = array<i32>} : memref<1024xf32, #tpu.memory_space<vmem>>, vector<16xf32>,
    %swap3A_22 = arith.constant 48 : index
    %swap3A_23 = tpu.vector_load %arg7[%swap3A_22] {strides = array<i32>} : memref<1024xf32, #tpu.memory_space<vmem>>, vector<16xf32>,
    tpu.vector_store %arg7[%swap3A_22], %broadcast_in_dim3A_10 {strides = array<i32>} : memref<1024xf32, #tpu.memory_space<vmem>>, vector<16xf32>,
    %swap3A_24 = arith.constant 48 : index
    %swap3A_25 = tpu.vector_load %arg8[%swap3A_24] {strides = array<i32>} : memref<1024xf32, #tpu.memory_space<vmem>>, vector<16xf32>,
    tpu.vector_store %arg8[%swap3A_24], %broadcast_in_dim3A_10 {strides = array<i32>} : memref<1024xf32, #tpu.memory_space<vmem>>, vector<16xf32>,
    %swap3A_26 = arith.constant 64 : index
    %swap3A_27 = tpu.vector_load %arg7[%swap3A_26] {strides = array<i32>} : memref<1024xf32, #tpu.memory_space<vmem>>, vector<16xf32>,
    tpu.vector_store %arg7[%swap3A_26], %broadcast_in_dim3A_10 {strides = array<i32>} : memref<1024xf32, #tpu.memory_space<vmem>>, vector<16xf32>,
    %swap3A_28 = arith.constant 64 : index
    %swap3A_29 = tpu.vector_load %arg8[%swap3A_28] {strides = array<i32>} : memref<1024xf32, #tpu.memory_space<vmem>>, vector<16xf32>,
    tpu.vector_store %arg8[%swap3A_28], %broadcast_in_dim3A_10 {strides = array<i32>} : memref<1024xf32, #tpu.memory_space<vmem>>, vector<16xf32>,
    %swap3A_30 = arith.constant 80 : index
    %swap3A_31 = tpu.vector_load %arg7[%swap3A_30] {strides = array<i32>} : memref<1024xf32, #tpu.memory_space<vmem>>, vector<16xf32>,
    tpu.vector_store %arg7[%swap3A_30], %broadcast_in_dim3A_10 {strides = array<i32>} : memref<1024xf32, #tpu.memory_space<vmem>>, vector<16xf32>,
    %swap3A_32 = arith.constant 80 : index
    %swap3A_33 = tpu.vector_load %arg8[%swap3A_32] {strides = array<i32>} : memref<1024xf32, #tpu.memory_space<vmem>>, vector<16xf32>,
    tpu.vector_store %arg8[%swap3A_32], %broadcast_in_dim3A_10 {strides = array<i32>} : memref<1024xf32, #tpu.memory_space<vmem>>, vector<16xf32>,
    %swap3A_34 = arith.constant 96 : index
    %swap3A_35 = tpu.vector_load %arg7[%swap3A_34] {strides = array<i32>} : memref<1024xf32, #tpu.memory_space<vmem>>, vector<16xf32>,
    tpu.vector_store %arg7[%swap3A_34], %broadcast_in_dim3A_10 {strides = array<i32>} : memref<1024xf32, #tpu.memory_space<vmem>>, vector<16xf32>,
    %swap3A_36 = arith.constant 96 : index
    %swap3A_37 = tpu.vector_load %arg8[%swap3A_36] {strides = array<i32>} : memref<1024xf32, #tpu.memory_space<vmem>>, vector<16xf32>,
    tpu.vector_store %arg8[%swap3A_36], %broadcast_in_dim3A_10 {strides = array<i32>} : memref<1024xf32, #tpu.memory_space<vmem>>, vector<16xf32>,
    %swap3A_38 = arith.constant 112 : index
    %swap3A_39 = tpu.vector_load %arg7[%swap3A_38] {strides = array<i32>} : memref<1024xf32, #tpu.memory_space<vmem>>, vector<16xf32>,
    tpu.vector_store %arg7[%swap3A_38], %broadcast_in_dim3A_10 {strides = array<i32>} : memref<1024xf32, #tpu.memory_space<vmem>>, vector<16xf32>,
    %swap3A_40 = arith.constant 112 : index
    %swap3A_41 = tpu.vector_load %arg8[%swap3A_40] {strides = array<i32>} : memref<1024xf32, #tpu.memory_space<vmem>>, vector<16xf32>,
    tpu.vector_store %arg8[%swap3A_40], %broadcast_in_dim3A_10 {strides = array<i32>} : memref<1024xf32, #tpu.memory_space<vmem>>, vector<16xf32>,
    %swap3A_42 = arith.constant 128 : index
    %swap3A_43 = tpu.vector_load %arg7[%swap3A_42] {strides = array<i32>} : memref<1024xf32, #tpu.memory_space<vmem>>, vector<16xf32>,
    tpu.vector_store %arg7[%swap3A_42], %broadcast_in_dim3A_10 {strides = array<i32>} : memref<1024xf32, #tpu.memory_space<vmem>>, vector<16xf32>,
    %swap3A_44 = arith.constant 128 : index
    %swap3A_45 = tpu.vector_load %arg8[%swap3A_44] {strides = array<i32>} : memref<1024xf32, #tpu.memory_space<vmem>>, vector<16xf32>,
    tpu.vector_store %arg8[%swap3A_44], %broadcast_in_dim3A_10 {strides = array<i32>} : memref<1024xf32, #tpu.memory_space<vmem>>, vector<16xf32>,
    %swap3A_46 = arith.constant 144 : index
    %swap3A_47 = tpu.vector_load %arg7[%swap3A_46] {strides = array<i32>} : memref<1024xf32, #tpu.memory_space<vmem>>, vector<16xf32>,
    tpu.vector_store %arg7[%swap3A_46], %broadcast_in_dim3A_10 {strides = array<i32>} : memref<1024xf32, #tpu.memory_space<vmem>>, vector<16xf32>,
    %swap3A_48 = arith.constant 144 : index
    %swap3A_49 = tpu.vector_load %arg8[%swap3A_48] {strides = array<i32>} : memref<1024xf32, #tpu.memory_space<vmem>>, vector<16xf32>,
    tpu.vector_store %arg8[%swap3A_48], %broadcast_in_dim3A_10 {strides = array<i32>} : memref<1024xf32, #tpu.memory_space<vmem>>, vector<16xf32>,
    %swap3A_50 = arith.constant 160 : index
    %swap3A_51 = tpu.vector_load %arg7[%swap3A_50] {strides = array<i32>} : memref<1024xf32, #tpu.memory_space<vmem>>, vector<16xf32>,
    tpu.vector_store %arg7[%swap3A_50], %broadcast_in_dim3A_10 {strides = array<i32>} : memref<1024xf32, #tpu.memory_space<vmem>>, vector<16xf32>,
    %swap3A_52 = arith.constant 160 : index
    %swap3A_53 = tpu.vector_load %arg8[%swap3A_52] {strides = array<i32>} : memref<1024xf32, #tpu.memory_space<vmem>>, vector<16xf32>,
    tpu.vector_store %arg8[%swap3A_52], %broadcast_in_dim3A_10 {strides = array<i32>} : memref<1024xf32, #tpu.memory_space<vmem>>, vector<16xf32>,
    %swap3A_54 = arith.constant 176 : index
    %swap3A_55 = tpu.vector_load %arg7[%swap3A_54] {strides = array<i32>} : memref<1024xf32, #tpu.memory_space<vmem>>, vector<16xf32>,
    tpu.vector_store %arg7[%swap3A_54], %broadcast_in_dim3A_10 {strides = array<i32>} : memref<1024xf32, #tpu.memory_space<vmem>>, vector<16xf32>,
    %swap3A_56 = arith.constant 176 : index
    %swap3A_57 = tpu.vector_load %arg8[%swap3A_56] {strides = array<i32>} : memref<1024xf32, #tpu.memory_space<vmem>>, vector<16xf32>,
    tpu.vector_store %arg8[%swap3A_56], %broadcast_in_dim3A_10 {strides = array<i32>} : memref<1024xf32, #tpu.memory_space<vmem>>, vector<16xf32>,
    %swap3A_58 = arith.constant 192 : index
    %swap3A_59 = tpu.vector_load %arg7[%swap3A_58] {strides = array<i32>} : memref<1024xf32, #tpu.memory_space<vmem>>, vector<16xf32>,
    tpu.vector_store %arg7[%swap3A_58], %broadcast_in_dim3A_10 {strides = array<i32>} : memref<1024xf32, #tpu.memory_space<vmem>>, vector<16xf32>,
    %swap3A_60 = arith.constant 192 : index
    %swap3A_61 = tpu.vector_load %arg8[%swap3A_60] {strides = array<i32>} : memref<1024xf32, #tpu.memory_space<vmem>>, vector<16xf32>,
    tpu.vector_store %arg8[%swap3A_60], %broadcast_in_dim3A_10 {strides = array<i32>} : memref<1024xf32, #tpu.memory_space<vmem>>, vector<16xf32>,
    %swap3A_62 = arith.constant 208 : index
    %swap3A_63 = tpu.vector_load %arg7[%swap3A_62] {strides = array<i32>} : memref<1024xf32, #tpu.memory_space<vmem>>, vector<16xf32>,
    tpu.vector_store %arg7[%swap3A_62], %broadcast_in_dim3A_10 {strides = array<i32>} : memref<1024xf32, #tpu.memory_space<vmem>>, vector<16xf32>,
    %swap3A_64 = arith.constant 208 : index
    %swap3A_65 = tpu.vector_load %arg8[%swap3A_64] {strides = array<i32>} : memref<1024xf32, #tpu.memory_space<vmem>>, vector<16xf32>,
    tpu.vector_store %arg8[%swap3A_64], %broadcast_in_dim3A_10 {strides = array<i32>} : memref<1024xf32, #tpu.memory_space<vmem>>, vector<16xf32>,
    %swap3A_66 = arith.constant 224 : index
    %swap3A_67 = tpu.vector_load %arg7[%swap3A_66] {strides = array<i32>} : memref<1024xf32, #tpu.memory_space<vmem>>, vector<16xf32>,
    tpu.vector_store %arg7[%swap3A_66], %broadcast_in_dim3A_10 {strides = array<i32>} : memref<1024xf32, #tpu.memory_space<vmem>>, vector<16xf32>,
    %swap3A_68 = arith.constant 224 : index
    %swap3A_69 = tpu.vector_load %arg8[%swap3A_68] {strides = array<i32>} : memref<1024xf32, #tpu.memory_space<vmem>>, vector<16xf32>,
    tpu.vector_store %arg8[%swap3A_68], %broadcast_in_dim3A_10 {strides = array<i32>} : memref<1024xf32, #tpu.memory_space<vmem>>, vector<16xf32>,
    %swap3A_70 = arith.constant 240 : index
    %swap3A_71 = tpu.vector_load %arg7[%swap3A_70] {strides = array<i32>} : memref<1024xf32, #tpu.memory_space<vmem>>, vector<16xf32>,
    tpu.vector_store %arg7[%swap3A_70], %broadcast_in_dim3A_10 {strides = array<i32>} : memref<1024xf32, #tpu.memory_space<vmem>>, vector<16xf32>,
    %swap3A_72 = arith.constant 240 : index
    %swap3A_73 = tpu.vector_load %arg8[%swap3A_72] {strides = array<i32>} : memref<1024xf32, #tpu.memory_space<vmem>>, vector<16xf32>,
    tpu.vector_store %arg8[%swap3A_72], %broadcast_in_dim3A_10 {strides = array<i32>} : memref<1024xf32, #tpu.memory_space<vmem>>, vector<16xf32>,
    %swap3A_74 = arith.constant 256 : index
    %swap3A_75 = tpu.vector_load %arg7[%swap3A_74] {strides = array<i32>} : memref<1024xf32, #tpu.memory_space<vmem>>, vector<16xf32>,
    tpu.vector_store %arg7[%swap3A_74], %broadcast_in_dim3A_10 {strides = array<i32>} : memref<1024xf32, #tpu.memory_space<vmem>>, vector<16xf32>,
    %swap3A_76 = arith.constant 256 : index
    %swap3A_77 = tpu.vector_load %arg8[%swap3A_76] {strides = array<i32>} : memref<1024xf32, #tpu.memory_space<vmem>>, vector<16xf32>,
    tpu.vector_store %arg8[%swap3A_76], %broadcast_in_dim3A_10 {strides = array<i32>} : memref<1024xf32, #tpu.memory_space<vmem>>, vector<16xf32>,
    %swap3A_78 = arith.constant 272 : index
    %swap3A_79 = tpu.vector_load %arg7[%swap3A_78] {strides = array<i32>} : memref<1024xf32, #tpu.memory_space<vmem>>, vector<16xf32>,
    tpu.vector_store %arg7[%swap3A_78], %broadcast_in_dim3A_10 {strides = array<i32>} : memref<1024xf32, #tpu.memory_space<vmem>>, vector<16xf32>,
    %swap3A_80 = arith.constant 272 : index
    %swap3A_81 = tpu.vector_load %arg8[%swap3A_80] {strides = array<i32>} : memref<1024xf32, #tpu.memory_space<vmem>>, vector<16xf32>,
    tpu.vector_store %arg8[%swap3A_80], %broadcast_in_dim3A_10 {strides = array<i32>} : memref<1024xf32, #tpu.memory_space<vmem>>, vector<16xf32>,
    %swap3A_82 = arith.constant 288 : index
    %swap3A_83 = tpu.vector_load %arg7[%swap3A_82] {strides = array<i32>} : memref<1024xf32, #tpu.memory_space<vmem>>, vector<16xf32>,
    tpu.vector_store %arg7[%swap3A_82], %broadcast_in_dim3A_10 {strides = array<i32>} : memref<1024xf32, #tpu.memory_space<vmem>>, vector<16xf32>,
    %swap3A_84 = arith.constant 288 : index
    %swap3A_85 = tpu.vector_load %arg8[%swap3A_84] {strides = array<i32>} : memref<1024xf32, #tpu.memory_space<vmem>>, vector<16xf32>,
    tpu.vector_store %arg8[%swap3A_84], %broadcast_in_dim3A_10 {strides = array<i32>} : memref<1024xf32, #tpu.memory_space<vmem>>, vector<16xf32>,
    %swap3A_86 = arith.constant 304 : index
    %swap3A_87 = tpu.vector_load %arg7[%swap3A_86] {strides = array<i32>} : memref<1024xf32, #tpu.memory_space<vmem>>, vector<16xf32>,
    tpu.vector_store %arg7[%swap3A_86], %broadcast_in_dim3A_10 {strides = array<i32>} : memref<1024xf32, #tpu.memory_space<vmem>>, vector<16xf32>,
    %swap3A_88 = arith.constant 304 : index
    %swap3A_89 = tpu.vector_load %arg8[%swap3A_88] {strides = array<i32>} : memref<1024xf32, #tpu.memory_space<vmem>>, vector<16xf32>,
    tpu.vector_store %arg8[%swap3A_88], %broadcast_in_dim3A_10 {strides = array<i32>} : memref<1024xf32, #tpu.memory_space<vmem>>, vector<16xf32>,
    %swap3A_90 = arith.constant 320 : index
    %swap3A_91 = tpu.vector_load %arg7[%swap3A_90] {strides = array<i32>} : memref<1024xf32, #tpu.memory_space<vmem>>, vector<16xf32>,
    tpu.vector_store %arg7[%swap3A_90], %broadcast_in_dim3A_10 {strides = array<i32>} : memref<1024xf32, #tpu.memory_space<vmem>>, vector<16xf32>,
    %swap3A_92 = arith.constant 320 : index
    %swap3A_93 = tpu.vector_load %arg8[%swap3A_92] {strides = array<i32>} : memref<1024xf32, #tpu.memory_space<vmem>>, vector<16xf32>,
    tpu.vector_store %arg8[%swap3A_92], %broadcast_in_dim3A_10 {strides = array<i32>} : memref<1024xf32, #tpu.memory_space<vmem>>, vector<16xf32>,
    %swap3A_94 = arith.constant 336 : index
    %swap3A_95 = tpu.vector_load %arg7[%swap3A_94] {strides = array<i32>} : memref<1024xf32, #tpu.memory_space<vmem>>, vector<16xf32>,
    tpu.vector_store %arg7[%swap3A_94], %broadcast_in_dim3A_10 {strides = array<i32>} : memref<1024xf32, #tpu.memory_space<vmem>>, vector<16xf32>,
    %swap3A_96 = arith.constant 336 : index
    %swap3A_97 = tpu.vector_load %arg8[%swap3A_96] {strides = array<i32>} : memref<1024xf32, #tpu.memory_space<vmem>>, vector<16xf32>,
    tpu.vector_store %arg8[%swap3A_96], %broadcast_in_dim3A_10 {strides = array<i32>} : memref<1024xf32, #tpu.memory_space<vmem>>, vector<16xf32>,
    %swap3A_98 = arith.constant 352 : index
    %swap3A_99 = tpu.vector_load %arg7[%swap3A_98] {strides = array<i32>} : memref<1024xf32, #tpu.memory_space<vmem>>, vector<16xf32>,
    tpu.vector_store %arg7[%swap3A_98], %broadcast_in_dim3A_10 {strides = array<i32>} : memref<1024xf32, #tpu.memory_space<vmem>>, vector<16xf32>,
    %swap3A_100 = arith.constant 352 : index
    %swap3A_101 = tpu.vector_load %arg8[%swap3A_100] {strides = array<i32>} : memref<1024xf32, #tpu.memory_space<vmem>>, vector<16xf32>,
    tpu.vector_store %arg8[%swap3A_100], %broadcast_in_dim3A_10 {strides = array<i32>} : memref<1024xf32, #tpu.memory_space<vmem>>, vector<16xf32>,
    %swap3A_102 = arith.constant 368 : index
    %swap3A_103 = tpu.vector_load %arg7[%swap3A_102] {strides = array<i32>} : memref<1024xf32, #tpu.memory_space<vmem>>, vector<16xf32>,
    tpu.vector_store %arg7[%swap3A_102], %broadcast_in_dim3A_10 {strides = array<i32>} : memref<1024xf32, #tpu.memory_space<vmem>>, vector<16xf32>,
    %swap3A_104 = arith.constant 368 : index
    %swap3A_105 = tpu.vector_load %arg8[%swap3A_104] {strides = array<i32>} : memref<1024xf32, #tpu.memory_space<vmem>>, vector<16xf32>,
    tpu.vector_store %arg8[%swap3A_104], %broadcast_in_dim3A_10 {strides = array<i32>} : memref<1024xf32, #tpu.memory_space<vmem>>, vector<16xf32>,
    %swap3A_106 = arith.constant 384 : index
    %swap3A_107 = tpu.vector_load %arg7[%swap3A_106] {strides = array<i32>} : memref<1024xf32, #tpu.memory_space<vmem>>, vector<16xf32>,
    tpu.vector_store %arg7[%swap3A_106], %broadcast_in_dim3A_10 {strides = array<i32>} : memref<1024xf32, #tpu.memory_space<vmem>>, vector<16xf32>,
    %swap3A_108 = arith.constant 384 : index
    %swap3A_109 = tpu.vector_load %arg8[%swap3A_108] {strides = array<i32>} : memref<1024xf32, #tpu.memory_space<vmem>>, vector<16xf32>,
    tpu.vector_store %arg8[%swap3A_108], %broadcast_in_dim3A_10 {strides = array<i32>} : memref<1024xf32, #tpu.memory_space<vmem>>, vector<16xf32>,
    %swap3A_110 = arith.constant 400 : index
    %swap3A_111 = tpu.vector_load %arg7[%swap3A_110] {strides = array<i32>} : memref<1024xf32, #tpu.memory_space<vmem>>, vector<16xf32>,
    tpu.vector_store %arg7[%swap3A_110], %broadcast_in_dim3A_10 {strides = array<i32>} : memref<1024xf32, #tpu.memory_space<vmem>>, vector<16xf32>,
    %swap3A_112 = arith.constant 400 : index
    %swap3A_113 = tpu.vector_load %arg8[%swap3A_112] {strides = array<i32>} : memref<1024xf32, #tpu.memory_space<vmem>>, vector<16xf32>,
    tpu.vector_store %arg8[%swap3A_112], %broadcast_in_dim3A_10 {strides = array<i32>} : memref<1024xf32, #tpu.memory_space<vmem>>, vector<16xf32>,
    %swap3A_114 = arith.constant 416 : index
    %swap3A_115 = tpu.vector_load %arg7[%swap3A_114] {strides = array<i32>} : memref<1024xf32, #tpu.memory_space<vmem>>, vector<16xf32>,
    tpu.vector_store %arg7[%swap3A_114], %broadcast_in_dim3A_10 {strides = array<i32>} : memref<1024xf32, #tpu.memory_space<vmem>>, vector<16xf32>,
    %swap3A_116 = arith.constant 416 : index
    %swap3A_117 = tpu.vector_load %arg8[%swap3A_116] {strides = array<i32>} : memref<1024xf32, #tpu.memory_space<vmem>>, vector<16xf32>,
    tpu.vector_store %arg8[%swap3A_116], %broadcast_in_dim3A_10 {strides = array<i32>} : memref<1024xf32, #tpu.memory_space<vmem>>, vector<16xf32>,
    %swap3A_118 = arith.constant 432 : index
    %swap3A_119 = tpu.vector_load %arg7[%swap3A_118] {strides = array<i32>} : memref<1024xf32, #tpu.memory_space<vmem>>, vector<16xf32>,
    tpu.vector_store %arg7[%swap3A_118], %broadcast_in_dim3A_10 {strides = array<i32>} : memref<1024xf32, #tpu.memory_space<vmem>>, vector<16xf32>,
    %swap3A_120 = arith.constant 432 : index
    %swap3A_121 = tpu.vector_load %arg8[%swap3A_120] {strides = array<i32>} : memref<1024xf32, #tpu.memory_space<vmem>>, vector<16xf32>,
    tpu.vector_store %arg8[%swap3A_120], %broadcast_in_dim3A_10 {strides = array<i32>} : memref<1024xf32, #tpu.memory_space<vmem>>, vector<16xf32>,
    %swap3A_122 = arith.constant 448 : index
    %swap3A_123 = tpu.vector_load %arg7[%swap3A_122] {strides = array<i32>} : memref<1024xf32, #tpu.memory_space<vmem>>, vector<16xf32>,
    tpu.vector_store %arg7[%swap3A_122], %broadcast_in_dim3A_10 {strides = array<i32>} : memref<1024xf32, #tpu.memory_space<vmem>>, vector<16xf32>,
    %swap3A_124 = arith.constant 448 : index
    %swap3A_125 = tpu.vector_load %arg8[%swap3A_124] {strides = array<i32>} : memref<1024xf32, #tpu.memory_space<vmem>>, vector<16xf32>,
    tpu.vector_store %arg8[%swap3A_124], %broadcast_in_dim3A_10 {strides = array<i32>} : memref<1024xf32, #tpu.memory_space<vmem>>, vector<16xf32>,
    %swap3A_126 = arith.constant 464 : index
    %swap3A_127 = tpu.vector_load %arg7[%swap3A_126] {strides = array<i32>} : memref<1024xf32, #tpu.memory_space<vmem>>, vector<16xf32>,
    tpu.vector_store %arg7[%swap3A_126], %broadcast_in_dim3A_10 {strides = array<i32>} : memref<1024xf32, #tpu.memory_space<vmem>>, vector<16xf32>,
    %swap3A_128 = arith.constant 464 : index
    %swap3A_129 = tpu.vector_load %arg8[%swap3A_128] {strides = array<i32>} : memref<1024xf32, #tpu.memory_space<vmem>>, vector<16xf32>,
    tpu.vector_store %arg8[%swap3A_128], %broadcast_in_dim3A_10 {strides = array<i32>} : memref<1024xf32, #tpu.memory_space<vmem>>, vector<16xf32>,
    %swap3A_130 = arith.constant 480 : index
    %swap3A_131 = tpu.vector_load %arg7[%swap3A_130] {strides = array<i32>} : memref<1024xf32, #tpu.memory_space<vmem>>, vector<16xf32>,
    tpu.vector_store %arg7[%swap3A_130], %broadcast_in_dim3A_10 {strides = array<i32>} : memref<1024xf32, #tpu.memory_space<vmem>>, vector<16xf32>,
    %swap3A_132 = arith.constant 480 : index
    %swap3A_133 = tpu.vector_load %arg8[%swap3A_132] {strides = array<i32>} : memref<1024xf32, #tpu.memory_space<vmem>>, vector<16xf32>,
    tpu.vector_store %arg8[%swap3A_132], %broadcast_in_dim3A_10 {strides = array<i32>} : memref<1024xf32, #tpu.memory_space<vmem>>, vector<16xf32>,
    %swap3A_134 = arith.constant 496 : index
    %swap3A_135 = tpu.vector_load %arg7[%swap3A_134] {strides = array<i32>} : memref<1024xf32, #tpu.memory_space<vmem>>, vector<16xf32>,
    tpu.vector_store %arg7[%swap3A_134], %broadcast_in_dim3A_10 {strides = array<i32>} : memref<1024xf32, #tpu.memory_space<vmem>>, vector<16xf32>,
    %swap3A_136 = arith.constant 496 : index
    %swap3A_137 = tpu.vector_load %arg8[%swap3A_136] {strides = array<i32>} : memref<1024xf32, #tpu.memory_space<vmem>>, vector<16xf32>,
    tpu.vector_store %arg8[%swap3A_136], %broadcast_in_dim3A_10 {strides = array<i32>} : memref<1024xf32, #tpu.memory_space<vmem>>, vector<16xf32>,
    %swap3A_138 = arith.constant 512 : index
    %swap3A_139 = tpu.vector_load %arg7[%swap3A_138] {strides = array<i32>} : memref<1024xf32, #tpu.memory_space<vmem>>, vector<16xf32>,
    tpu.vector_store %arg7[%swap3A_138], %broadcast_in_dim3A_10 {strides = array<i32>} : memref<1024xf32, #tpu.memory_space<vmem>>, vector<16xf32>,
    %swap3A_140 = arith.constant 512 : index
    %swap3A_141 = tpu.vector_load %arg8[%swap3A_140] {strides = array<i32>} : memref<1024xf32, #tpu.memory_space<vmem>>, vector<16xf32>,
    tpu.vector_store %arg8[%swap3A_140], %broadcast_in_dim3A_10 {strides = array<i32>} : memref<1024xf32, #tpu.memory_space<vmem>>, vector<16xf32>,
    %swap3A_142 = arith.constant 528 : index
    %swap3A_143 = tpu.vector_load %arg7[%swap3A_142] {strides = array<i32>} : memref<1024xf32, #tpu.memory_space<vmem>>, vector<16xf32>,
    tpu.vector_store %arg7[%swap3A_142], %broadcast_in_dim3A_10 {strides = array<i32>} : memref<1024xf32, #tpu.memory_space<vmem>>, vector<16xf32>,
    %swap3A_144 = arith.constant 528 : index
    %swap3A_145 = tpu.vector_load %arg8[%swap3A_144] {strides = array<i32>} : memref<1024xf32, #tpu.memory_space<vmem>>, vector<16xf32>,
    tpu.vector_store %arg8[%swap3A_144], %broadcast_in_dim3A_10 {strides = array<i32>} : memref<1024xf32, #tpu.memory_space<vmem>>, vector<16xf32>,
    %swap3A_146 = arith.constant 544 : index
    %swap3A_147 = tpu.vector_load %arg7[%swap3A_146] {strides = array<i32>} : memref<1024xf32, #tpu.memory_space<vmem>>, vector<16xf32>,
    tpu.vector_store %arg7[%swap3A_146], %broadcast_in_dim3A_10 {strides = array<i32>} : memref<1024xf32, #tpu.memory_space<vmem>>, vector<16xf32>,
    %swap3A_148 = arith.constant 544 : index
    %swap3A_149 = tpu.vector_load %arg8[%swap3A_148] {strides = array<i32>} : memref<1024xf32, #tpu.memory_space<vmem>>, vector<16xf32>,
    tpu.vector_store %arg8[%swap3A_148], %broadcast_in_dim3A_10 {strides = array<i32>} : memref<1024xf32, #tpu.memory_space<vmem>>, vector<16xf32>,
    %swap3A_150 = arith.constant 560 : index
    %swap3A_151 = tpu.vector_load %arg7[%swap3A_150] {strides = array<i32>} : memref<1024xf32, #tpu.memory_space<vmem>>, vector<16xf32>,
    tpu.vector_store %arg7[%swap3A_150], %broadcast_in_dim3A_10 {strides = array<i32>} : memref<1024xf32, #tpu.memory_space<vmem>>, vector<16xf32>,
    %swap3A_152 = arith.constant 560 : index
    %swap3A_153 = tpu.vector_load %arg8[%swap3A_152] {strides = array<i32>} : memref<1024xf32, #tpu.memory_space<vmem>>, vector<16xf32>,
    tpu.vector_store %arg8[%swap3A_152], %broadcast_in_dim3A_10 {strides = array<i32>} : memref<1024xf32, #tpu.memory_space<vmem>>, vector<16xf32>,
    %swap3A_154 = arith.constant 576 : index
    %swap3A_155 = tpu.vector_load %arg7[%swap3A_154] {strides = array<i32>} : memref<1024xf32, #tpu.memory_space<vmem>>, vector<16xf32>,
    tpu.vector_store %arg7[%swap3A_154], %broadcast_in_dim3A_10 {strides = array<i32>} : memref<1024xf32, #tpu.memory_space<vmem>>, vector<16xf32>,
    %swap3A_156 = arith.constant 576 : index
    %swap3A_157 = tpu.vector_load %arg8[%swap3A_156] {strides = array<i32>} : memref<1024xf32, #tpu.memory_space<vmem>>, vector<16xf32>,
    tpu.vector_store %arg8[%swap3A_156], %broadcast_in_dim3A_10 {strides = array<i32>} : memref<1024xf32, #tpu.memory_space<vmem>>, vector<16xf32>,
    %swap3A_158 = arith.constant 592 : index
    %swap3A_159 = tpu.vector_load %arg7[%swap3A_158] {strides = array<i32>} : memref<1024xf32, #tpu.memory_space<vmem>>, vector<16xf32>,
    tpu.vector_store %arg7[%swap3A_158], %broadcast_in_dim3A_10 {strides = array<i32>} : memref<1024xf32, #tpu.memory_space<vmem>>, vector<16xf32>,
    %swap3A_160 = arith.constant 592 : index
    %swap3A_161 = tpu.vector_load %arg8[%swap3A_160] {strides = array<i32>} : memref<1024xf32, #tpu.memory_space<vmem>>, vector<16xf32>,
    tpu.vector_store %arg8[%swap3A_160], %broadcast_in_dim3A_10 {strides = array<i32>} : memref<1024xf32, #tpu.memory_space<vmem>>, vector<16xf32>,
    %swap3A_162 = arith.constant 608 : index
    %swap3A_163 = tpu.vector_load %arg7[%swap3A_162] {strides = array<i32>} : memref<1024xf32, #tpu.memory_space<vmem>>, vector<16xf32>,
    tpu.vector_store %arg7[%swap3A_162], %broadcast_in_dim3A_10 {strides = array<i32>} : memref<1024xf32, #tpu.memory_space<vmem>>, vector<16xf32>,
    %swap3A_164 = arith.constant 608 : index
    %swap3A_165 = tpu.vector_load %arg8[%swap3A_164] {strides = array<i32>} : memref<1024xf32, #tpu.memory_space<vmem>>, vector<16xf32>,
    tpu.vector_store %arg8[%swap3A_164], %broadcast_in_dim3A_10 {strides = array<i32>} : memref<1024xf32, #tpu.memory_space<vmem>>, vector<16xf32>,
    %swap3A_166 = arith.constant 624 : index
    %swap3A_167 = tpu.vector_load %arg7[%swap3A_166] {strides = array<i32>} : memref<1024xf32, #tpu.memory_space<vmem>>, vector<16xf32>,
    tpu.vector_store %arg7[%swap3A_166], %broadcast_in_dim3A_10 {strides = array<i32>} : memref<1024xf32, #tpu.memory_space<vmem>>, vector<16xf32>,
    %swap3A_168 = arith.constant 624 : index
    %swap3A_169 = tpu.vector_load %arg8[%swap3A_168] {strides = array<i32>} : memref<1024xf32, #tpu.memory_space<vmem>>, vector<16xf32>,
    tpu.vector_store %arg8[%swap3A_168], %broadcast_in_dim3A_10 {strides = array<i32>} : memref<1024xf32, #tpu.memory_space<vmem>>, vector<16xf32>,
    %swap3A_170 = arith.constant 640 : index
    %swap3A_171 = tpu.vector_load %arg7[%swap3A_170] {strides = array<i32>} : memref<1024xf32, #tpu.memory_space<vmem>>, vector<16xf32>,
    tpu.vector_store %arg7[%swap3A_170], %broadcast_in_dim3A_10 {strides = array<i32>} : memref<1024xf32, #tpu.memory_space<vmem>>, vector<16xf32>,
    %swap3A_172 = arith.constant 640 : index
    %swap3A_173 = tpu.vector_load %arg8[%swap3A_172] {strides = array<i32>} : memref<1024xf32, #tpu.memory_space<vmem>>, vector<16xf32>,
    tpu.vector_store %arg8[%swap3A_172], %broadcast_in_dim3A_10 {strides = array<i32>} : memref<1024xf32, #tpu.memory_space<vmem>>, vector<16xf32>,
    %swap3A_174 = arith.constant 656 : index
    %swap3A_175 = tpu.vector_load %arg7[%swap3A_174] {strides = array<i32>} : memref<1024xf32, #tpu.memory_space<vmem>>, vector<16xf32>,
    tpu.vector_store %arg7[%swap3A_174], %broadcast_in_dim3A_10 {strides = array<i32>} : memref<1024xf32, #tpu.memory_space<vmem>>, vector<16xf32>,
    %swap3A_176 = arith.constant 656 : index
    %swap3A_177 = tpu.vector_load %arg8[%swap3A_176] {strides = array<i32>} : memref<1024xf32, #tpu.memory_space<vmem>>, vector<16xf32>,
    tpu.vector_store %arg8[%swap3A_176], %broadcast_in_dim3A_10 {strides = array<i32>} : memref<1024xf32, #tpu.memory_space<vmem>>, vector<16xf32>,
    %swap3A_178 = arith.constant 672 : index
    %swap3A_179 = tpu.vector_load %arg7[%swap3A_178] {strides = array<i32>} : memref<1024xf32, #tpu.memory_space<vmem>>, vector<16xf32>,
    tpu.vector_store %arg7[%swap3A_178], %broadcast_in_dim3A_10 {strides = array<i32>} : memref<1024xf32, #tpu.memory_space<vmem>>, vector<16xf32>,
    %swap3A_180 = arith.constant 672 : index
    %swap3A_181 = tpu.vector_load %arg8[%swap3A_180] {strides = array<i32>} : memref<1024xf32, #tpu.memory_space<vmem>>, vector<16xf32>,
    tpu.vector_store %arg8[%swap3A_180], %broadcast_in_dim3A_10 {strides = array<i32>} : memref<1024xf32, #tpu.memory_space<vmem>>, vector<16xf32>,
    %swap3A_182 = arith.constant 688 : index
    %swap3A_183 = tpu.vector_load %arg7[%swap3A_182] {strides = array<i32>} : memref<1024xf32, #tpu.memory_space<vmem>>, vector<16xf32>,
    tpu.vector_store %arg7[%swap3A_182], %broadcast_in_dim3A_10 {strides = array<i32>} : memref<1024xf32, #tpu.memory_space<vmem>>, vector<16xf32>,
    %swap3A_184 = arith.constant 688 : index
    %swap3A_185 = tpu.vector_load %arg8[%swap3A_184] {strides = array<i32>} : memref<1024xf32, #tpu.memory_space<vmem>>, vector<16xf32>,
    tpu.vector_store %arg8[%swap3A_184], %broadcast_in_dim3A_10 {strides = array<i32>} : memref<1024xf32, #tpu.memory_space<vmem>>, vector<16xf32>,
    %swap3A_186 = arith.constant 704 : index
    %swap3A_187 = tpu.vector_load %arg7[%swap3A_186] {strides = array<i32>} : memref<1024xf32, #tpu.memory_space<vmem>>, vector<16xf32>,
    tpu.vector_store %arg7[%swap3A_186], %broadcast_in_dim3A_10 {strides = array<i32>} : memref<1024xf32, #tpu.memory_space<vmem>>, vector<16xf32>,
    %swap3A_188 = arith.constant 704 : index
    %swap3A_189 = tpu.vector_load %arg8[%swap3A_188] {strides = array<i32>} : memref<1024xf32, #tpu.memory_space<vmem>>, vector<16xf32>,
    tpu.vector_store %arg8[%swap3A_188], %broadcast_in_dim3A_10 {strides = array<i32>} : memref<1024xf32, #tpu.memory_space<vmem>>, vector<16xf32>,
    %swap3A_190 = arith.constant 720 : index
    %swap3A_191 = tpu.vector_load %arg7[%swap3A_190] {strides = array<i32>} : memref<1024xf32, #tpu.memory_space<vmem>>, vector<16xf32>,
    tpu.vector_store %arg7[%swap3A_190], %broadcast_in_dim3A_10 {strides = array<i32>} : memref<1024xf32, #tpu.memory_space<vmem>>, vector<16xf32>,
    %swap3A_192 = arith.constant 720 : index
    %swap3A_193 = tpu.vector_load %arg8[%swap3A_192] {strides = array<i32>} : memref<1024xf32, #tpu.memory_space<vmem>>, vector<16xf32>,
    tpu.vector_store %arg8[%swap3A_192], %broadcast_in_dim3A_10 {strides = array<i32>} : memref<1024xf32, #tpu.memory_space<vmem>>, vector<16xf32>,
    %swap3A_194 = arith.constant 736 : index
    %swap3A_195 = tpu.vector_load %arg7[%swap3A_194] {strides = array<i32>} : memref<1024xf32, #tpu.memory_space<vmem>>, vector<16xf32>,
    tpu.vector_store %arg7[%swap3A_194], %broadcast_in_dim3A_10 {strides = array<i32>} : memref<1024xf32, #tpu.memory_space<vmem>>, vector<16xf32>,
    %swap3A_196 = arith.constant 736 : index
    %swap3A_197 = tpu.vector_load %arg8[%swap3A_196] {strides = array<i32>} : memref<1024xf32, #tpu.memory_space<vmem>>, vector<16xf32>,
    tpu.vector_store %arg8[%swap3A_196], %broadcast_in_dim3A_10 {strides = array<i32>} : memref<1024xf32, #tpu.memory_space<vmem>>, vector<16xf32>,
    %swap3A_198 = arith.constant 752 : index
    %swap3A_199 = tpu.vector_load %arg7[%swap3A_198] {strides = array<i32>} : memref<1024xf32, #tpu.memory_space<vmem>>, vector<16xf32>,
    tpu.vector_store %arg7[%swap3A_198], %broadcast_in_dim3A_10 {strides = array<i32>} : memref<1024xf32, #tpu.memory_space<vmem>>, vector<16xf32>,
    %swap3A_200 = arith.constant 752 : index
    %swap3A_201 = tpu.vector_load %arg8[%swap3A_200] {strides = array<i32>} : memref<1024xf32, #tpu.memory_space<vmem>>, vector<16xf32>,
    tpu.vector_store %arg8[%swap3A_200], %broadcast_in_dim3A_10 {strides = array<i32>} : memref<1024xf32, #tpu.memory_space<vmem>>, vector<16xf32>,
    %swap3A_202 = arith.constant 768 : index
    %swap3A_203 = tpu.vector_load %arg7[%swap3A_202] {strides = array<i32>} : memref<1024xf32, #tpu.memory_space<vmem>>, vector<16xf32>,
    tpu.vector_store %arg7[%swap3A_202], %broadcast_in_dim3A_10 {strides = array<i32>} : memref<1024xf32, #tpu.memory_space<vmem>>, vector<16xf32>,
    %swap3A_204 = arith.constant 768 : index
    %swap3A_205 = tpu.vector_load %arg8[%swap3A_204] {strides = array<i32>} : memref<1024xf32, #tpu.memory_space<vmem>>, vector<16xf32>,
    tpu.vector_store %arg8[%swap3A_204], %broadcast_in_dim3A_10 {strides = array<i32>} : memref<1024xf32, #tpu.memory_space<vmem>>, vector<16xf32>,
    %swap3A_206 = arith.constant 784 : index
    %swap3A_207 = tpu.vector_load %arg7[%swap3A_206] {strides = array<i32>} : memref<1024xf32, #tpu.memory_space<vmem>>, vector<16xf32>,
    tpu.vector_store %arg7[%swap3A_206], %broadcast_in_dim3A_10 {strides = array<i32>} : memref<1024xf32, #tpu.memory_space<vmem>>, vector<16xf32>,
    %swap3A_208 = arith.constant 784 : index
    %swap3A_209 = tpu.vector_load %arg8[%swap3A_208] {strides = array<i32>} : memref<1024xf32, #tpu.memory_space<vmem>>, vector<16xf32>,
    tpu.vector_store %arg8[%swap3A_208], %broadcast_in_dim3A_10 {strides = array<i32>} : memref<1024xf32, #tpu.memory_space<vmem>>, vector<16xf32>,
    %swap3A_210 = arith.constant 800 : index
    %swap3A_211 = tpu.vector_load %arg7[%swap3A_210] {strides = array<i32>} : memref<1024xf32, #tpu.memory_space<vmem>>, vector<16xf32>,
    tpu.vector_store %arg7[%swap3A_210], %broadcast_in_dim3A_10 {strides = array<i32>} : memref<1024xf32, #tpu.memory_space<vmem>>, vector<16xf32>,
    %swap3A_212 = arith.constant 800 : index
    %swap3A_213 = tpu.vector_load %arg8[%swap3A_212] {strides = array<i32>} : memref<1024xf32, #tpu.memory_space<vmem>>, vector<16xf32>,
    tpu.vector_store %arg8[%swap3A_212], %broadcast_in_dim3A_10 {strides = array<i32>} : memref<1024xf32, #tpu.memory_space<vmem>>, vector<16xf32>,
    %swap3A_214 = arith.constant 816 : index
    %swap3A_215 = tpu.vector_load %arg7[%swap3A_214] {strides = array<i32>} : memref<1024xf32, #tpu.memory_space<vmem>>, vector<16xf32>,
    tpu.vector_store %arg7[%swap3A_214], %broadcast_in_dim3A_10 {strides = array<i32>} : memref<1024xf32, #tpu.memory_space<vmem>>, vector<16xf32>,
    %swap3A_216 = arith.constant 816 : index
    %swap3A_217 = tpu.vector_load %arg8[%swap3A_216] {strides = array<i32>} : memref<1024xf32, #tpu.memory_space<vmem>>, vector<16xf32>,
    tpu.vector_store %arg8[%swap3A_216], %broadcast_in_dim3A_10 {strides = array<i32>} : memref<1024xf32, #tpu.memory_space<vmem>>, vector<16xf32>,
    %swap3A_218 = arith.constant 832 : index
    %swap3A_219 = tpu.vector_load %arg7[%swap3A_218] {strides = array<i32>} : memref<1024xf32, #tpu.memory_space<vmem>>, vector<16xf32>,
    tpu.vector_store %arg7[%swap3A_218], %broadcast_in_dim3A_10 {strides = array<i32>} : memref<1024xf32, #tpu.memory_space<vmem>>, vector<16xf32>,
    %swap3A_220 = arith.constant 832 : index
    %swap3A_221 = tpu.vector_load %arg8[%swap3A_220] {strides = array<i32>} : memref<1024xf32, #tpu.memory_space<vmem>>, vector<16xf32>,
    tpu.vector_store %arg8[%swap3A_220], %broadcast_in_dim3A_10 {strides = array<i32>} : memref<1024xf32, #tpu.memory_space<vmem>>, vector<16xf32>,
    %swap3A_222 = arith.constant 848 : index
    %swap3A_223 = tpu.vector_load %arg7[%swap3A_222] {strides = array<i32>} : memref<1024xf32, #tpu.memory_space<vmem>>, vector<16xf32>,
    tpu.vector_store %arg7[%swap3A_222], %broadcast_in_dim3A_10 {strides = array<i32>} : memref<1024xf32, #tpu.memory_space<vmem>>, vector<16xf32>,
    %swap3A_224 = arith.constant 848 : index
    %swap3A_225 = tpu.vector_load %arg8[%swap3A_224] {strides = array<i32>} : memref<1024xf32, #tpu.memory_space<vmem>>, vector<16xf32>,
    tpu.vector_store %arg8[%swap3A_224], %broadcast_in_dim3A_10 {strides = array<i32>} : memref<1024xf32, #tpu.memory_space<vmem>>, vector<16xf32>,
    %swap3A_226 = arith.constant 864 : index
    %swap3A_227 = tpu.vector_load %arg7[%swap3A_226] {strides = array<i32>} : memref<1024xf32, #tpu.memory_space<vmem>>, vector<16xf32>,
    tpu.vector_store %arg7[%swap3A_226], %broadcast_in_dim3A_10 {strides = array<i32>} : memref<1024xf32, #tpu.memory_space<vmem>>, vector<16xf32>,
    %swap3A_228 = arith.constant 864 : index
    %swap3A_229 = tpu.vector_load %arg8[%swap3A_228] {strides = array<i32>} : memref<1024xf32, #tpu.memory_space<vmem>>, vector<16xf32>,
    tpu.vector_store %arg8[%swap3A_228], %broadcast_in_dim3A_10 {strides = array<i32>} : memref<1024xf32, #tpu.memory_space<vmem>>, vector<16xf32>,
    %swap3A_230 = arith.constant 880 : index
    %swap3A_231 = tpu.vector_load %arg7[%swap3A_230] {strides = array<i32>} : memref<1024xf32, #tpu.memory_space<vmem>>, vector<16xf32>,
    tpu.vector_store %arg7[%swap3A_230], %broadcast_in_dim3A_10 {strides = array<i32>} : memref<1024xf32, #tpu.memory_space<vmem>>, vector<16xf32>,
    %swap3A_232 = arith.constant 880 : index
    %swap3A_233 = tpu.vector_load %arg8[%swap3A_232] {strides = array<i32>} : memref<1024xf32, #tpu.memory_space<vmem>>, vector<16xf32>,
    tpu.vector_store %arg8[%swap3A_232], %broadcast_in_dim3A_10 {strides = array<i32>} : memref<1024xf32, #tpu.memory_space<vmem>>, vector<16xf32>,
    %swap3A_234 = arith.constant 896 : index
    %swap3A_235 = tpu.vector_load %arg7[%swap3A_234] {strides = array<i32>} : memref<1024xf32, #tpu.memory_space<vmem>>, vector<16xf32>,
    tpu.vector_store %arg7[%swap3A_234], %broadcast_in_dim3A_10 {strides = array<i32>} : memref<1024xf32, #tpu.memory_space<vmem>>, vector<16xf32>,
    %swap3A_236 = arith.constant 896 : index
    %swap3A_237 = tpu.vector_load %arg8[%swap3A_236] {strides = array<i32>} : memref<1024xf32, #tpu.memory_space<vmem>>, vector<16xf32>,
    tpu.vector_store %arg8[%swap3A_236], %broadcast_in_dim3A_10 {strides = array<i32>} : memref<1024xf32, #tpu.memory_space<vmem>>, vector<16xf32>,
    %swap3A_238 = arith.constant 912 : index
    %swap3A_239 = tpu.vector_load %arg7[%swap3A_238] {strides = array<i32>} : memref<1024xf32, #tpu.memory_space<vmem>>, vector<16xf32>,
    tpu.vector_store %arg7[%swap3A_238], %broadcast_in_dim3A_10 {strides = array<i32>} : memref<1024xf32, #tpu.memory_space<vmem>>, vector<16xf32>,
    %swap3A_240 = arith.constant 912 : index
    %swap3A_241 = tpu.vector_load %arg8[%swap3A_240] {strides = array<i32>} : memref<1024xf32, #tpu.memory_space<vmem>>, vector<16xf32>,
    tpu.vector_store %arg8[%swap3A_240], %broadcast_in_dim3A_10 {strides = array<i32>} : memref<1024xf32, #tpu.memory_space<vmem>>, vector<16xf32>,
    %swap3A_242 = arith.constant 928 : index
    %swap3A_243 = tpu.vector_load %arg7[%swap3A_242] {strides = array<i32>} : memref<1024xf32, #tpu.memory_space<vmem>>, vector<16xf32>,
    tpu.vector_store %arg7[%swap3A_242], %broadcast_in_dim3A_10 {strides = array<i32>} : memref<1024xf32, #tpu.memory_space<vmem>>, vector<16xf32>,
    %swap3A_244 = arith.constant 928 : index
    %swap3A_245 = tpu.vector_load %arg8[%swap3A_244] {strides = array<i32>} : memref<1024xf32, #tpu.memory_space<vmem>>, vector<16xf32>,
    tpu.vector_store %arg8[%swap3A_244], %broadcast_in_dim3A_10 {strides = array<i32>} : memref<1024xf32, #tpu.memory_space<vmem>>, vector<16xf32>,
    %swap3A_246 = arith.constant 944 : index
    %swap3A_247 = tpu.vector_load %arg7[%swap3A_246] {strides = array<i32>} : memref<1024xf32, #tpu.memory_space<vmem>>, vector<16xf32>,
    tpu.vector_store %arg7[%swap3A_246], %broadcast_in_dim3A_10 {strides = array<i32>} : memref<1024xf32, #tpu.memory_space<vmem>>, vector<16xf32>,
    %swap3A_248 = arith.constant 944 : index
    %swap3A_249 = tpu.vector_load %arg8[%swap3A_248] {strides = array<i32>} : memref<1024xf32, #tpu.memory_space<vmem>>, vector<16xf32>,
    tpu.vector_store %arg8[%swap3A_248], %broadcast_in_dim3A_10 {strides = array<i32>} : memref<1024xf32, #tpu.memory_space<vmem>>, vector<16xf32>,
    %swap3A_250 = arith.constant 960 : index
    %swap3A_251 = tpu.vector_load %arg7[%swap3A_250] {strides = array<i32>} : memref<1024xf32, #tpu.memory_space<vmem>>, vector<16xf32>,
    tpu.vector_store %arg7[%swap3A_250], %broadcast_in_dim3A_10 {strides = array<i32>} : memref<1024xf32, #tpu.memory_space<vmem>>, vector<16xf32>,
    %swap3A_252 = arith.constant 960 : index
    %swap3A_253 = tpu.vector_load %arg8[%swap3A_252] {strides = array<i32>} : memref<1024xf32, #tpu.memory_space<vmem>>, vector<16xf32>,
    tpu.vector_store %arg8[%swap3A_252], %broadcast_in_dim3A_10 {strides = array<i32>} : memref<1024xf32, #tpu.memory_space<vmem>>, vector<16xf32>,
    %swap3A_254 = arith.constant 976 : index
    %swap3A_255 = tpu.vector_load %arg7[%swap3A_254] {strides = array<i32>} : memref<1024xf32, #tpu.memory_space<vmem>>, vector<16xf32>,
    tpu.vector_store %arg7[%swap3A_254], %broadcast_in_dim3A_10 {strides = array<i32>} : memref<1024xf32, #tpu.memory_space<vmem>>, vector<16xf32>,
    %swap3A_256 = arith.constant 976 : index
    %swap3A_257 = tpu.vector_load %arg8[%swap3A_256] {strides = array<i32>} : memref<1024xf32, #tpu.memory_space<vmem>>, vector<16xf32>,
    tpu.vector_store %arg8[%swap3A_256], %broadcast_in_dim3A_10 {strides = array<i32>} : memref<1024xf32, #tpu.memory_space<vmem>>, vector<16xf32>,
    %swap3A_258 = arith.constant 992 : index
    %swap3A_259 = tpu.vector_load %arg7[%swap3A_258] {strides = array<i32>} : memref<1024xf32, #tpu.memory_space<vmem>>, vector<16xf32>,
    tpu.vector_store %arg7[%swap3A_258], %broadcast_in_dim3A_10 {strides = array<i32>} : memref<1024xf32, #tpu.memory_space<vmem>>, vector<16xf32>,
    %swap3A_260 = arith.constant 992 : index
    %swap3A_261 = tpu.vector_load %arg8[%swap3A_260] {strides = array<i32>} : memref<1024xf32, #tpu.memory_space<vmem>>, vector<16xf32>,
    tpu.vector_store %arg8[%swap3A_260], %broadcast_in_dim3A_10 {strides = array<i32>} : memref<1024xf32, #tpu.memory_space<vmem>>, vector<16xf32>,
    %swap3A_262 = arith.constant 1008 : index
    %swap3A_263 = tpu.vector_load %arg7[%swap3A_262] {strides = array<i32>} : memref<1024xf32, #tpu.memory_space<vmem>>, vector<16xf32>,
    tpu.vector_store %arg7[%swap3A_262], %broadcast_in_dim3A_10 {strides = array<i32>} : memref<1024xf32, #tpu.memory_space<vmem>>, vector<16xf32>,
    %swap3A_264 = arith.constant 1008 : index
    %swap3A_265 = tpu.vector_load %arg8[%swap3A_264] {strides = array<i32>} : memref<1024xf32, #tpu.memory_space<vmem>>, vector<16xf32>,
    tpu.vector_store %arg8[%swap3A_264], %broadcast_in_dim3A_10 {strides = array<i32>} : memref<1024xf32, #tpu.memory_space<vmem>>, vector<16xf32>,
    %dma_wait3A = arith.constant 0 : i32
    %dma_wait3A_266 = tpu.memref_slice %arg2[%mul3A_2, %dma_wait3A] : memref<2048x256xf32, #tpu.memory_space<hbm>> -> memref<64x256xf32, #tpu.memory_space<hbm>>
    %dma_wait3A_267 = arith.constant 0 : i32
    %dma_wait3A_268 = tpu.memref_slice %arg2[%mul3A_2, %dma_wait3A_267] : memref<2048x256xf32, #tpu.memory_space<hbm>> -> memref<64x256xf32, #tpu.memory_space<hbm>>
    tpu.wait_dma2 semaphore(%arg10 : memref<!tpu.dma_semaphore, #tpu.memory_space<semaphore_mem>>) src(%dma_wait3A_268 : memref<64x256xf32, #tpu.memory_space<hbm>>) dst(%arg5 : memref<64x256xf32, #tpu.memory_space<vmem>>)
    %dma_wait3A_269 = arith.constant 0 : i32
    %dma_wait3A_270 = tpu.memref_slice %arg3[%mul3A_2, %dma_wait3A_269] : memref<2048x256xf32, #tpu.memory_space<hbm>> -> memref<64x256xf32, #tpu.memory_space<hbm>>
    %dma_wait3A_271 = arith.constant 0 : i32
    %dma_wait3A_272 = tpu.memref_slice %arg3[%mul3A_2, %dma_wait3A_271] : memref<2048x256xf32, #tpu.memory_space<hbm>> -> memref<64x256xf32, #tpu.memory_space<hbm>>
    tpu.wait_dma2 semaphore(%arg11 : memref<!tpu.dma_semaphore, #tpu.memory_space<semaphore_mem>>) src(%dma_wait3A_272 : memref<64x256xf32, #tpu.memory_space<hbm>>) dst(%arg6 : memref<64x256xf32, #tpu.memory_space<vmem>>)
    %broadcast_in_dim3A_273 = arith.constant 0.000000e+00 : f32
    %broadcast_in_dim3A_274 = vector.broadcast %broadcast_in_dim3A_273 : f32 to vector<16xf32>
    %scan3A = arith.constant 0 : i32
    %scan3A_275 = arith.constant 64 : i32
    %scan3A_276 = arith.addi %scan3A, %scan3A_275 : i32
    %scan3A_277 = arith.constant 1 : i32
    %scan3A_278 = scf.for %scan3A_282 = %scan3A to %scan3A_276 step %scan3A_277 iter_args(%scan3A_283 = %broadcast_in_dim3A_274) -> (vector<16xf32>)  : i32 {
      %get3A = arith.index_cast %scan3A_282 : i32 to index
      %get3A_284 = arith.constant 0 : index
      %get3A_285 = tpu.vector_load %arg5[%get3A, %get3A_284] {strides = array<i32>} : memref<64x256xf32, #tpu.memory_space<vmem>>, vector<16xf32>,
      %mul3A_286 = arith.constant 1.000000e+03 : f32
      %mul3A_287 = vector.broadcast %mul3A_286 : f32 to vector<16xf32>
      %mul3A_288 = arith.mulf %get3A_285, %mul3A_287 : vector<16xf32>
      %convert_element_type3A_289 = arith.fptosi %mul3A_288 : vector<16xf32> to vector<16xi32>
      %sub3A = arith.constant 1 : i32
      %sub3A_290 = vector.broadcast %sub3A : i32 to vector<16xi32>
      %sub3A_291 = arith.subi %convert_element_type3A_289, %sub3A_290 : vector<16xi32>
      %lt3A = arith.constant 0 : i32
      %lt3A_292 = vector.broadcast %lt3A : i32 to vector<16xi32>
      %lt3A_293 = arith.cmpi slt, %sub3A_291, %lt3A_292 : vector<16xi32>
      %jit3A = arith.constant 999 : i32
      %broadcast_in_dim3A_294 = vector.broadcast %jit3A : i32 to vector<16xi32>
      %select_n3A = arith.select %lt3A_293, %broadcast_in_dim3A_294, %sub3A_291 : vector<16xi1>, vector<16xi32>
      %ne3A = arith.constant 0.000000e+00 : f32
      %ne3A_295 = vector.broadcast %ne3A : f32 to vector<16xf32>
      %ne3A_296 = arith.cmpf one, %get3A_285, %ne3A_295 : vector<16xf32>
      %unique3A, %unique3A_297 = tpu.scan_count mask(%ne3A_296 : vector<16xi1>) value(%select_n3A : vector<16xi32>) : vector<16xi1>, vector<16xi32>
      %add3A_298 = arith.constant 0.000000e+00 : f32
      %add3A_299 = vector.broadcast %add3A_298 : f32 to vector<16xf32>
      %add3A_300 = arith.addf %add3A_299, %convert_element_type3A : vector<16xf32>
      tpu.vector_store_idx %arg7[%select_n3A], %add3A_300 masked %unique3A : memref<1024xf32, #tpu.memory_space<vmem>>[vector<16xi32>], vector<16xf32>, vector<16xi1>
      %get3A_301 = arith.index_cast %scan3A_282 : i32 to index
      %get3A_302 = arith.constant 16 : index
      %get3A_303 = tpu.vector_load %arg5[%get3A_301, %get3A_302] {strides = array<i32>} : memref<64x256xf32, #tpu.memory_space<vmem>>, vector<16xf32>,
      %mul3A_304 = arith.constant 1.000000e+03 : f32
      %mul3A_305 = vector.broadcast %mul3A_304 : f32 to vector<16xf32>
      %mul3A_306 = arith.mulf %get3A_303, %mul3A_305 : vector<16xf32>
      %convert_element_type3A_307 = arith.fptosi %mul3A_306 : vector<16xf32> to vector<16xi32>
      %sub3A_308 = arith.constant 1 : i32
      %sub3A_309 = vector.broadcast %sub3A_308 : i32 to vector<16xi32>
      %sub3A_310 = arith.subi %convert_element_type3A_307, %sub3A_309 : vector<16xi32>
      %lt3A_311 = arith.constant 0 : i32
      %lt3A_312 = vector.broadcast %lt3A_311 : i32 to vector<16xi32>
      %lt3A_313 = arith.cmpi slt, %sub3A_310, %lt3A_312 : vector<16xi32>
      %jit3A_314 = arith.constant 999 : i32
      %broadcast_in_dim3A_315 = vector.broadcast %jit3A_314 : i32 to vector<16xi32>
      %select_n3A_316 = arith.select %lt3A_313, %broadcast_in_dim3A_315, %sub3A_310 : vector<16xi1>, vector<16xi32>
      %ne3A_317 = arith.constant 0.000000e+00 : f32
      %ne3A_318 = vector.broadcast %ne3A_317 : f32 to vector<16xf32>
      %ne3A_319 = arith.cmpf one, %get3A_303, %ne3A_318 : vector<16xf32>
      %unique3A_320, %unique3A_321 = tpu.scan_count mask(%ne3A_319 : vector<16xi1>) value(%select_n3A_316 : vector<16xi32>) : vector<16xi1>, vector<16xi32>
      %add3A_322 = arith.constant 1.600000e+01 : f32
      %add3A_323 = vector.broadcast %add3A_322 : f32 to vector<16xf32>
      %add3A_324 = arith.addf %add3A_323, %convert_element_type3A : vector<16xf32>
      tpu.vector_store_idx %arg7[%select_n3A_316], %add3A_324 masked %unique3A_320 : memref<1024xf32, #tpu.memory_space<vmem>>[vector<16xi32>], vector<16xf32>, vector<16xi1>
      %get3A_325 = arith.index_cast %scan3A_282 : i32 to index
      %get3A_326 = arith.constant 32 : index
      %get3A_327 = tpu.vector_load %arg5[%get3A_325, %get3A_326] {strides = array<i32>} : memref<64x256xf32, #tpu.memory_space<vmem>>, vector<16xf32>,
      %mul3A_328 = arith.constant 1.000000e+03 : f32
      %mul3A_329 = vector.broadcast %mul3A_328 : f32 to vector<16xf32>
      %mul3A_330 = arith.mulf %get3A_327, %mul3A_329 : vector<16xf32>
      %convert_element_type3A_331 = arith.fptosi %mul3A_330 : vector<16xf32> to vector<16xi32>
      %sub3A_332 = arith.constant 1 : i32
      %sub3A_333 = vector.broadcast %sub3A_332 : i32 to vector<16xi32>
      %sub3A_334 = arith.subi %convert_element_type3A_331, %sub3A_333 : vector<16xi32>
      %lt3A_335 = arith.constant 0 : i32
      %lt3A_336 = vector.broadcast %lt3A_335 : i32 to vector<16xi32>
      %lt3A_337 = arith.cmpi slt, %sub3A_334, %lt3A_336 : vector<16xi32>
      %jit3A_338 = arith.constant 999 : i32
      %broadcast_in_dim3A_339 = vector.broadcast %jit3A_338 : i32 to vector<16xi32>
      %select_n3A_340 = arith.select %lt3A_337, %broadcast_in_dim3A_339, %sub3A_334 : vector<16xi1>, vector<16xi32>
      %ne3A_341 = arith.constant 0.000000e+00 : f32
      %ne3A_342 = vector.broadcast %ne3A_341 : f32 to vector<16xf32>
      %ne3A_343 = arith.cmpf one, %get3A_327, %ne3A_342 : vector<16xf32>
      %unique3A_344, %unique3A_345 = tpu.scan_count mask(%ne3A_343 : vector<16xi1>) value(%select_n3A_340 : vector<16xi32>) : vector<16xi1>, vector<16xi32>
      %add3A_346 = arith.constant 3.200000e+01 : f32
      %add3A_347 = vector.broadcast %add3A_346 : f32 to vector<16xf32>
      %add3A_348 = arith.addf %add3A_347, %convert_element_type3A : vector<16xf32>
      tpu.vector_store_idx %arg7[%select_n3A_340], %add3A_348 masked %unique3A_344 : memref<1024xf32, #tpu.memory_space<vmem>>[vector<16xi32>], vector<16xf32>, vector<16xi1>
      %get3A_349 = arith.index_cast %scan3A_282 : i32 to index
      %get3A_350 = arith.constant 48 : index
      %get3A_351 = tpu.vector_load %arg5[%get3A_349, %get3A_350] {strides = array<i32>} : memref<64x256xf32, #tpu.memory_space<vmem>>, vector<16xf32>,
      %mul3A_352 = arith.constant 1.000000e+03 : f32
      %mul3A_353 = vector.broadcast %mul3A_352 : f32 to vector<16xf32>
      %mul3A_354 = arith.mulf %get3A_351, %mul3A_353 : vector<16xf32>
      %convert_element_type3A_355 = arith.fptosi %mul3A_354 : vector<16xf32> to vector<16xi32>
      %sub3A_356 = arith.constant 1 : i32
      %sub3A_357 = vector.broadcast %sub3A_356 : i32 to vector<16xi32>
      %sub3A_358 = arith.subi %convert_element_type3A_355, %sub3A_357 : vector<16xi32>
      %lt3A_359 = arith.constant 0 : i32
      %lt3A_360 = vector.broadcast %lt3A_359 : i32 to vector<16xi32>
      %lt3A_361 = arith.cmpi slt, %sub3A_358, %lt3A_360 : vector<16xi32>
      %jit3A_362 = arith.constant 999 : i32
      %broadcast_in_dim3A_363 = vector.broadcast %jit3A_362 : i32 to vector<16xi32>
      %select_n3A_364 = arith.select %lt3A_361, %broadcast_in_dim3A_363, %sub3A_358 : vector<16xi1>, vector<16xi32>
      %ne3A_365 = arith.constant 0.000000e+00 : f32
      %ne3A_366 = vector.broadcast %ne3A_365 : f32 to vector<16xf32>
      %ne3A_367 = arith.cmpf one, %get3A_351, %ne3A_366 : vector<16xf32>
      %unique3A_368, %unique3A_369 = tpu.scan_count mask(%ne3A_367 : vector<16xi1>) value(%select_n3A_364 : vector<16xi32>) : vector<16xi1>, vector<16xi32>
      %add3A_370 = arith.constant 4.800000e+01 : f32
      %add3A_371 = vector.broadcast %add3A_370 : f32 to vector<16xf32>
      %add3A_372 = arith.addf %add3A_371, %convert_element_type3A : vector<16xf32>
      tpu.vector_store_idx %arg7[%select_n3A_364], %add3A_372 masked %unique3A_368 : memref<1024xf32, #tpu.memory_space<vmem>>[vector<16xi32>], vector<16xf32>, vector<16xi1>
      %get3A_373 = arith.index_cast %scan3A_282 : i32 to index
      %get3A_374 = arith.constant 64 : index
      %get3A_375 = tpu.vector_load %arg5[%get3A_373, %get3A_374] {strides = array<i32>} : memref<64x256xf32, #tpu.memory_space<vmem>>, vector<16xf32>,
      %mul3A_376 = arith.constant 1.000000e+03 : f32
      %mul3A_377 = vector.broadcast %mul3A_376 : f32 to vector<16xf32>
      %mul3A_378 = arith.mulf %get3A_375, %mul3A_377 : vector<16xf32>
      %convert_element_type3A_379 = arith.fptosi %mul3A_378 : vector<16xf32> to vector<16xi32>
      %sub3A_380 = arith.constant 1 : i32
      %sub3A_381 = vector.broadcast %sub3A_380 : i32 to vector<16xi32>
      %sub3A_382 = arith.subi %convert_element_type3A_379, %sub3A_381 : vector<16xi32>
      %lt3A_383 = arith.constant 0 : i32
      %lt3A_384 = vector.broadcast %lt3A_383 : i32 to vector<16xi32>
      %lt3A_385 = arith.cmpi slt, %sub3A_382, %lt3A_384 : vector<16xi32>
      %jit3A_386 = arith.constant 999 : i32
      %broadcast_in_dim3A_387 = vector.broadcast %jit3A_386 : i32 to vector<16xi32>
      %select_n3A_388 = arith.select %lt3A_385, %broadcast_in_dim3A_387, %sub3A_382 : vector<16xi1>, vector<16xi32>
      %ne3A_389 = arith.constant 0.000000e+00 : f32
      %ne3A_390 = vector.broadcast %ne3A_389 : f32 to vector<16xf32>
      %ne3A_391 = arith.cmpf one, %get3A_375, %ne3A_390 : vector<16xf32>
      %unique3A_392, %unique3A_393 = tpu.scan_count mask(%ne3A_391 : vector<16xi1>) value(%select_n3A_388 : vector<16xi32>) : vector<16xi1>, vector<16xi32>
      %add3A_394 = arith.constant 6.400000e+01 : f32
      %add3A_395 = vector.broadcast %add3A_394 : f32 to vector<16xf32>
      %add3A_396 = arith.addf %add3A_395, %convert_element_type3A : vector<16xf32>
      tpu.vector_store_idx %arg7[%select_n3A_388], %add3A_396 masked %unique3A_392 : memref<1024xf32, #tpu.memory_space<vmem>>[vector<16xi32>], vector<16xf32>, vector<16xi1>
      %get3A_397 = arith.index_cast %scan3A_282 : i32 to index
      %get3A_398 = arith.constant 80 : index
      %get3A_399 = tpu.vector_load %arg5[%get3A_397, %get3A_398] {strides = array<i32>} : memref<64x256xf32, #tpu.memory_space<vmem>>, vector<16xf32>,
      %mul3A_400 = arith.constant 1.000000e+03 : f32
      %mul3A_401 = vector.broadcast %mul3A_400 : f32 to vector<16xf32>
      %mul3A_402 = arith.mulf %get3A_399, %mul3A_401 : vector<16xf32>
      %convert_element_type3A_403 = arith.fptosi %mul3A_402 : vector<16xf32> to vector<16xi32>
      %sub3A_404 = arith.constant 1 : i32
      %sub3A_405 = vector.broadcast %sub3A_404 : i32 to vector<16xi32>
      %sub3A_406 = arith.subi %convert_element_type3A_403, %sub3A_405 : vector<16xi32>
      %lt3A_407 = arith.constant 0 : i32
      %lt3A_408 = vector.broadcast %lt3A_407 : i32 to vector<16xi32>
      %lt3A_409 = arith.cmpi slt, %sub3A_406, %lt3A_408 : vector<16xi32>
      %jit3A_410 = arith.constant 999 : i32
      %broadcast_in_dim3A_411 = vector.broadcast %jit3A_410 : i32 to vector<16xi32>
      %select_n3A_412 = arith.select %lt3A_409, %broadcast_in_dim3A_411, %sub3A_406 : vector<16xi1>, vector<16xi32>
      %ne3A_413 = arith.constant 0.000000e+00 : f32
      %ne3A_414 = vector.broadcast %ne3A_413 : f32 to vector<16xf32>
      %ne3A_415 = arith.cmpf one, %get3A_399, %ne3A_414 : vector<16xf32>
      %unique3A_416, %unique3A_417 = tpu.scan_count mask(%ne3A_415 : vector<16xi1>) value(%select_n3A_412 : vector<16xi32>) : vector<16xi1>, vector<16xi32>
      %add3A_418 = arith.constant 8.000000e+01 : f32
      %add3A_419 = vector.broadcast %add3A_418 : f32 to vector<16xf32>
      %add3A_420 = arith.addf %add3A_419, %convert_element_type3A : vector<16xf32>
      tpu.vector_store_idx %arg7[%select_n3A_412], %add3A_420 masked %unique3A_416 : memref<1024xf32, #tpu.memory_space<vmem>>[vector<16xi32>], vector<16xf32>, vector<16xi1>
      %get3A_421 = arith.index_cast %scan3A_282 : i32 to index
      %get3A_422 = arith.constant 96 : index
      %get3A_423 = tpu.vector_load %arg5[%get3A_421, %get3A_422] {strides = array<i32>} : memref<64x256xf32, #tpu.memory_space<vmem>>, vector<16xf32>,
      %mul3A_424 = arith.constant 1.000000e+03 : f32
      %mul3A_425 = vector.broadcast %mul3A_424 : f32 to vector<16xf32>
      %mul3A_426 = arith.mulf %get3A_423, %mul3A_425 : vector<16xf32>
      %convert_element_type3A_427 = arith.fptosi %mul3A_426 : vector<16xf32> to vector<16xi32>
      %sub3A_428 = arith.constant 1 : i32
      %sub3A_429 = vector.broadcast %sub3A_428 : i32 to vector<16xi32>
      %sub3A_430 = arith.subi %convert_element_type3A_427, %sub3A_429 : vector<16xi32>
      %lt3A_431 = arith.constant 0 : i32
      %lt3A_432 = vector.broadcast %lt3A_431 : i32 to vector<16xi32>
      %lt3A_433 = arith.cmpi slt, %sub3A_430, %lt3A_432 : vector<16xi32>
      %jit3A_434 = arith.constant 999 : i32
      %broadcast_in_dim3A_435 = vector.broadcast %jit3A_434 : i32 to vector<16xi32>
      %select_n3A_436 = arith.select %lt3A_433, %broadcast_in_dim3A_435, %sub3A_430 : vector<16xi1>, vector<16xi32>
      %ne3A_437 = arith.constant 0.000000e+00 : f32
      %ne3A_438 = vector.broadcast %ne3A_437 : f32 to vector<16xf32>
      %ne3A_439 = arith.cmpf one, %get3A_423, %ne3A_438 : vector<16xf32>
      %unique3A_440, %unique3A_441 = tpu.scan_count mask(%ne3A_439 : vector<16xi1>) value(%select_n3A_436 : vector<16xi32>) : vector<16xi1>, vector<16xi32>
      %add3A_442 = arith.constant 9.600000e+01 : f32
      %add3A_443 = vector.broadcast %add3A_442 : f32 to vector<16xf32>
      %add3A_444 = arith.addf %add3A_443, %convert_element_type3A : vector<16xf32>
      tpu.vector_store_idx %arg7[%select_n3A_436], %add3A_444 masked %unique3A_440 : memref<1024xf32, #tpu.memory_space<vmem>>[vector<16xi32>], vector<16xf32>, vector<16xi1>
      %get3A_445 = arith.index_cast %scan3A_282 : i32 to index
      %get3A_446 = arith.constant 112 : index
      %get3A_447 = tpu.vector_load %arg5[%get3A_445, %get3A_446] {strides = array<i32>} : memref<64x256xf32, #tpu.memory_space<vmem>>, vector<16xf32>,
      %mul3A_448 = arith.constant 1.000000e+03 : f32
      %mul3A_449 = vector.broadcast %mul3A_448 : f32 to vector<16xf32>
      %mul3A_450 = arith.mulf %get3A_447, %mul3A_449 : vector<16xf32>
      %convert_element_type3A_451 = arith.fptosi %mul3A_450 : vector<16xf32> to vector<16xi32>
      %sub3A_452 = arith.constant 1 : i32
      %sub3A_453 = vector.broadcast %sub3A_452 : i32 to vector<16xi32>
      %sub3A_454 = arith.subi %convert_element_type3A_451, %sub3A_453 : vector<16xi32>
      %lt3A_455 = arith.constant 0 : i32
      %lt3A_456 = vector.broadcast %lt3A_455 : i32 to vector<16xi32>
      %lt3A_457 = arith.cmpi slt, %sub3A_454, %lt3A_456 : vector<16xi32>
      %jit3A_458 = arith.constant 999 : i32
      %broadcast_in_dim3A_459 = vector.broadcast %jit3A_458 : i32 to vector<16xi32>
      %select_n3A_460 = arith.select %lt3A_457, %broadcast_in_dim3A_459, %sub3A_454 : vector<16xi1>, vector<16xi32>
      %ne3A_461 = arith.constant 0.000000e+00 : f32
      %ne3A_462 = vector.broadcast %ne3A_461 : f32 to vector<16xf32>
      %ne3A_463 = arith.cmpf one, %get3A_447, %ne3A_462 : vector<16xf32>
      %unique3A_464, %unique3A_465 = tpu.scan_count mask(%ne3A_463 : vector<16xi1>) value(%select_n3A_460 : vector<16xi32>) : vector<16xi1>, vector<16xi32>
      %add3A_466 = arith.constant 1.120000e+02 : f32
      %add3A_467 = vector.broadcast %add3A_466 : f32 to vector<16xf32>
      %add3A_468 = arith.addf %add3A_467, %convert_element_type3A : vector<16xf32>
      tpu.vector_store_idx %arg7[%select_n3A_460], %add3A_468 masked %unique3A_464 : memref<1024xf32, #tpu.memory_space<vmem>>[vector<16xi32>], vector<16xf32>, vector<16xi1>
      %get3A_469 = arith.index_cast %scan3A_282 : i32 to index
      %get3A_470 = arith.constant 128 : index
      %get3A_471 = tpu.vector_load %arg5[%get3A_469, %get3A_470] {strides = array<i32>} : memref<64x256xf32, #tpu.memory_space<vmem>>, vector<16xf32>,
      %mul3A_472 = arith.constant 1.000000e+03 : f32
      %mul3A_473 = vector.broadcast %mul3A_472 : f32 to vector<16xf32>
      %mul3A_474 = arith.mulf %get3A_471, %mul3A_473 : vector<16xf32>
      %convert_element_type3A_475 = arith.fptosi %mul3A_474 : vector<16xf32> to vector<16xi32>
      %sub3A_476 = arith.constant 1 : i32
      %sub3A_477 = vector.broadcast %sub3A_476 : i32 to vector<16xi32>
      %sub3A_478 = arith.subi %convert_element_type3A_475, %sub3A_477 : vector<16xi32>
      %lt3A_479 = arith.constant 0 : i32
      %lt3A_480 = vector.broadcast %lt3A_479 : i32 to vector<16xi32>
      %lt3A_481 = arith.cmpi slt, %sub3A_478, %lt3A_480 : vector<16xi32>
      %jit3A_482 = arith.constant 999 : i32
      %broadcast_in_dim3A_483 = vector.broadcast %jit3A_482 : i32 to vector<16xi32>
      %select_n3A_484 = arith.select %lt3A_481, %broadcast_in_dim3A_483, %sub3A_478 : vector<16xi1>, vector<16xi32>
      %ne3A_485 = arith.constant 0.000000e+00 : f32
      %ne3A_486 = vector.broadcast %ne3A_485 : f32 to vector<16xf32>
      %ne3A_487 = arith.cmpf one, %get3A_471, %ne3A_486 : vector<16xf32>
      %unique3A_488, %unique3A_489 = tpu.scan_count mask(%ne3A_487 : vector<16xi1>) value(%select_n3A_484 : vector<16xi32>) : vector<16xi1>, vector<16xi32>
      %add3A_490 = arith.constant 1.280000e+02 : f32
      %add3A_491 = vector.broadcast %add3A_490 : f32 to vector<16xf32>
      %add3A_492 = arith.addf %add3A_491, %convert_element_type3A : vector<16xf32>
      tpu.vector_store_idx %arg7[%select_n3A_484], %add3A_492 masked %unique3A_488 : memref<1024xf32, #tpu.memory_space<vmem>>[vector<16xi32>], vector<16xf32>, vector<16xi1>
      %get3A_493 = arith.index_cast %scan3A_282 : i32 to index
      %get3A_494 = arith.constant 144 : index
      %get3A_495 = tpu.vector_load %arg5[%get3A_493, %get3A_494] {strides = array<i32>} : memref<64x256xf32, #tpu.memory_space<vmem>>, vector<16xf32>,
      %mul3A_496 = arith.constant 1.000000e+03 : f32
      %mul3A_497 = vector.broadcast %mul3A_496 : f32 to vector<16xf32>
      %mul3A_498 = arith.mulf %get3A_495, %mul3A_497 : vector<16xf32>
      %convert_element_type3A_499 = arith.fptosi %mul3A_498 : vector<16xf32> to vector<16xi32>
      %sub3A_500 = arith.constant 1 : i32
      %sub3A_501 = vector.broadcast %sub3A_500 : i32 to vector<16xi32>
      %sub3A_502 = arith.subi %convert_element_type3A_499, %sub3A_501 : vector<16xi32>
      %lt3A_503 = arith.constant 0 : i32
      %lt3A_504 = vector.broadcast %lt3A_503 : i32 to vector<16xi32>
      %lt3A_505 = arith.cmpi slt, %sub3A_502, %lt3A_504 : vector<16xi32>
      %jit3A_506 = arith.constant 999 : i32
      %broadcast_in_dim3A_507 = vector.broadcast %jit3A_506 : i32 to vector<16xi32>
      %select_n3A_508 = arith.select %lt3A_505, %broadcast_in_dim3A_507, %sub3A_502 : vector<16xi1>, vector<16xi32>
      %ne3A_509 = arith.constant 0.000000e+00 : f32
      %ne3A_510 = vector.broadcast %ne3A_509 : f32 to vector<16xf32>
      %ne3A_511 = arith.cmpf one, %get3A_495, %ne3A_510 : vector<16xf32>
      %unique3A_512, %unique3A_513 = tpu.scan_count mask(%ne3A_511 : vector<16xi1>) value(%select_n3A_508 : vector<16xi32>) : vector<16xi1>, vector<16xi32>
      %add3A_514 = arith.constant 1.440000e+02 : f32
      %add3A_515 = vector.broadcast %add3A_514 : f32 to vector<16xf32>
      %add3A_516 = arith.addf %add3A_515, %convert_element_type3A : vector<16xf32>
      tpu.vector_store_idx %arg7[%select_n3A_508], %add3A_516 masked %unique3A_512 : memref<1024xf32, #tpu.memory_space<vmem>>[vector<16xi32>], vector<16xf32>, vector<16xi1>
      %get3A_517 = arith.index_cast %scan3A_282 : i32 to index
      %get3A_518 = arith.constant 160 : index
      %get3A_519 = tpu.vector_load %arg5[%get3A_517, %get3A_518] {strides = array<i32>} : memref<64x256xf32, #tpu.memory_space<vmem>>, vector<16xf32>,
      %mul3A_520 = arith.constant 1.000000e+03 : f32
      %mul3A_521 = vector.broadcast %mul3A_520 : f32 to vector<16xf32>
      %mul3A_522 = arith.mulf %get3A_519, %mul3A_521 : vector<16xf32>
      %convert_element_type3A_523 = arith.fptosi %mul3A_522 : vector<16xf32> to vector<16xi32>
      %sub3A_524 = arith.constant 1 : i32
      %sub3A_525 = vector.broadcast %sub3A_524 : i32 to vector<16xi32>
      %sub3A_526 = arith.subi %convert_element_type3A_523, %sub3A_525 : vector<16xi32>
      %lt3A_527 = arith.constant 0 : i32
      %lt3A_528 = vector.broadcast %lt3A_527 : i32 to vector<16xi32>
      %lt3A_529 = arith.cmpi slt, %sub3A_526, %lt3A_528 : vector<16xi32>
      %jit3A_530 = arith.constant 999 : i32
      %broadcast_in_dim3A_531 = vector.broadcast %jit3A_530 : i32 to vector<16xi32>
      %select_n3A_532 = arith.select %lt3A_529, %broadcast_in_dim3A_531, %sub3A_526 : vector<16xi1>, vector<16xi32>
      %ne3A_533 = arith.constant 0.000000e+00 : f32
      %ne3A_534 = vector.broadcast %ne3A_533 : f32 to vector<16xf32>
      %ne3A_535 = arith.cmpf one, %get3A_519, %ne3A_534 : vector<16xf32>
      %unique3A_536, %unique3A_537 = tpu.scan_count mask(%ne3A_535 : vector<16xi1>) value(%select_n3A_532 : vector<16xi32>) : vector<16xi1>, vector<16xi32>
      %add3A_538 = arith.constant 1.600000e+02 : f32
      %add3A_539 = vector.broadcast %add3A_538 : f32 to vector<16xf32>
      %add3A_540 = arith.addf %add3A_539, %convert_element_type3A : vector<16xf32>
      tpu.vector_store_idx %arg7[%select_n3A_532], %add3A_540 masked %unique3A_536 : memref<1024xf32, #tpu.memory_space<vmem>>[vector<16xi32>], vector<16xf32>, vector<16xi1>
      %get3A_541 = arith.index_cast %scan3A_282 : i32 to index
      %get3A_542 = arith.constant 176 : index
      %get3A_543 = tpu.vector_load %arg5[%get3A_541, %get3A_542] {strides = array<i32>} : memref<64x256xf32, #tpu.memory_space<vmem>>, vector<16xf32>,
      %mul3A_544 = arith.constant 1.000000e+03 : f32
      %mul3A_545 = vector.broadcast %mul3A_544 : f32 to vector<16xf32>
      %mul3A_546 = arith.mulf %get3A_543, %mul3A_545 : vector<16xf32>
      %convert_element_type3A_547 = arith.fptosi %mul3A_546 : vector<16xf32> to vector<16xi32>
      %sub3A_548 = arith.constant 1 : i32
      %sub3A_549 = vector.broadcast %sub3A_548 : i32 to vector<16xi32>
      %sub3A_550 = arith.subi %convert_element_type3A_547, %sub3A_549 : vector<16xi32>
      %lt3A_551 = arith.constant 0 : i32
      %lt3A_552 = vector.broadcast %lt3A_551 : i32 to vector<16xi32>
      %lt3A_553 = arith.cmpi slt, %sub3A_550, %lt3A_552 : vector<16xi32>
      %jit3A_554 = arith.constant 999 : i32
      %broadcast_in_dim3A_555 = vector.broadcast %jit3A_554 : i32 to vector<16xi32>
      %select_n3A_556 = arith.select %lt3A_553, %broadcast_in_dim3A_555, %sub3A_550 : vector<16xi1>, vector<16xi32>
      %ne3A_557 = arith.constant 0.000000e+00 : f32
      %ne3A_558 = vector.broadcast %ne3A_557 : f32 to vector<16xf32>
      %ne3A_559 = arith.cmpf one, %get3A_543, %ne3A_558 : vector<16xf32>
      %unique3A_560, %unique3A_561 = tpu.scan_count mask(%ne3A_559 : vector<16xi1>) value(%select_n3A_556 : vector<16xi32>) : vector<16xi1>, vector<16xi32>
      %add3A_562 = arith.constant 1.760000e+02 : f32
      %add3A_563 = vector.broadcast %add3A_562 : f32 to vector<16xf32>
      %add3A_564 = arith.addf %add3A_563, %convert_element_type3A : vector<16xf32>
      tpu.vector_store_idx %arg7[%select_n3A_556], %add3A_564 masked %unique3A_560 : memref<1024xf32, #tpu.memory_space<vmem>>[vector<16xi32>], vector<16xf32>, vector<16xi1>
      %get3A_565 = arith.index_cast %scan3A_282 : i32 to index
      %get3A_566 = arith.constant 192 : index
      %get3A_567 = tpu.vector_load %arg5[%get3A_565, %get3A_566] {strides = array<i32>} : memref<64x256xf32, #tpu.memory_space<vmem>>, vector<16xf32>,
      %mul3A_568 = arith.constant 1.000000e+03 : f32
      %mul3A_569 = vector.broadcast %mul3A_568 : f32 to vector<16xf32>
      %mul3A_570 = arith.mulf %get3A_567, %mul3A_569 : vector<16xf32>
      %convert_element_type3A_571 = arith.fptosi %mul3A_570 : vector<16xf32> to vector<16xi32>
      %sub3A_572 = arith.constant 1 : i32
      %sub3A_573 = vector.broadcast %sub3A_572 : i32 to vector<16xi32>
      %sub3A_574 = arith.subi %convert_element_type3A_571, %sub3A_573 : vector<16xi32>
      %lt3A_575 = arith.constant 0 : i32
      %lt3A_576 = vector.broadcast %lt3A_575 : i32 to vector<16xi32>
      %lt3A_577 = arith.cmpi slt, %sub3A_574, %lt3A_576 : vector<16xi32>
      %jit3A_578 = arith.constant 999 : i32
      %broadcast_in_dim3A_579 = vector.broadcast %jit3A_578 : i32 to vector<16xi32>
      %select_n3A_580 = arith.select %lt3A_577, %broadcast_in_dim3A_579, %sub3A_574 : vector<16xi1>, vector<16xi32>
      %ne3A_581 = arith.constant 0.000000e+00 : f32
      %ne3A_582 = vector.broadcast %ne3A_581 : f32 to vector<16xf32>
      %ne3A_583 = arith.cmpf one, %get3A_567, %ne3A_582 : vector<16xf32>
      %unique3A_584, %unique3A_585 = tpu.scan_count mask(%ne3A_583 : vector<16xi1>) value(%select_n3A_580 : vector<16xi32>) : vector<16xi1>, vector<16xi32>
      %add3A_586 = arith.constant 1.920000e+02 : f32
      %add3A_587 = vector.broadcast %add3A_586 : f32 to vector<16xf32>
      %add3A_588 = arith.addf %add3A_587, %convert_element_type3A : vector<16xf32>
      tpu.vector_store_idx %arg7[%select_n3A_580], %add3A_588 masked %unique3A_584 : memref<1024xf32, #tpu.memory_space<vmem>>[vector<16xi32>], vector<16xf32>, vector<16xi1>
      %get3A_589 = arith.index_cast %scan3A_282 : i32 to index
      %get3A_590 = arith.constant 208 : index
      %get3A_591 = tpu.vector_load %arg5[%get3A_589, %get3A_590] {strides = array<i32>} : memref<64x256xf32, #tpu.memory_space<vmem>>, vector<16xf32>,
      %mul3A_592 = arith.constant 1.000000e+03 : f32
      %mul3A_593 = vector.broadcast %mul3A_592 : f32 to vector<16xf32>
      %mul3A_594 = arith.mulf %get3A_591, %mul3A_593 : vector<16xf32>
      %convert_element_type3A_595 = arith.fptosi %mul3A_594 : vector<16xf32> to vector<16xi32>
      %sub3A_596 = arith.constant 1 : i32
      %sub3A_597 = vector.broadcast %sub3A_596 : i32 to vector<16xi32>
      %sub3A_598 = arith.subi %convert_element_type3A_595, %sub3A_597 : vector<16xi32>
      %lt3A_599 = arith.constant 0 : i32
      %lt3A_600 = vector.broadcast %lt3A_599 : i32 to vector<16xi32>
      %lt3A_601 = arith.cmpi slt, %sub3A_598, %lt3A_600 : vector<16xi32>
      %jit3A_602 = arith.constant 999 : i32
      %broadcast_in_dim3A_603 = vector.broadcast %jit3A_602 : i32 to vector<16xi32>
      %select_n3A_604 = arith.select %lt3A_601, %broadcast_in_dim3A_603, %sub3A_598 : vector<16xi1>, vector<16xi32>
      %ne3A_605 = arith.constant 0.000000e+00 : f32
      %ne3A_606 = vector.broadcast %ne3A_605 : f32 to vector<16xf32>
      %ne3A_607 = arith.cmpf one, %get3A_591, %ne3A_606 : vector<16xf32>
      %unique3A_608, %unique3A_609 = tpu.scan_count mask(%ne3A_607 : vector<16xi1>) value(%select_n3A_604 : vector<16xi32>) : vector<16xi1>, vector<16xi32>
      %add3A_610 = arith.constant 2.080000e+02 : f32
      %add3A_611 = vector.broadcast %add3A_610 : f32 to vector<16xf32>
      %add3A_612 = arith.addf %add3A_611, %convert_element_type3A : vector<16xf32>
      tpu.vector_store_idx %arg7[%select_n3A_604], %add3A_612 masked %unique3A_608 : memref<1024xf32, #tpu.memory_space<vmem>>[vector<16xi32>], vector<16xf32>, vector<16xi1>
      %get3A_613 = arith.index_cast %scan3A_282 : i32 to index
      %get3A_614 = arith.constant 224 : index
      %get3A_615 = tpu.vector_load %arg5[%get3A_613, %get3A_614] {strides = array<i32>} : memref<64x256xf32, #tpu.memory_space<vmem>>, vector<16xf32>,
      %mul3A_616 = arith.constant 1.000000e+03 : f32
      %mul3A_617 = vector.broadcast %mul3A_616 : f32 to vector<16xf32>
      %mul3A_618 = arith.mulf %get3A_615, %mul3A_617 : vector<16xf32>
      %convert_element_type3A_619 = arith.fptosi %mul3A_618 : vector<16xf32> to vector<16xi32>
      %sub3A_620 = arith.constant 1 : i32
      %sub3A_621 = vector.broadcast %sub3A_620 : i32 to vector<16xi32>
      %sub3A_622 = arith.subi %convert_element_type3A_619, %sub3A_621 : vector<16xi32>
      %lt3A_623 = arith.constant 0 : i32
      %lt3A_624 = vector.broadcast %lt3A_623 : i32 to vector<16xi32>
      %lt3A_625 = arith.cmpi slt, %sub3A_622, %lt3A_624 : vector<16xi32>
      %jit3A_626 = arith.constant 999 : i32
      %broadcast_in_dim3A_627 = vector.broadcast %jit3A_626 : i32 to vector<16xi32>
      %select_n3A_628 = arith.select %lt3A_625, %broadcast_in_dim3A_627, %sub3A_622 : vector<16xi1>, vector<16xi32>
      %ne3A_629 = arith.constant 0.000000e+00 : f32
      %ne3A_630 = vector.broadcast %ne3A_629 : f32 to vector<16xf32>
      %ne3A_631 = arith.cmpf one, %get3A_615, %ne3A_630 : vector<16xf32>
      %unique3A_632, %unique3A_633 = tpu.scan_count mask(%ne3A_631 : vector<16xi1>) value(%select_n3A_628 : vector<16xi32>) : vector<16xi1>, vector<16xi32>
      %add3A_634 = arith.constant 2.240000e+02 : f32
      %add3A_635 = vector.broadcast %add3A_634 : f32 to vector<16xf32>
      %add3A_636 = arith.addf %add3A_635, %convert_element_type3A : vector<16xf32>
      tpu.vector_store_idx %arg7[%select_n3A_628], %add3A_636 masked %unique3A_632 : memref<1024xf32, #tpu.memory_space<vmem>>[vector<16xi32>], vector<16xf32>, vector<16xi1>
      %get3A_637 = arith.index_cast %scan3A_282 : i32 to index
      %get3A_638 = arith.constant 240 : index
      %get3A_639 = tpu.vector_load %arg5[%get3A_637, %get3A_638] {strides = array<i32>} : memref<64x256xf32, #tpu.memory_space<vmem>>, vector<16xf32>,
      %mul3A_640 = arith.constant 1.000000e+03 : f32
      %mul3A_641 = vector.broadcast %mul3A_640 : f32 to vector<16xf32>
      %mul3A_642 = arith.mulf %get3A_639, %mul3A_641 : vector<16xf32>
      %convert_element_type3A_643 = arith.fptosi %mul3A_642 : vector<16xf32> to vector<16xi32>
      %sub3A_644 = arith.constant 1 : i32
      %sub3A_645 = vector.broadcast %sub3A_644 : i32 to vector<16xi32>
      %sub3A_646 = arith.subi %convert_element_type3A_643, %sub3A_645 : vector<16xi32>
      %lt3A_647 = arith.constant 0 : i32
      %lt3A_648 = vector.broadcast %lt3A_647 : i32 to vector<16xi32>
      %lt3A_649 = arith.cmpi slt, %sub3A_646, %lt3A_648 : vector<16xi32>
      %jit3A_650 = arith.constant 999 : i32
      %broadcast_in_dim3A_651 = vector.broadcast %jit3A_650 : i32 to vector<16xi32>
      %select_n3A_652 = arith.select %lt3A_649, %broadcast_in_dim3A_651, %sub3A_646 : vector<16xi1>, vector<16xi32>
      %ne3A_653 = arith.constant 0.000000e+00 : f32
      %ne3A_654 = vector.broadcast %ne3A_653 : f32 to vector<16xf32>
      %ne3A_655 = arith.cmpf one, %get3A_639, %ne3A_654 : vector<16xf32>
      %unique3A_656, %unique3A_657 = tpu.scan_count mask(%ne3A_655 : vector<16xi1>) value(%select_n3A_652 : vector<16xi32>) : vector<16xi1>, vector<16xi32>
      %add3A_658 = arith.constant 2.400000e+02 : f32
      %add3A_659 = vector.broadcast %add3A_658 : f32 to vector<16xf32>
      %add3A_660 = arith.addf %add3A_659, %convert_element_type3A : vector<16xf32>
      tpu.vector_store_idx %arg7[%select_n3A_652], %add3A_660 masked %unique3A_656 : memref<1024xf32, #tpu.memory_space<vmem>>[vector<16xi32>], vector<16xf32>, vector<16xi1>
      %get3A_661 = arith.index_cast %scan3A_282 : i32 to index
      %get3A_662 = arith.constant 0 : index
      %get3A_663 = tpu.vector_load %arg6[%get3A_661, %get3A_662] {strides = array<i32>} : memref<64x256xf32, #tpu.memory_space<vmem>>, vector<16xf32>,
      %mul3A_664 = arith.constant 1.000000e+03 : f32
      %mul3A_665 = vector.broadcast %mul3A_664 : f32 to vector<16xf32>
      %mul3A_666 = arith.mulf %get3A_663, %mul3A_665 : vector<16xf32>
      %convert_element_type3A_667 = arith.fptosi %mul3A_666 : vector<16xf32> to vector<16xi32>
      %sub3A_668 = arith.constant 1 : i32
      %sub3A_669 = vector.broadcast %sub3A_668 : i32 to vector<16xi32>
      %sub3A_670 = arith.subi %convert_element_type3A_667, %sub3A_669 : vector<16xi32>
      %lt3A_671 = arith.constant 0 : i32
      %lt3A_672 = vector.broadcast %lt3A_671 : i32 to vector<16xi32>
      %lt3A_673 = arith.cmpi slt, %sub3A_670, %lt3A_672 : vector<16xi32>
      %jit3A_674 = arith.constant 999 : i32
      %broadcast_in_dim3A_675 = vector.broadcast %jit3A_674 : i32 to vector<16xi32>
      %select_n3A_676 = arith.select %lt3A_673, %broadcast_in_dim3A_675, %sub3A_670 : vector<16xi1>, vector<16xi32>
      %ne3A_677 = arith.constant 0.000000e+00 : f32
      %ne3A_678 = vector.broadcast %ne3A_677 : f32 to vector<16xf32>
      %ne3A_679 = arith.cmpf one, %get3A_663, %ne3A_678 : vector<16xf32>
      %unique3A_680, %unique3A_681 = tpu.scan_count mask(%ne3A_679 : vector<16xi1>) value(%select_n3A_676 : vector<16xi32>) : vector<16xi1>, vector<16xi32>
      %add3A_682 = arith.constant 0.000000e+00 : f32
      %add3A_683 = vector.broadcast %add3A_682 : f32 to vector<16xf32>
      %add3A_684 = arith.addf %add3A_683, %convert_element_type3A : vector<16xf32>
      tpu.vector_store_idx %arg8[%select_n3A_676], %add3A_684 masked %unique3A_680 : memref<1024xf32, #tpu.memory_space<vmem>>[vector<16xi32>], vector<16xf32>, vector<16xi1>
      %get3A_685 = arith.index_cast %scan3A_282 : i32 to index
      %get3A_686 = arith.constant 16 : index
      %get3A_687 = tpu.vector_load %arg6[%get3A_685, %get3A_686] {strides = array<i32>} : memref<64x256xf32, #tpu.memory_space<vmem>>, vector<16xf32>,
      %mul3A_688 = arith.constant 1.000000e+03 : f32
      %mul3A_689 = vector.broadcast %mul3A_688 : f32 to vector<16xf32>
      %mul3A_690 = arith.mulf %get3A_687, %mul3A_689 : vector<16xf32>
      %convert_element_type3A_691 = arith.fptosi %mul3A_690 : vector<16xf32> to vector<16xi32>
      %sub3A_692 = arith.constant 1 : i32
      %sub3A_693 = vector.broadcast %sub3A_692 : i32 to vector<16xi32>
      %sub3A_694 = arith.subi %convert_element_type3A_691, %sub3A_693 : vector<16xi32>
      %lt3A_695 = arith.constant 0 : i32
      %lt3A_696 = vector.broadcast %lt3A_695 : i32 to vector<16xi32>
      %lt3A_697 = arith.cmpi slt, %sub3A_694, %lt3A_696 : vector<16xi32>
      %jit3A_698 = arith.constant 999 : i32
      %broadcast_in_dim3A_699 = vector.broadcast %jit3A_698 : i32 to vector<16xi32>
      %select_n3A_700 = arith.select %lt3A_697, %broadcast_in_dim3A_699, %sub3A_694 : vector<16xi1>, vector<16xi32>
      %ne3A_701 = arith.constant 0.000000e+00 : f32
      %ne3A_702 = vector.broadcast %ne3A_701 : f32 to vector<16xf32>
      %ne3A_703 = arith.cmpf one, %get3A_687, %ne3A_702 : vector<16xf32>
      %unique3A_704, %unique3A_705 = tpu.scan_count mask(%ne3A_703 : vector<16xi1>) value(%select_n3A_700 : vector<16xi32>) : vector<16xi1>, vector<16xi32>
      %add3A_706 = arith.constant 1.600000e+01 : f32
      %add3A_707 = vector.broadcast %add3A_706 : f32 to vector<16xf32>
      %add3A_708 = arith.addf %add3A_707, %convert_element_type3A : vector<16xf32>
      tpu.vector_store_idx %arg8[%select_n3A_700], %add3A_708 masked %unique3A_704 : memref<1024xf32, #tpu.memory_space<vmem>>[vector<16xi32>], vector<16xf32>, vector<16xi1>
      %get3A_709 = arith.index_cast %scan3A_282 : i32 to index
      %get3A_710 = arith.constant 32 : index
      %get3A_711 = tpu.vector_load %arg6[%get3A_709, %get3A_710] {strides = array<i32>} : memref<64x256xf32, #tpu.memory_space<vmem>>, vector<16xf32>,
      %mul3A_712 = arith.constant 1.000000e+03 : f32
      %mul3A_713 = vector.broadcast %mul3A_712 : f32 to vector<16xf32>
      %mul3A_714 = arith.mulf %get3A_711, %mul3A_713 : vector<16xf32>
      %convert_element_type3A_715 = arith.fptosi %mul3A_714 : vector<16xf32> to vector<16xi32>
      %sub3A_716 = arith.constant 1 : i32
      %sub3A_717 = vector.broadcast %sub3A_716 : i32 to vector<16xi32>
      %sub3A_718 = arith.subi %convert_element_type3A_715, %sub3A_717 : vector<16xi32>
      %lt3A_719 = arith.constant 0 : i32
      %lt3A_720 = vector.broadcast %lt3A_719 : i32 to vector<16xi32>
      %lt3A_721 = arith.cmpi slt, %sub3A_718, %lt3A_720 : vector<16xi32>
      %jit3A_722 = arith.constant 999 : i32
      %broadcast_in_dim3A_723 = vector.broadcast %jit3A_722 : i32 to vector<16xi32>
      %select_n3A_724 = arith.select %lt3A_721, %broadcast_in_dim3A_723, %sub3A_718 : vector<16xi1>, vector<16xi32>
      %ne3A_725 = arith.constant 0.000000e+00 : f32
      %ne3A_726 = vector.broadcast %ne3A_725 : f32 to vector<16xf32>
      %ne3A_727 = arith.cmpf one, %get3A_711, %ne3A_726 : vector<16xf32>
      %unique3A_728, %unique3A_729 = tpu.scan_count mask(%ne3A_727 : vector<16xi1>) value(%select_n3A_724 : vector<16xi32>) : vector<16xi1>, vector<16xi32>
      %add3A_730 = arith.constant 3.200000e+01 : f32
      %add3A_731 = vector.broadcast %add3A_730 : f32 to vector<16xf32>
      %add3A_732 = arith.addf %add3A_731, %convert_element_type3A : vector<16xf32>
      tpu.vector_store_idx %arg8[%select_n3A_724], %add3A_732 masked %unique3A_728 : memref<1024xf32, #tpu.memory_space<vmem>>[vector<16xi32>], vector<16xf32>, vector<16xi1>
      %get3A_733 = arith.index_cast %scan3A_282 : i32 to index
      %get3A_734 = arith.constant 48 : index
      %get3A_735 = tpu.vector_load %arg6[%get3A_733, %get3A_734] {strides = array<i32>} : memref<64x256xf32, #tpu.memory_space<vmem>>, vector<16xf32>,
      %mul3A_736 = arith.constant 1.000000e+03 : f32
      %mul3A_737 = vector.broadcast %mul3A_736 : f32 to vector<16xf32>
      %mul3A_738 = arith.mulf %get3A_735, %mul3A_737 : vector<16xf32>
      %convert_element_type3A_739 = arith.fptosi %mul3A_738 : vector<16xf32> to vector<16xi32>
      %sub3A_740 = arith.constant 1 : i32
      %sub3A_741 = vector.broadcast %sub3A_740 : i32 to vector<16xi32>
      %sub3A_742 = arith.subi %convert_element_type3A_739, %sub3A_741 : vector<16xi32>
      %lt3A_743 = arith.constant 0 : i32
      %lt3A_744 = vector.broadcast %lt3A_743 : i32 to vector<16xi32>
      %lt3A_745 = arith.cmpi slt, %sub3A_742, %lt3A_744 : vector<16xi32>
      %jit3A_746 = arith.constant 999 : i32
      %broadcast_in_dim3A_747 = vector.broadcast %jit3A_746 : i32 to vector<16xi32>
      %select_n3A_748 = arith.select %lt3A_745, %broadcast_in_dim3A_747, %sub3A_742 : vector<16xi1>, vector<16xi32>
      %ne3A_749 = arith.constant 0.000000e+00 : f32
      %ne3A_750 = vector.broadcast %ne3A_749 : f32 to vector<16xf32>
      %ne3A_751 = arith.cmpf one, %get3A_735, %ne3A_750 : vector<16xf32>
      %unique3A_752, %unique3A_753 = tpu.scan_count mask(%ne3A_751 : vector<16xi1>) value(%select_n3A_748 : vector<16xi32>) : vector<16xi1>, vector<16xi32>
      %add3A_754 = arith.constant 4.800000e+01 : f32
      %add3A_755 = vector.broadcast %add3A_754 : f32 to vector<16xf32>
      %add3A_756 = arith.addf %add3A_755, %convert_element_type3A : vector<16xf32>
      tpu.vector_store_idx %arg8[%select_n3A_748], %add3A_756 masked %unique3A_752 : memref<1024xf32, #tpu.memory_space<vmem>>[vector<16xi32>], vector<16xf32>, vector<16xi1>
      %get3A_757 = arith.index_cast %scan3A_282 : i32 to index
      %get3A_758 = arith.constant 64 : index
      %get3A_759 = tpu.vector_load %arg6[%get3A_757, %get3A_758] {strides = array<i32>} : memref<64x256xf32, #tpu.memory_space<vmem>>, vector<16xf32>,
      %mul3A_760 = arith.constant 1.000000e+03 : f32
      %mul3A_761 = vector.broadcast %mul3A_760 : f32 to vector<16xf32>
      %mul3A_762 = arith.mulf %get3A_759, %mul3A_761 : vector<16xf32>
      %convert_element_type3A_763 = arith.fptosi %mul3A_762 : vector<16xf32> to vector<16xi32>
      %sub3A_764 = arith.constant 1 : i32
      %sub3A_765 = vector.broadcast %sub3A_764 : i32 to vector<16xi32>
      %sub3A_766 = arith.subi %convert_element_type3A_763, %sub3A_765 : vector<16xi32>
      %lt3A_767 = arith.constant 0 : i32
      %lt3A_768 = vector.broadcast %lt3A_767 : i32 to vector<16xi32>
      %lt3A_769 = arith.cmpi slt, %sub3A_766, %lt3A_768 : vector<16xi32>
      %jit3A_770 = arith.constant 999 : i32
      %broadcast_in_dim3A_771 = vector.broadcast %jit3A_770 : i32 to vector<16xi32>
      %select_n3A_772 = arith.select %lt3A_769, %broadcast_in_dim3A_771, %sub3A_766 : vector<16xi1>, vector<16xi32>
      %ne3A_773 = arith.constant 0.000000e+00 : f32
      %ne3A_774 = vector.broadcast %ne3A_773 : f32 to vector<16xf32>
      %ne3A_775 = arith.cmpf one, %get3A_759, %ne3A_774 : vector<16xf32>
      %unique3A_776, %unique3A_777 = tpu.scan_count mask(%ne3A_775 : vector<16xi1>) value(%select_n3A_772 : vector<16xi32>) : vector<16xi1>, vector<16xi32>
      %add3A_778 = arith.constant 6.400000e+01 : f32
      %add3A_779 = vector.broadcast %add3A_778 : f32 to vector<16xf32>
      %add3A_780 = arith.addf %add3A_779, %convert_element_type3A : vector<16xf32>
      tpu.vector_store_idx %arg8[%select_n3A_772], %add3A_780 masked %unique3A_776 : memref<1024xf32, #tpu.memory_space<vmem>>[vector<16xi32>], vector<16xf32>, vector<16xi1>
      %get3A_781 = arith.index_cast %scan3A_282 : i32 to index
      %get3A_782 = arith.constant 80 : index
      %get3A_783 = tpu.vector_load %arg6[%get3A_781, %get3A_782] {strides = array<i32>} : memref<64x256xf32, #tpu.memory_space<vmem>>, vector<16xf32>,
      %mul3A_784 = arith.constant 1.000000e+03 : f32
      %mul3A_785 = vector.broadcast %mul3A_784 : f32 to vector<16xf32>
      %mul3A_786 = arith.mulf %get3A_783, %mul3A_785 : vector<16xf32>
      %convert_element_type3A_787 = arith.fptosi %mul3A_786 : vector<16xf32> to vector<16xi32>
      %sub3A_788 = arith.constant 1 : i32
      %sub3A_789 = vector.broadcast %sub3A_788 : i32 to vector<16xi32>
      %sub3A_790 = arith.subi %convert_element_type3A_787, %sub3A_789 : vector<16xi32>
      %lt3A_791 = arith.constant 0 : i32
      %lt3A_792 = vector.broadcast %lt3A_791 : i32 to vector<16xi32>
      %lt3A_793 = arith.cmpi slt, %sub3A_790, %lt3A_792 : vector<16xi32>
      %jit3A_794 = arith.constant 999 : i32
      %broadcast_in_dim3A_795 = vector.broadcast %jit3A_794 : i32 to vector<16xi32>
      %select_n3A_796 = arith.select %lt3A_793, %broadcast_in_dim3A_795, %sub3A_790 : vector<16xi1>, vector<16xi32>
      %ne3A_797 = arith.constant 0.000000e+00 : f32
      %ne3A_798 = vector.broadcast %ne3A_797 : f32 to vector<16xf32>
      %ne3A_799 = arith.cmpf one, %get3A_783, %ne3A_798 : vector<16xf32>
      %unique3A_800, %unique3A_801 = tpu.scan_count mask(%ne3A_799 : vector<16xi1>) value(%select_n3A_796 : vector<16xi32>) : vector<16xi1>, vector<16xi32>
      %add3A_802 = arith.constant 8.000000e+01 : f32
      %add3A_803 = vector.broadcast %add3A_802 : f32 to vector<16xf32>
      %add3A_804 = arith.addf %add3A_803, %convert_element_type3A : vector<16xf32>
      tpu.vector_store_idx %arg8[%select_n3A_796], %add3A_804 masked %unique3A_800 : memref<1024xf32, #tpu.memory_space<vmem>>[vector<16xi32>], vector<16xf32>, vector<16xi1>
      %get3A_805 = arith.index_cast %scan3A_282 : i32 to index
      %get3A_806 = arith.constant 96 : index
      %get3A_807 = tpu.vector_load %arg6[%get3A_805, %get3A_806] {strides = array<i32>} : memref<64x256xf32, #tpu.memory_space<vmem>>, vector<16xf32>,
      %mul3A_808 = arith.constant 1.000000e+03 : f32
      %mul3A_809 = vector.broadcast %mul3A_808 : f32 to vector<16xf32>
      %mul3A_810 = arith.mulf %get3A_807, %mul3A_809 : vector<16xf32>
      %convert_element_type3A_811 = arith.fptosi %mul3A_810 : vector<16xf32> to vector<16xi32>
      %sub3A_812 = arith.constant 1 : i32
      %sub3A_813 = vector.broadcast %sub3A_812 : i32 to vector<16xi32>
      %sub3A_814 = arith.subi %convert_element_type3A_811, %sub3A_813 : vector<16xi32>
      %lt3A_815 = arith.constant 0 : i32
      %lt3A_816 = vector.broadcast %lt3A_815 : i32 to vector<16xi32>
      %lt3A_817 = arith.cmpi slt, %sub3A_814, %lt3A_816 : vector<16xi32>
      %jit3A_818 = arith.constant 999 : i32
      %broadcast_in_dim3A_819 = vector.broadcast %jit3A_818 : i32 to vector<16xi32>
      %select_n3A_820 = arith.select %lt3A_817, %broadcast_in_dim3A_819, %sub3A_814 : vector<16xi1>, vector<16xi32>
      %ne3A_821 = arith.constant 0.000000e+00 : f32
      %ne3A_822 = vector.broadcast %ne3A_821 : f32 to vector<16xf32>
      %ne3A_823 = arith.cmpf one, %get3A_807, %ne3A_822 : vector<16xf32>
      %unique3A_824, %unique3A_825 = tpu.scan_count mask(%ne3A_823 : vector<16xi1>) value(%select_n3A_820 : vector<16xi32>) : vector<16xi1>, vector<16xi32>
      %add3A_826 = arith.constant 9.600000e+01 : f32
      %add3A_827 = vector.broadcast %add3A_826 : f32 to vector<16xf32>
      %add3A_828 = arith.addf %add3A_827, %convert_element_type3A : vector<16xf32>
      tpu.vector_store_idx %arg8[%select_n3A_820], %add3A_828 masked %unique3A_824 : memref<1024xf32, #tpu.memory_space<vmem>>[vector<16xi32>], vector<16xf32>, vector<16xi1>
      %get3A_829 = arith.index_cast %scan3A_282 : i32 to index
      %get3A_830 = arith.constant 112 : index
      %get3A_831 = tpu.vector_load %arg6[%get3A_829, %get3A_830] {strides = array<i32>} : memref<64x256xf32, #tpu.memory_space<vmem>>, vector<16xf32>,
      %mul3A_832 = arith.constant 1.000000e+03 : f32
      %mul3A_833 = vector.broadcast %mul3A_832 : f32 to vector<16xf32>
      %mul3A_834 = arith.mulf %get3A_831, %mul3A_833 : vector<16xf32>
      %convert_element_type3A_835 = arith.fptosi %mul3A_834 : vector<16xf32> to vector<16xi32>
      %sub3A_836 = arith.constant 1 : i32
      %sub3A_837 = vector.broadcast %sub3A_836 : i32 to vector<16xi32>
      %sub3A_838 = arith.subi %convert_element_type3A_835, %sub3A_837 : vector<16xi32>
      %lt3A_839 = arith.constant 0 : i32
      %lt3A_840 = vector.broadcast %lt3A_839 : i32 to vector<16xi32>
      %lt3A_841 = arith.cmpi slt, %sub3A_838, %lt3A_840 : vector<16xi32>
      %jit3A_842 = arith.constant 999 : i32
      %broadcast_in_dim3A_843 = vector.broadcast %jit3A_842 : i32 to vector<16xi32>
      %select_n3A_844 = arith.select %lt3A_841, %broadcast_in_dim3A_843, %sub3A_838 : vector<16xi1>, vector<16xi32>
      %ne3A_845 = arith.constant 0.000000e+00 : f32
      %ne3A_846 = vector.broadcast %ne3A_845 : f32 to vector<16xf32>
      %ne3A_847 = arith.cmpf one, %get3A_831, %ne3A_846 : vector<16xf32>
      %unique3A_848, %unique3A_849 = tpu.scan_count mask(%ne3A_847 : vector<16xi1>) value(%select_n3A_844 : vector<16xi32>) : vector<16xi1>, vector<16xi32>
      %add3A_850 = arith.constant 1.120000e+02 : f32
      %add3A_851 = vector.broadcast %add3A_850 : f32 to vector<16xf32>
      %add3A_852 = arith.addf %add3A_851, %convert_element_type3A : vector<16xf32>
      tpu.vector_store_idx %arg8[%select_n3A_844], %add3A_852 masked %unique3A_848 : memref<1024xf32, #tpu.memory_space<vmem>>[vector<16xi32>], vector<16xf32>, vector<16xi1>
      %get3A_853 = arith.index_cast %scan3A_282 : i32 to index
      %get3A_854 = arith.constant 128 : index
      %get3A_855 = tpu.vector_load %arg6[%get3A_853, %get3A_854] {strides = array<i32>} : memref<64x256xf32, #tpu.memory_space<vmem>>, vector<16xf32>,
      %mul3A_856 = arith.constant 1.000000e+03 : f32
      %mul3A_857 = vector.broadcast %mul3A_856 : f32 to vector<16xf32>
      %mul3A_858 = arith.mulf %get3A_855, %mul3A_857 : vector<16xf32>
      %convert_element_type3A_859 = arith.fptosi %mul3A_858 : vector<16xf32> to vector<16xi32>
      %sub3A_860 = arith.constant 1 : i32
      %sub3A_861 = vector.broadcast %sub3A_860 : i32 to vector<16xi32>
      %sub3A_862 = arith.subi %convert_element_type3A_859, %sub3A_861 : vector<16xi32>
      %lt3A_863 = arith.constant 0 : i32
      %lt3A_864 = vector.broadcast %lt3A_863 : i32 to vector<16xi32>
      %lt3A_865 = arith.cmpi slt, %sub3A_862, %lt3A_864 : vector<16xi32>
      %jit3A_866 = arith.constant 999 : i32
      %broadcast_in_dim3A_867 = vector.broadcast %jit3A_866 : i32 to vector<16xi32>
      %select_n3A_868 = arith.select %lt3A_865, %broadcast_in_dim3A_867, %sub3A_862 : vector<16xi1>, vector<16xi32>
      %ne3A_869 = arith.constant 0.000000e+00 : f32
      %ne3A_870 = vector.broadcast %ne3A_869 : f32 to vector<16xf32>
      %ne3A_871 = arith.cmpf one, %get3A_855, %ne3A_870 : vector<16xf32>
      %unique3A_872, %unique3A_873 = tpu.scan_count mask(%ne3A_871 : vector<16xi1>) value(%select_n3A_868 : vector<16xi32>) : vector<16xi1>, vector<16xi32>
      %add3A_874 = arith.constant 1.280000e+02 : f32
      %add3A_875 = vector.broadcast %add3A_874 : f32 to vector<16xf32>
      %add3A_876 = arith.addf %add3A_875, %convert_element_type3A : vector<16xf32>
      tpu.vector_store_idx %arg8[%select_n3A_868], %add3A_876 masked %unique3A_872 : memref<1024xf32, #tpu.memory_space<vmem>>[vector<16xi32>], vector<16xf32>, vector<16xi1>
      %get3A_877 = arith.index_cast %scan3A_282 : i32 to index
      %get3A_878 = arith.constant 144 : index
      %get3A_879 = tpu.vector_load %arg6[%get3A_877, %get3A_878] {strides = array<i32>} : memref<64x256xf32, #tpu.memory_space<vmem>>, vector<16xf32>,
      %mul3A_880 = arith.constant 1.000000e+03 : f32
      %mul3A_881 = vector.broadcast %mul3A_880 : f32 to vector<16xf32>
      %mul3A_882 = arith.mulf %get3A_879, %mul3A_881 : vector<16xf32>
      %convert_element_type3A_883 = arith.fptosi %mul3A_882 : vector<16xf32> to vector<16xi32>
      %sub3A_884 = arith.constant 1 : i32
      %sub3A_885 = vector.broadcast %sub3A_884 : i32 to vector<16xi32>
      %sub3A_886 = arith.subi %convert_element_type3A_883, %sub3A_885 : vector<16xi32>
      %lt3A_887 = arith.constant 0 : i32
      %lt3A_888 = vector.broadcast %lt3A_887 : i32 to vector<16xi32>
      %lt3A_889 = arith.cmpi slt, %sub3A_886, %lt3A_888 : vector<16xi32>
      %jit3A_890 = arith.constant 999 : i32
      %broadcast_in_dim3A_891 = vector.broadcast %jit3A_890 : i32 to vector<16xi32>
      %select_n3A_892 = arith.select %lt3A_889, %broadcast_in_dim3A_891, %sub3A_886 : vector<16xi1>, vector<16xi32>
      %ne3A_893 = arith.constant 0.000000e+00 : f32
      %ne3A_894 = vector.broadcast %ne3A_893 : f32 to vector<16xf32>
      %ne3A_895 = arith.cmpf one, %get3A_879, %ne3A_894 : vector<16xf32>
      %unique3A_896, %unique3A_897 = tpu.scan_count mask(%ne3A_895 : vector<16xi1>) value(%select_n3A_892 : vector<16xi32>) : vector<16xi1>, vector<16xi32>
      %add3A_898 = arith.constant 1.440000e+02 : f32
      %add3A_899 = vector.broadcast %add3A_898 : f32 to vector<16xf32>
      %add3A_900 = arith.addf %add3A_899, %convert_element_type3A : vector<16xf32>
      tpu.vector_store_idx %arg8[%select_n3A_892], %add3A_900 masked %unique3A_896 : memref<1024xf32, #tpu.memory_space<vmem>>[vector<16xi32>], vector<16xf32>, vector<16xi1>
      %get3A_901 = arith.index_cast %scan3A_282 : i32 to index
      %get3A_902 = arith.constant 160 : index
      %get3A_903 = tpu.vector_load %arg6[%get3A_901, %get3A_902] {strides = array<i32>} : memref<64x256xf32, #tpu.memory_space<vmem>>, vector<16xf32>,
      %mul3A_904 = arith.constant 1.000000e+03 : f32
      %mul3A_905 = vector.broadcast %mul3A_904 : f32 to vector<16xf32>
      %mul3A_906 = arith.mulf %get3A_903, %mul3A_905 : vector<16xf32>
      %convert_element_type3A_907 = arith.fptosi %mul3A_906 : vector<16xf32> to vector<16xi32>
      %sub3A_908 = arith.constant 1 : i32
      %sub3A_909 = vector.broadcast %sub3A_908 : i32 to vector<16xi32>
      %sub3A_910 = arith.subi %convert_element_type3A_907, %sub3A_909 : vector<16xi32>
      %lt3A_911 = arith.constant 0 : i32
      %lt3A_912 = vector.broadcast %lt3A_911 : i32 to vector<16xi32>
      %lt3A_913 = arith.cmpi slt, %sub3A_910, %lt3A_912 : vector<16xi32>
      %jit3A_914 = arith.constant 999 : i32
      %broadcast_in_dim3A_915 = vector.broadcast %jit3A_914 : i32 to vector<16xi32>
      %select_n3A_916 = arith.select %lt3A_913, %broadcast_in_dim3A_915, %sub3A_910 : vector<16xi1>, vector<16xi32>
      %ne3A_917 = arith.constant 0.000000e+00 : f32
      %ne3A_918 = vector.broadcast %ne3A_917 : f32 to vector<16xf32>
      %ne3A_919 = arith.cmpf one, %get3A_903, %ne3A_918 : vector<16xf32>
      %unique3A_920, %unique3A_921 = tpu.scan_count mask(%ne3A_919 : vector<16xi1>) value(%select_n3A_916 : vector<16xi32>) : vector<16xi1>, vector<16xi32>
      %add3A_922 = arith.constant 1.600000e+02 : f32
      %add3A_923 = vector.broadcast %add3A_922 : f32 to vector<16xf32>
      %add3A_924 = arith.addf %add3A_923, %convert_element_type3A : vector<16xf32>
      tpu.vector_store_idx %arg8[%select_n3A_916], %add3A_924 masked %unique3A_920 : memref<1024xf32, #tpu.memory_space<vmem>>[vector<16xi32>], vector<16xf32>, vector<16xi1>
      %get3A_925 = arith.index_cast %scan3A_282 : i32 to index
      %get3A_926 = arith.constant 176 : index
      %get3A_927 = tpu.vector_load %arg6[%get3A_925, %get3A_926] {strides = array<i32>} : memref<64x256xf32, #tpu.memory_space<vmem>>, vector<16xf32>,
      %mul3A_928 = arith.constant 1.000000e+03 : f32
      %mul3A_929 = vector.broadcast %mul3A_928 : f32 to vector<16xf32>
      %mul3A_930 = arith.mulf %get3A_927, %mul3A_929 : vector<16xf32>
      %convert_element_type3A_931 = arith.fptosi %mul3A_930 : vector<16xf32> to vector<16xi32>
      %sub3A_932 = arith.constant 1 : i32
      %sub3A_933 = vector.broadcast %sub3A_932 : i32 to vector<16xi32>
      %sub3A_934 = arith.subi %convert_element_type3A_931, %sub3A_933 : vector<16xi32>
      %lt3A_935 = arith.constant 0 : i32
      %lt3A_936 = vector.broadcast %lt3A_935 : i32 to vector<16xi32>
      %lt3A_937 = arith.cmpi slt, %sub3A_934, %lt3A_936 : vector<16xi32>
      %jit3A_938 = arith.constant 999 : i32
      %broadcast_in_dim3A_939 = vector.broadcast %jit3A_938 : i32 to vector<16xi32>
      %select_n3A_940 = arith.select %lt3A_937, %broadcast_in_dim3A_939, %sub3A_934 : vector<16xi1>, vector<16xi32>
      %ne3A_941 = arith.constant 0.000000e+00 : f32
      %ne3A_942 = vector.broadcast %ne3A_941 : f32 to vector<16xf32>
      %ne3A_943 = arith.cmpf one, %get3A_927, %ne3A_942 : vector<16xf32>
      %unique3A_944, %unique3A_945 = tpu.scan_count mask(%ne3A_943 : vector<16xi1>) value(%select_n3A_940 : vector<16xi32>) : vector<16xi1>, vector<16xi32>
      %add3A_946 = arith.constant 1.760000e+02 : f32
      %add3A_947 = vector.broadcast %add3A_946 : f32 to vector<16xf32>
      %add3A_948 = arith.addf %add3A_947, %convert_element_type3A : vector<16xf32>
      tpu.vector_store_idx %arg8[%select_n3A_940], %add3A_948 masked %unique3A_944 : memref<1024xf32, #tpu.memory_space<vmem>>[vector<16xi32>], vector<16xf32>, vector<16xi1>
      %get3A_949 = arith.index_cast %scan3A_282 : i32 to index
      %get3A_950 = arith.constant 192 : index
      %get3A_951 = tpu.vector_load %arg6[%get3A_949, %get3A_950] {strides = array<i32>} : memref<64x256xf32, #tpu.memory_space<vmem>>, vector<16xf32>,
      %mul3A_952 = arith.constant 1.000000e+03 : f32
      %mul3A_953 = vector.broadcast %mul3A_952 : f32 to vector<16xf32>
      %mul3A_954 = arith.mulf %get3A_951, %mul3A_953 : vector<16xf32>
      %convert_element_type3A_955 = arith.fptosi %mul3A_954 : vector<16xf32> to vector<16xi32>
      %sub3A_956 = arith.constant 1 : i32
      %sub3A_957 = vector.broadcast %sub3A_956 : i32 to vector<16xi32>
      %sub3A_958 = arith.subi %convert_element_type3A_955, %sub3A_957 : vector<16xi32>
      %lt3A_959 = arith.constant 0 : i32
      %lt3A_960 = vector.broadcast %lt3A_959 : i32 to vector<16xi32>
      %lt3A_961 = arith.cmpi slt, %sub3A_958, %lt3A_960 : vector<16xi32>
      %jit3A_962 = arith.constant 999 : i32
      %broadcast_in_dim3A_963 = vector.broadcast %jit3A_962 : i32 to vector<16xi32>
      %select_n3A_964 = arith.select %lt3A_961, %broadcast_in_dim3A_963, %sub3A_958 : vector<16xi1>, vector<16xi32>
      %ne3A_965 = arith.constant 0.000000e+00 : f32
      %ne3A_966 = vector.broadcast %ne3A_965 : f32 to vector<16xf32>
      %ne3A_967 = arith.cmpf one, %get3A_951, %ne3A_966 : vector<16xf32>
      %unique3A_968, %unique3A_969 = tpu.scan_count mask(%ne3A_967 : vector<16xi1>) value(%select_n3A_964 : vector<16xi32>) : vector<16xi1>, vector<16xi32>
      %add3A_970 = arith.constant 1.920000e+02 : f32
      %add3A_971 = vector.broadcast %add3A_970 : f32 to vector<16xf32>
      %add3A_972 = arith.addf %add3A_971, %convert_element_type3A : vector<16xf32>
      tpu.vector_store_idx %arg8[%select_n3A_964], %add3A_972 masked %unique3A_968 : memref<1024xf32, #tpu.memory_space<vmem>>[vector<16xi32>], vector<16xf32>, vector<16xi1>
      %get3A_973 = arith.index_cast %scan3A_282 : i32 to index
      %get3A_974 = arith.constant 208 : index
      %get3A_975 = tpu.vector_load %arg6[%get3A_973, %get3A_974] {strides = array<i32>} : memref<64x256xf32, #tpu.memory_space<vmem>>, vector<16xf32>,
      %mul3A_976 = arith.constant 1.000000e+03 : f32
      %mul3A_977 = vector.broadcast %mul3A_976 : f32 to vector<16xf32>
      %mul3A_978 = arith.mulf %get3A_975, %mul3A_977 : vector<16xf32>
      %convert_element_type3A_979 = arith.fptosi %mul3A_978 : vector<16xf32> to vector<16xi32>
      %sub3A_980 = arith.constant 1 : i32
      %sub3A_981 = vector.broadcast %sub3A_980 : i32 to vector<16xi32>
      %sub3A_982 = arith.subi %convert_element_type3A_979, %sub3A_981 : vector<16xi32>
      %lt3A_983 = arith.constant 0 : i32
      %lt3A_984 = vector.broadcast %lt3A_983 : i32 to vector<16xi32>
      %lt3A_985 = arith.cmpi slt, %sub3A_982, %lt3A_984 : vector<16xi32>
      %jit3A_986 = arith.constant 999 : i32
      %broadcast_in_dim3A_987 = vector.broadcast %jit3A_986 : i32 to vector<16xi32>
      %select_n3A_988 = arith.select %lt3A_985, %broadcast_in_dim3A_987, %sub3A_982 : vector<16xi1>, vector<16xi32>
      %ne3A_989 = arith.constant 0.000000e+00 : f32
      %ne3A_990 = vector.broadcast %ne3A_989 : f32 to vector<16xf32>
      %ne3A_991 = arith.cmpf one, %get3A_975, %ne3A_990 : vector<16xf32>
      %unique3A_992, %unique3A_993 = tpu.scan_count mask(%ne3A_991 : vector<16xi1>) value(%select_n3A_988 : vector<16xi32>) : vector<16xi1>, vector<16xi32>
      %add3A_994 = arith.constant 2.080000e+02 : f32
      %add3A_995 = vector.broadcast %add3A_994 : f32 to vector<16xf32>
      %add3A_996 = arith.addf %add3A_995, %convert_element_type3A : vector<16xf32>
      tpu.vector_store_idx %arg8[%select_n3A_988], %add3A_996 masked %unique3A_992 : memref<1024xf32, #tpu.memory_space<vmem>>[vector<16xi32>], vector<16xf32>, vector<16xi1>
      %get3A_997 = arith.index_cast %scan3A_282 : i32 to index
      %get3A_998 = arith.constant 224 : index
      %get3A_999 = tpu.vector_load %arg6[%get3A_997, %get3A_998] {strides = array<i32>} : memref<64x256xf32, #tpu.memory_space<vmem>>, vector<16xf32>,
      %mul3A_1000 = arith.constant 1.000000e+03 : f32
      %mul3A_1001 = vector.broadcast %mul3A_1000 : f32 to vector<16xf32>
      %mul3A_1002 = arith.mulf %get3A_999, %mul3A_1001 : vector<16xf32>
      %convert_element_type3A_1003 = arith.fptosi %mul3A_1002 : vector<16xf32> to vector<16xi32>
      %sub3A_1004 = arith.constant 1 : i32
      %sub3A_1005 = vector.broadcast %sub3A_1004 : i32 to vector<16xi32>
      %sub3A_1006 = arith.subi %convert_element_type3A_1003, %sub3A_1005 : vector<16xi32>
      %lt3A_1007 = arith.constant 0 : i32
      %lt3A_1008 = vector.broadcast %lt3A_1007 : i32 to vector<16xi32>
      %lt3A_1009 = arith.cmpi slt, %sub3A_1006, %lt3A_1008 : vector<16xi32>
      %jit3A_1010 = arith.constant 999 : i32
      %broadcast_in_dim3A_1011 = vector.broadcast %jit3A_1010 : i32 to vector<16xi32>
      %select_n3A_1012 = arith.select %lt3A_1009, %broadcast_in_dim3A_1011, %sub3A_1006 : vector<16xi1>, vector<16xi32>
      %ne3A_1013 = arith.constant 0.000000e+00 : f32
      %ne3A_1014 = vector.broadcast %ne3A_1013 : f32 to vector<16xf32>
      %ne3A_1015 = arith.cmpf one, %get3A_999, %ne3A_1014 : vector<16xf32>
      %unique3A_1016, %unique3A_1017 = tpu.scan_count mask(%ne3A_1015 : vector<16xi1>) value(%select_n3A_1012 : vector<16xi32>) : vector<16xi1>, vector<16xi32>
      %add3A_1018 = arith.constant 2.240000e+02 : f32
      %add3A_1019 = vector.broadcast %add3A_1018 : f32 to vector<16xf32>
      %add3A_1020 = arith.addf %add3A_1019, %convert_element_type3A : vector<16xf32>
      tpu.vector_store_idx %arg8[%select_n3A_1012], %add3A_1020 masked %unique3A_1016 : memref<1024xf32, #tpu.memory_space<vmem>>[vector<16xi32>], vector<16xf32>, vector<16xi1>
      %get3A_1021 = arith.index_cast %scan3A_282 : i32 to index
      %get3A_1022 = arith.constant 240 : index
      %get3A_1023 = tpu.vector_load %arg6[%get3A_1021, %get3A_1022] {strides = array<i32>} : memref<64x256xf32, #tpu.memory_space<vmem>>, vector<16xf32>,
      %mul3A_1024 = arith.constant 1.000000e+03 : f32
      %mul3A_1025 = vector.broadcast %mul3A_1024 : f32 to vector<16xf32>
      %mul3A_1026 = arith.mulf %get3A_1023, %mul3A_1025 : vector<16xf32>
      %convert_element_type3A_1027 = arith.fptosi %mul3A_1026 : vector<16xf32> to vector<16xi32>
      %sub3A_1028 = arith.constant 1 : i32
      %sub3A_1029 = vector.broadcast %sub3A_1028 : i32 to vector<16xi32>
      %sub3A_1030 = arith.subi %convert_element_type3A_1027, %sub3A_1029 : vector<16xi32>
      %lt3A_1031 = arith.constant 0 : i32
      %lt3A_1032 = vector.broadcast %lt3A_1031 : i32 to vector<16xi32>
      %lt3A_1033 = arith.cmpi slt, %sub3A_1030, %lt3A_1032 : vector<16xi32>
      %jit3A_1034 = arith.constant 999 : i32
      %broadcast_in_dim3A_1035 = vector.broadcast %jit3A_1034 : i32 to vector<16xi32>
      %select_n3A_1036 = arith.select %lt3A_1033, %broadcast_in_dim3A_1035, %sub3A_1030 : vector<16xi1>, vector<16xi32>
      %ne3A_1037 = arith.constant 0.000000e+00 : f32
      %ne3A_1038 = vector.broadcast %ne3A_1037 : f32 to vector<16xf32>
      %ne3A_1039 = arith.cmpf one, %get3A_1023, %ne3A_1038 : vector<16xf32>
      %unique3A_1040, %unique3A_1041 = tpu.scan_count mask(%ne3A_1039 : vector<16xi1>) value(%select_n3A_1036 : vector<16xi32>) : vector<16xi1>, vector<16xi32>
      %add3A_1042 = arith.constant 2.400000e+02 : f32
      %add3A_1043 = vector.broadcast %add3A_1042 : f32 to vector<16xf32>
      %add3A_1044 = arith.addf %add3A_1043, %convert_element_type3A : vector<16xf32>
      tpu.vector_store_idx %arg8[%select_n3A_1036], %add3A_1044 masked %unique3A_1040 : memref<1024xf32, #tpu.memory_space<vmem>>[vector<16xi32>], vector<16xf32>, vector<16xi1>
      %get3A_1045 = arith.constant 0 : index
      %get3A_1046 = tpu.vector_load %arg7[%get3A_1045] {strides = array<i32>} : memref<1024xf32, #tpu.memory_space<vmem>>, vector<16xf32>,
      %get3A_1047 = arith.constant 0 : index
      %get3A_1048 = tpu.vector_load %arg8[%get3A_1047] {strides = array<i32>} : memref<1024xf32, #tpu.memory_space<vmem>>, vector<16xf32>,
      %sub3A_1049 = arith.subf %get3A_1046, %get3A_1048 : vector<16xf32>
      %mul3A_1050 = arith.mulf %sub3A_1049, %sub3A_1049 : vector<16xf32>
      %add3A_1051 = arith.addf %scan3A_283, %mul3A_1050 : vector<16xf32>
      %swap3A_1052 = arith.constant 0 : index
      %swap3A_1053 = tpu.vector_load %arg7[%swap3A_1052] {strides = array<i32>} : memref<1024xf32, #tpu.memory_space<vmem>>, vector<16xf32>,
      tpu.vector_store %arg7[%swap3A_1052], %broadcast_in_dim3A_10 {strides = array<i32>} : memref<1024xf32, #tpu.memory_space<vmem>>, vector<16xf32>,
      %swap3A_1054 = arith.constant 0 : index
      %swap3A_1055 = tpu.vector_load %arg8[%swap3A_1054] {strides = array<i32>} : memref<1024xf32, #tpu.memory_space<vmem>>, vector<16xf32>,
      tpu.vector_store %arg8[%swap3A_1054], %broadcast_in_dim3A_10 {strides = array<i32>} : memref<1024xf32, #tpu.memory_space<vmem>>, vector<16xf32>,
      %get3A_1056 = arith.constant 16 : index
      %get3A_1057 = tpu.vector_load %arg7[%get3A_1056] {strides = array<i32>} : memref<1024xf32, #tpu.memory_space<vmem>>, vector<16xf32>,
      %get3A_1058 = arith.constant 16 : index
      %get3A_1059 = tpu.vector_load %arg8[%get3A_1058] {strides = array<i32>} : memref<1024xf32, #tpu.memory_space<vmem>>, vector<16xf32>,
      %sub3A_1060 = arith.subf %get3A_1057, %get3A_1059 : vector<16xf32>
      %mul3A_1061 = arith.mulf %sub3A_1060, %sub3A_1060 : vector<16xf32>
      %add3A_1062 = arith.addf %add3A_1051, %mul3A_1061 : vector<16xf32>
      %swap3A_1063 = arith.constant 16 : index
      %swap3A_1064 = tpu.vector_load %arg7[%swap3A_1063] {strides = array<i32>} : memref<1024xf32, #tpu.memory_space<vmem>>, vector<16xf32>,
      tpu.vector_store %arg7[%swap3A_1063], %broadcast_in_dim3A_10 {strides = array<i32>} : memref<1024xf32, #tpu.memory_space<vmem>>, vector<16xf32>,
      %swap3A_1065 = arith.constant 16 : index
      %swap3A_1066 = tpu.vector_load %arg8[%swap3A_1065] {strides = array<i32>} : memref<1024xf32, #tpu.memory_space<vmem>>, vector<16xf32>,
      tpu.vector_store %arg8[%swap3A_1065], %broadcast_in_dim3A_10 {strides = array<i32>} : memref<1024xf32, #tpu.memory_space<vmem>>, vector<16xf32>,
      %get3A_1067 = arith.constant 32 : index
      %get3A_1068 = tpu.vector_load %arg7[%get3A_1067] {strides = array<i32>} : memref<1024xf32, #tpu.memory_space<vmem>>, vector<16xf32>,
      %get3A_1069 = arith.constant 32 : index
      %get3A_1070 = tpu.vector_load %arg8[%get3A_1069] {strides = array<i32>} : memref<1024xf32, #tpu.memory_space<vmem>>, vector<16xf32>,
      %sub3A_1071 = arith.subf %get3A_1068, %get3A_1070 : vector<16xf32>
      %mul3A_1072 = arith.mulf %sub3A_1071, %sub3A_1071 : vector<16xf32>
      %add3A_1073 = arith.addf %add3A_1062, %mul3A_1072 : vector<16xf32>
      %swap3A_1074 = arith.constant 32 : index
      %swap3A_1075 = tpu.vector_load %arg7[%swap3A_1074] {strides = array<i32>} : memref<1024xf32, #tpu.memory_space<vmem>>, vector<16xf32>,
      tpu.vector_store %arg7[%swap3A_1074], %broadcast_in_dim3A_10 {strides = array<i32>} : memref<1024xf32, #tpu.memory_space<vmem>>, vector<16xf32>,
      %swap3A_1076 = arith.constant 32 : index
      %swap3A_1077 = tpu.vector_load %arg8[%swap3A_1076] {strides = array<i32>} : memref<1024xf32, #tpu.memory_space<vmem>>, vector<16xf32>,
      tpu.vector_store %arg8[%swap3A_1076], %broadcast_in_dim3A_10 {strides = array<i32>} : memref<1024xf32, #tpu.memory_space<vmem>>, vector<16xf32>,
      %get3A_1078 = arith.constant 48 : index
      %get3A_1079 = tpu.vector_load %arg7[%get3A_1078] {strides = array<i32>} : memref<1024xf32, #tpu.memory_space<vmem>>, vector<16xf32>,
      %get3A_1080 = arith.constant 48 : index
      %get3A_1081 = tpu.vector_load %arg8[%get3A_1080] {strides = array<i32>} : memref<1024xf32, #tpu.memory_space<vmem>>, vector<16xf32>,
      %sub3A_1082 = arith.subf %get3A_1079, %get3A_1081 : vector<16xf32>
      %mul3A_1083 = arith.mulf %sub3A_1082, %sub3A_1082 : vector<16xf32>
      %add3A_1084 = arith.addf %add3A_1073, %mul3A_1083 : vector<16xf32>
      %swap3A_1085 = arith.constant 48 : index
      %swap3A_1086 = tpu.vector_load %arg7[%swap3A_1085] {strides = array<i32>} : memref<1024xf32, #tpu.memory_space<vmem>>, vector<16xf32>,
      tpu.vector_store %arg7[%swap3A_1085], %broadcast_in_dim3A_10 {strides = array<i32>} : memref<1024xf32, #tpu.memory_space<vmem>>, vector<16xf32>,
      %swap3A_1087 = arith.constant 48 : index
      %swap3A_1088 = tpu.vector_load %arg8[%swap3A_1087] {strides = array<i32>} : memref<1024xf32, #tpu.memory_space<vmem>>, vector<16xf32>,
      tpu.vector_store %arg8[%swap3A_1087], %broadcast_in_dim3A_10 {strides = array<i32>} : memref<1024xf32, #tpu.memory_space<vmem>>, vector<16xf32>,
      %get3A_1089 = arith.constant 64 : index
      %get3A_1090 = tpu.vector_load %arg7[%get3A_1089] {strides = array<i32>} : memref<1024xf32, #tpu.memory_space<vmem>>, vector<16xf32>,
      %get3A_1091 = arith.constant 64 : index
      %get3A_1092 = tpu.vector_load %arg8[%get3A_1091] {strides = array<i32>} : memref<1024xf32, #tpu.memory_space<vmem>>, vector<16xf32>,
      %sub3A_1093 = arith.subf %get3A_1090, %get3A_1092 : vector<16xf32>
      %mul3A_1094 = arith.mulf %sub3A_1093, %sub3A_1093 : vector<16xf32>
      %add3A_1095 = arith.addf %add3A_1084, %mul3A_1094 : vector<16xf32>
      %swap3A_1096 = arith.constant 64 : index
      %swap3A_1097 = tpu.vector_load %arg7[%swap3A_1096] {strides = array<i32>} : memref<1024xf32, #tpu.memory_space<vmem>>, vector<16xf32>,
      tpu.vector_store %arg7[%swap3A_1096], %broadcast_in_dim3A_10 {strides = array<i32>} : memref<1024xf32, #tpu.memory_space<vmem>>, vector<16xf32>,
      %swap3A_1098 = arith.constant 64 : index
      %swap3A_1099 = tpu.vector_load %arg8[%swap3A_1098] {strides = array<i32>} : memref<1024xf32, #tpu.memory_space<vmem>>, vector<16xf32>,
      tpu.vector_store %arg8[%swap3A_1098], %broadcast_in_dim3A_10 {strides = array<i32>} : memref<1024xf32, #tpu.memory_space<vmem>>, vector<16xf32>,
      %get3A_1100 = arith.constant 80 : index
      %get3A_1101 = tpu.vector_load %arg7[%get3A_1100] {strides = array<i32>} : memref<1024xf32, #tpu.memory_space<vmem>>, vector<16xf32>,
      %get3A_1102 = arith.constant 80 : index
      %get3A_1103 = tpu.vector_load %arg8[%get3A_1102] {strides = array<i32>} : memref<1024xf32, #tpu.memory_space<vmem>>, vector<16xf32>,
      %sub3A_1104 = arith.subf %get3A_1101, %get3A_1103 : vector<16xf32>
      %mul3A_1105 = arith.mulf %sub3A_1104, %sub3A_1104 : vector<16xf32>
      %add3A_1106 = arith.addf %add3A_1095, %mul3A_1105 : vector<16xf32>
      %swap3A_1107 = arith.constant 80 : index
      %swap3A_1108 = tpu.vector_load %arg7[%swap3A_1107] {strides = array<i32>} : memref<1024xf32, #tpu.memory_space<vmem>>, vector<16xf32>,
      tpu.vector_store %arg7[%swap3A_1107], %broadcast_in_dim3A_10 {strides = array<i32>} : memref<1024xf32, #tpu.memory_space<vmem>>, vector<16xf32>,
      %swap3A_1109 = arith.constant 80 : index
      %swap3A_1110 = tpu.vector_load %arg8[%swap3A_1109] {strides = array<i32>} : memref<1024xf32, #tpu.memory_space<vmem>>, vector<16xf32>,
      tpu.vector_store %arg8[%swap3A_1109], %broadcast_in_dim3A_10 {strides = array<i32>} : memref<1024xf32, #tpu.memory_space<vmem>>, vector<16xf32>,
      %get3A_1111 = arith.constant 96 : index
      %get3A_1112 = tpu.vector_load %arg7[%get3A_1111] {strides = array<i32>} : memref<1024xf32, #tpu.memory_space<vmem>>, vector<16xf32>,
      %get3A_1113 = arith.constant 96 : index
      %get3A_1114 = tpu.vector_load %arg8[%get3A_1113] {strides = array<i32>} : memref<1024xf32, #tpu.memory_space<vmem>>, vector<16xf32>,
      %sub3A_1115 = arith.subf %get3A_1112, %get3A_1114 : vector<16xf32>
      %mul3A_1116 = arith.mulf %sub3A_1115, %sub3A_1115 : vector<16xf32>
      %add3A_1117 = arith.addf %add3A_1106, %mul3A_1116 : vector<16xf32>
      %swap3A_1118 = arith.constant 96 : index
      %swap3A_1119 = tpu.vector_load %arg7[%swap3A_1118] {strides = array<i32>} : memref<1024xf32, #tpu.memory_space<vmem>>, vector<16xf32>,
      tpu.vector_store %arg7[%swap3A_1118], %broadcast_in_dim3A_10 {strides = array<i32>} : memref<1024xf32, #tpu.memory_space<vmem>>, vector<16xf32>,
      %swap3A_1120 = arith.constant 96 : index
      %swap3A_1121 = tpu.vector_load %arg8[%swap3A_1120] {strides = array<i32>} : memref<1024xf32, #tpu.memory_space<vmem>>, vector<16xf32>,
      tpu.vector_store %arg8[%swap3A_1120], %broadcast_in_dim3A_10 {strides = array<i32>} : memref<1024xf32, #tpu.memory_space<vmem>>, vector<16xf32>,
      %get3A_1122 = arith.constant 112 : index
      %get3A_1123 = tpu.vector_load %arg7[%get3A_1122] {strides = array<i32>} : memref<1024xf32, #tpu.memory_space<vmem>>, vector<16xf32>,
      %get3A_1124 = arith.constant 112 : index
      %get3A_1125 = tpu.vector_load %arg8[%get3A_1124] {strides = array<i32>} : memref<1024xf32, #tpu.memory_space<vmem>>, vector<16xf32>,
      %sub3A_1126 = arith.subf %get3A_1123, %get3A_1125 : vector<16xf32>
      %mul3A_1127 = arith.mulf %sub3A_1126, %sub3A_1126 : vector<16xf32>
      %add3A_1128 = arith.addf %add3A_1117, %mul3A_1127 : vector<16xf32>
      %swap3A_1129 = arith.constant 112 : index
      %swap3A_1130 = tpu.vector_load %arg7[%swap3A_1129] {strides = array<i32>} : memref<1024xf32, #tpu.memory_space<vmem>>, vector<16xf32>,
      tpu.vector_store %arg7[%swap3A_1129], %broadcast_in_dim3A_10 {strides = array<i32>} : memref<1024xf32, #tpu.memory_space<vmem>>, vector<16xf32>,
      %swap3A_1131 = arith.constant 112 : index
      %swap3A_1132 = tpu.vector_load %arg8[%swap3A_1131] {strides = array<i32>} : memref<1024xf32, #tpu.memory_space<vmem>>, vector<16xf32>,
      tpu.vector_store %arg8[%swap3A_1131], %broadcast_in_dim3A_10 {strides = array<i32>} : memref<1024xf32, #tpu.memory_space<vmem>>, vector<16xf32>,
      %get3A_1133 = arith.constant 128 : index
      %get3A_1134 = tpu.vector_load %arg7[%get3A_1133] {strides = array<i32>} : memref<1024xf32, #tpu.memory_space<vmem>>, vector<16xf32>,
      %get3A_1135 = arith.constant 128 : index
      %get3A_1136 = tpu.vector_load %arg8[%get3A_1135] {strides = array<i32>} : memref<1024xf32, #tpu.memory_space<vmem>>, vector<16xf32>,
      %sub3A_1137 = arith.subf %get3A_1134, %get3A_1136 : vector<16xf32>
      %mul3A_1138 = arith.mulf %sub3A_1137, %sub3A_1137 : vector<16xf32>
      %add3A_1139 = arith.addf %add3A_1128, %mul3A_1138 : vector<16xf32>
      %swap3A_1140 = arith.constant 128 : index
      %swap3A_1141 = tpu.vector_load %arg7[%swap3A_1140] {strides = array<i32>} : memref<1024xf32, #tpu.memory_space<vmem>>, vector<16xf32>,
      tpu.vector_store %arg7[%swap3A_1140], %broadcast_in_dim3A_10 {strides = array<i32>} : memref<1024xf32, #tpu.memory_space<vmem>>, vector<16xf32>,
      %swap3A_1142 = arith.constant 128 : index
      %swap3A_1143 = tpu.vector_load %arg8[%swap3A_1142] {strides = array<i32>} : memref<1024xf32, #tpu.memory_space<vmem>>, vector<16xf32>,
      tpu.vector_store %arg8[%swap3A_1142], %broadcast_in_dim3A_10 {strides = array<i32>} : memref<1024xf32, #tpu.memory_space<vmem>>, vector<16xf32>,
      %get3A_1144 = arith.constant 144 : index
      %get3A_1145 = tpu.vector_load %arg7[%get3A_1144] {strides = array<i32>} : memref<1024xf32, #tpu.memory_space<vmem>>, vector<16xf32>,
      %get3A_1146 = arith.constant 144 : index
      %get3A_1147 = tpu.vector_load %arg8[%get3A_1146] {strides = array<i32>} : memref<1024xf32, #tpu.memory_space<vmem>>, vector<16xf32>,
      %sub3A_1148 = arith.subf %get3A_1145, %get3A_1147 : vector<16xf32>
      %mul3A_1149 = arith.mulf %sub3A_1148, %sub3A_1148 : vector<16xf32>
      %add3A_1150 = arith.addf %add3A_1139, %mul3A_1149 : vector<16xf32>
      %swap3A_1151 = arith.constant 144 : index
      %swap3A_1152 = tpu.vector_load %arg7[%swap3A_1151] {strides = array<i32>} : memref<1024xf32, #tpu.memory_space<vmem>>, vector<16xf32>,
      tpu.vector_store %arg7[%swap3A_1151], %broadcast_in_dim3A_10 {strides = array<i32>} : memref<1024xf32, #tpu.memory_space<vmem>>, vector<16xf32>,
      %swap3A_1153 = arith.constant 144 : index
      %swap3A_1154 = tpu.vector_load %arg8[%swap3A_1153] {strides = array<i32>} : memref<1024xf32, #tpu.memory_space<vmem>>, vector<16xf32>,
      tpu.vector_store %arg8[%swap3A_1153], %broadcast_in_dim3A_10 {strides = array<i32>} : memref<1024xf32, #tpu.memory_space<vmem>>, vector<16xf32>,
      %get3A_1155 = arith.constant 160 : index
      %get3A_1156 = tpu.vector_load %arg7[%get3A_1155] {strides = array<i32>} : memref<1024xf32, #tpu.memory_space<vmem>>, vector<16xf32>,
      %get3A_1157 = arith.constant 160 : index
      %get3A_1158 = tpu.vector_load %arg8[%get3A_1157] {strides = array<i32>} : memref<1024xf32, #tpu.memory_space<vmem>>, vector<16xf32>,
      %sub3A_1159 = arith.subf %get3A_1156, %get3A_1158 : vector<16xf32>
      %mul3A_1160 = arith.mulf %sub3A_1159, %sub3A_1159 : vector<16xf32>
      %add3A_1161 = arith.addf %add3A_1150, %mul3A_1160 : vector<16xf32>
      %swap3A_1162 = arith.constant 160 : index
      %swap3A_1163 = tpu.vector_load %arg7[%swap3A_1162] {strides = array<i32>} : memref<1024xf32, #tpu.memory_space<vmem>>, vector<16xf32>,
      tpu.vector_store %arg7[%swap3A_1162], %broadcast_in_dim3A_10 {strides = array<i32>} : memref<1024xf32, #tpu.memory_space<vmem>>, vector<16xf32>,
      %swap3A_1164 = arith.constant 160 : index
      %swap3A_1165 = tpu.vector_load %arg8[%swap3A_1164] {strides = array<i32>} : memref<1024xf32, #tpu.memory_space<vmem>>, vector<16xf32>,
      tpu.vector_store %arg8[%swap3A_1164], %broadcast_in_dim3A_10 {strides = array<i32>} : memref<1024xf32, #tpu.memory_space<vmem>>, vector<16xf32>,
      %get3A_1166 = arith.constant 176 : index
      %get3A_1167 = tpu.vector_load %arg7[%get3A_1166] {strides = array<i32>} : memref<1024xf32, #tpu.memory_space<vmem>>, vector<16xf32>,
      %get3A_1168 = arith.constant 176 : index
      %get3A_1169 = tpu.vector_load %arg8[%get3A_1168] {strides = array<i32>} : memref<1024xf32, #tpu.memory_space<vmem>>, vector<16xf32>,
      %sub3A_1170 = arith.subf %get3A_1167, %get3A_1169 : vector<16xf32>
      %mul3A_1171 = arith.mulf %sub3A_1170, %sub3A_1170 : vector<16xf32>
      %add3A_1172 = arith.addf %add3A_1161, %mul3A_1171 : vector<16xf32>
      %swap3A_1173 = arith.constant 176 : index
      %swap3A_1174 = tpu.vector_load %arg7[%swap3A_1173] {strides = array<i32>} : memref<1024xf32, #tpu.memory_space<vmem>>, vector<16xf32>,
      tpu.vector_store %arg7[%swap3A_1173], %broadcast_in_dim3A_10 {strides = array<i32>} : memref<1024xf32, #tpu.memory_space<vmem>>, vector<16xf32>,
      %swap3A_1175 = arith.constant 176 : index
      %swap3A_1176 = tpu.vector_load %arg8[%swap3A_1175] {strides = array<i32>} : memref<1024xf32, #tpu.memory_space<vmem>>, vector<16xf32>,
      tpu.vector_store %arg8[%swap3A_1175], %broadcast_in_dim3A_10 {strides = array<i32>} : memref<1024xf32, #tpu.memory_space<vmem>>, vector<16xf32>,
      %get3A_1177 = arith.constant 192 : index
      %get3A_1178 = tpu.vector_load %arg7[%get3A_1177] {strides = array<i32>} : memref<1024xf32, #tpu.memory_space<vmem>>, vector<16xf32>,
      %get3A_1179 = arith.constant 192 : index
      %get3A_1180 = tpu.vector_load %arg8[%get3A_1179] {strides = array<i32>} : memref<1024xf32, #tpu.memory_space<vmem>>, vector<16xf32>,
      %sub3A_1181 = arith.subf %get3A_1178, %get3A_1180 : vector<16xf32>
      %mul3A_1182 = arith.mulf %sub3A_1181, %sub3A_1181 : vector<16xf32>
      %add3A_1183 = arith.addf %add3A_1172, %mul3A_1182 : vector<16xf32>
      %swap3A_1184 = arith.constant 192 : index
      %swap3A_1185 = tpu.vector_load %arg7[%swap3A_1184] {strides = array<i32>} : memref<1024xf32, #tpu.memory_space<vmem>>, vector<16xf32>,
      tpu.vector_store %arg7[%swap3A_1184], %broadcast_in_dim3A_10 {strides = array<i32>} : memref<1024xf32, #tpu.memory_space<vmem>>, vector<16xf32>,
      %swap3A_1186 = arith.constant 192 : index
      %swap3A_1187 = tpu.vector_load %arg8[%swap3A_1186] {strides = array<i32>} : memref<1024xf32, #tpu.memory_space<vmem>>, vector<16xf32>,
      tpu.vector_store %arg8[%swap3A_1186], %broadcast_in_dim3A_10 {strides = array<i32>} : memref<1024xf32, #tpu.memory_space<vmem>>, vector<16xf32>,
      %get3A_1188 = arith.constant 208 : index
      %get3A_1189 = tpu.vector_load %arg7[%get3A_1188] {strides = array<i32>} : memref<1024xf32, #tpu.memory_space<vmem>>, vector<16xf32>,
      %get3A_1190 = arith.constant 208 : index
      %get3A_1191 = tpu.vector_load %arg8[%get3A_1190] {strides = array<i32>} : memref<1024xf32, #tpu.memory_space<vmem>>, vector<16xf32>,
      %sub3A_1192 = arith.subf %get3A_1189, %get3A_1191 : vector<16xf32>
      %mul3A_1193 = arith.mulf %sub3A_1192, %sub3A_1192 : vector<16xf32>
      %add3A_1194 = arith.addf %add3A_1183, %mul3A_1193 : vector<16xf32>
      %swap3A_1195 = arith.constant 208 : index
      %swap3A_1196 = tpu.vector_load %arg7[%swap3A_1195] {strides = array<i32>} : memref<1024xf32, #tpu.memory_space<vmem>>, vector<16xf32>,
      tpu.vector_store %arg7[%swap3A_1195], %broadcast_in_dim3A_10 {strides = array<i32>} : memref<1024xf32, #tpu.memory_space<vmem>>, vector<16xf32>,
      %swap3A_1197 = arith.constant 208 : index
      %swap3A_1198 = tpu.vector_load %arg8[%swap3A_1197] {strides = array<i32>} : memref<1024xf32, #tpu.memory_space<vmem>>, vector<16xf32>,
      tpu.vector_store %arg8[%swap3A_1197], %broadcast_in_dim3A_10 {strides = array<i32>} : memref<1024xf32, #tpu.memory_space<vmem>>, vector<16xf32>,
      %get3A_1199 = arith.constant 224 : index
      %get3A_1200 = tpu.vector_load %arg7[%get3A_1199] {strides = array<i32>} : memref<1024xf32, #tpu.memory_space<vmem>>, vector<16xf32>,
      %get3A_1201 = arith.constant 224 : index
      %get3A_1202 = tpu.vector_load %arg8[%get3A_1201] {strides = array<i32>} : memref<1024xf32, #tpu.memory_space<vmem>>, vector<16xf32>,
      %sub3A_1203 = arith.subf %get3A_1200, %get3A_1202 : vector<16xf32>
      %mul3A_1204 = arith.mulf %sub3A_1203, %sub3A_1203 : vector<16xf32>
      %add3A_1205 = arith.addf %add3A_1194, %mul3A_1204 : vector<16xf32>
      %swap3A_1206 = arith.constant 224 : index
      %swap3A_1207 = tpu.vector_load %arg7[%swap3A_1206] {strides = array<i32>} : memref<1024xf32, #tpu.memory_space<vmem>>, vector<16xf32>,
      tpu.vector_store %arg7[%swap3A_1206], %broadcast_in_dim3A_10 {strides = array<i32>} : memref<1024xf32, #tpu.memory_space<vmem>>, vector<16xf32>,
      %swap3A_1208 = arith.constant 224 : index
      %swap3A_1209 = tpu.vector_load %arg8[%swap3A_1208] {strides = array<i32>} : memref<1024xf32, #tpu.memory_space<vmem>>, vector<16xf32>,
      tpu.vector_store %arg8[%swap3A_1208], %broadcast_in_dim3A_10 {strides = array<i32>} : memref<1024xf32, #tpu.memory_space<vmem>>, vector<16xf32>,
      %get3A_1210 = arith.constant 240 : index
      %get3A_1211 = tpu.vector_load %arg7[%get3A_1210] {strides = array<i32>} : memref<1024xf32, #tpu.memory_space<vmem>>, vector<16xf32>,
      %get3A_1212 = arith.constant 240 : index
      %get3A_1213 = tpu.vector_load %arg8[%get3A_1212] {strides = array<i32>} : memref<1024xf32, #tpu.memory_space<vmem>>, vector<16xf32>,
      %sub3A_1214 = arith.subf %get3A_1211, %get3A_1213 : vector<16xf32>
      %mul3A_1215 = arith.mulf %sub3A_1214, %sub3A_1214 : vector<16xf32>
      %add3A_1216 = arith.addf %add3A_1205, %mul3A_1215 : vector<16xf32>
      %swap3A_1217 = arith.constant 240 : index
      %swap3A_1218 = tpu.vector_load %arg7[%swap3A_1217] {strides = array<i32>} : memref<1024xf32, #tpu.memory_space<vmem>>, vector<16xf32>,
      tpu.vector_store %arg7[%swap3A_1217], %broadcast_in_dim3A_10 {strides = array<i32>} : memref<1024xf32, #tpu.memory_space<vmem>>, vector<16xf32>,
      %swap3A_1219 = arith.constant 240 : index
      %swap3A_1220 = tpu.vector_load %arg8[%swap3A_1219] {strides = array<i32>} : memref<1024xf32, #tpu.memory_space<vmem>>, vector<16xf32>,
      tpu.vector_store %arg8[%swap3A_1219], %broadcast_in_dim3A_10 {strides = array<i32>} : memref<1024xf32, #tpu.memory_space<vmem>>, vector<16xf32>,
      %get3A_1221 = arith.constant 256 : index
      %get3A_1222 = tpu.vector_load %arg7[%get3A_1221] {strides = array<i32>} : memref<1024xf32, #tpu.memory_space<vmem>>, vector<16xf32>,
      %get3A_1223 = arith.constant 256 : index
      %get3A_1224 = tpu.vector_load %arg8[%get3A_1223] {strides = array<i32>} : memref<1024xf32, #tpu.memory_space<vmem>>, vector<16xf32>,
      %sub3A_1225 = arith.subf %get3A_1222, %get3A_1224 : vector<16xf32>
      %mul3A_1226 = arith.mulf %sub3A_1225, %sub3A_1225 : vector<16xf32>
      %add3A_1227 = arith.addf %add3A_1216, %mul3A_1226 : vector<16xf32>
      %swap3A_1228 = arith.constant 256 : index
      %swap3A_1229 = tpu.vector_load %arg7[%swap3A_1228] {strides = array<i32>} : memref<1024xf32, #tpu.memory_space<vmem>>, vector<16xf32>,
      tpu.vector_store %arg7[%swap3A_1228], %broadcast_in_dim3A_10 {strides = array<i32>} : memref<1024xf32, #tpu.memory_space<vmem>>, vector<16xf32>,
      %swap3A_1230 = arith.constant 256 : index
      %swap3A_1231 = tpu.vector_load %arg8[%swap3A_1230] {strides = array<i32>} : memref<1024xf32, #tpu.memory_space<vmem>>, vector<16xf32>,
      tpu.vector_store %arg8[%swap3A_1230], %broadcast_in_dim3A_10 {strides = array<i32>} : memref<1024xf32, #tpu.memory_space<vmem>>, vector<16xf32>,
      %get3A_1232 = arith.constant 272 : index
      %get3A_1233 = tpu.vector_load %arg7[%get3A_1232] {strides = array<i32>} : memref<1024xf32, #tpu.memory_space<vmem>>, vector<16xf32>,
      %get3A_1234 = arith.constant 272 : index
      %get3A_1235 = tpu.vector_load %arg8[%get3A_1234] {strides = array<i32>} : memref<1024xf32, #tpu.memory_space<vmem>>, vector<16xf32>,
      %sub3A_1236 = arith.subf %get3A_1233, %get3A_1235 : vector<16xf32>
      %mul3A_1237 = arith.mulf %sub3A_1236, %sub3A_1236 : vector<16xf32>
      %add3A_1238 = arith.addf %add3A_1227, %mul3A_1237 : vector<16xf32>
      %swap3A_1239 = arith.constant 272 : index
      %swap3A_1240 = tpu.vector_load %arg7[%swap3A_1239] {strides = array<i32>} : memref<1024xf32, #tpu.memory_space<vmem>>, vector<16xf32>,
      tpu.vector_store %arg7[%swap3A_1239], %broadcast_in_dim3A_10 {strides = array<i32>} : memref<1024xf32, #tpu.memory_space<vmem>>, vector<16xf32>,
      %swap3A_1241 = arith.constant 272 : index
      %swap3A_1242 = tpu.vector_load %arg8[%swap3A_1241] {strides = array<i32>} : memref<1024xf32, #tpu.memory_space<vmem>>, vector<16xf32>,
      tpu.vector_store %arg8[%swap3A_1241], %broadcast_in_dim3A_10 {strides = array<i32>} : memref<1024xf32, #tpu.memory_space<vmem>>, vector<16xf32>,
      %get3A_1243 = arith.constant 288 : index
      %get3A_1244 = tpu.vector_load %arg7[%get3A_1243] {strides = array<i32>} : memref<1024xf32, #tpu.memory_space<vmem>>, vector<16xf32>,
      %get3A_1245 = arith.constant 288 : index
      %get3A_1246 = tpu.vector_load %arg8[%get3A_1245] {strides = array<i32>} : memref<1024xf32, #tpu.memory_space<vmem>>, vector<16xf32>,
      %sub3A_1247 = arith.subf %get3A_1244, %get3A_1246 : vector<16xf32>
      %mul3A_1248 = arith.mulf %sub3A_1247, %sub3A_1247 : vector<16xf32>
      %add3A_1249 = arith.addf %add3A_1238, %mul3A_1248 : vector<16xf32>
      %swap3A_1250 = arith.constant 288 : index
      %swap3A_1251 = tpu.vector_load %arg7[%swap3A_1250] {strides = array<i32>} : memref<1024xf32, #tpu.memory_space<vmem>>, vector<16xf32>,
      tpu.vector_store %arg7[%swap3A_1250], %broadcast_in_dim3A_10 {strides = array<i32>} : memref<1024xf32, #tpu.memory_space<vmem>>, vector<16xf32>,
      %swap3A_1252 = arith.constant 288 : index
      %swap3A_1253 = tpu.vector_load %arg8[%swap3A_1252] {strides = array<i32>} : memref<1024xf32, #tpu.memory_space<vmem>>, vector<16xf32>,
      tpu.vector_store %arg8[%swap3A_1252], %broadcast_in_dim3A_10 {strides = array<i32>} : memref<1024xf32, #tpu.memory_space<vmem>>, vector<16xf32>,
      %get3A_1254 = arith.constant 304 : index
      %get3A_1255 = tpu.vector_load %arg7[%get3A_1254] {strides = array<i32>} : memref<1024xf32, #tpu.memory_space<vmem>>, vector<16xf32>,
      %get3A_1256 = arith.constant 304 : index
      %get3A_1257 = tpu.vector_load %arg8[%get3A_1256] {strides = array<i32>} : memref<1024xf32, #tpu.memory_space<vmem>>, vector<16xf32>,
      %sub3A_1258 = arith.subf %get3A_1255, %get3A_1257 : vector<16xf32>
      %mul3A_1259 = arith.mulf %sub3A_1258, %sub3A_1258 : vector<16xf32>
      %add3A_1260 = arith.addf %add3A_1249, %mul3A_1259 : vector<16xf32>
      %swap3A_1261 = arith.constant 304 : index
      %swap3A_1262 = tpu.vector_load %arg7[%swap3A_1261] {strides = array<i32>} : memref<1024xf32, #tpu.memory_space<vmem>>, vector<16xf32>,
      tpu.vector_store %arg7[%swap3A_1261], %broadcast_in_dim3A_10 {strides = array<i32>} : memref<1024xf32, #tpu.memory_space<vmem>>, vector<16xf32>,
      %swap3A_1263 = arith.constant 304 : index
      %swap3A_1264 = tpu.vector_load %arg8[%swap3A_1263] {strides = array<i32>} : memref<1024xf32, #tpu.memory_space<vmem>>, vector<16xf32>,
      tpu.vector_store %arg8[%swap3A_1263], %broadcast_in_dim3A_10 {strides = array<i32>} : memref<1024xf32, #tpu.memory_space<vmem>>, vector<16xf32>,
      %get3A_1265 = arith.constant 320 : index
      %get3A_1266 = tpu.vector_load %arg7[%get3A_1265] {strides = array<i32>} : memref<1024xf32, #tpu.memory_space<vmem>>, vector<16xf32>,
      %get3A_1267 = arith.constant 320 : index
      %get3A_1268 = tpu.vector_load %arg8[%get3A_1267] {strides = array<i32>} : memref<1024xf32, #tpu.memory_space<vmem>>, vector<16xf32>,
      %sub3A_1269 = arith.subf %get3A_1266, %get3A_1268 : vector<16xf32>
      %mul3A_1270 = arith.mulf %sub3A_1269, %sub3A_1269 : vector<16xf32>
      %add3A_1271 = arith.addf %add3A_1260, %mul3A_1270 : vector<16xf32>
      %swap3A_1272 = arith.constant 320 : index
      %swap3A_1273 = tpu.vector_load %arg7[%swap3A_1272] {strides = array<i32>} : memref<1024xf32, #tpu.memory_space<vmem>>, vector<16xf32>,
      tpu.vector_store %arg7[%swap3A_1272], %broadcast_in_dim3A_10 {strides = array<i32>} : memref<1024xf32, #tpu.memory_space<vmem>>, vector<16xf32>,
      %swap3A_1274 = arith.constant 320 : index
      %swap3A_1275 = tpu.vector_load %arg8[%swap3A_1274] {strides = array<i32>} : memref<1024xf32, #tpu.memory_space<vmem>>, vector<16xf32>,
      tpu.vector_store %arg8[%swap3A_1274], %broadcast_in_dim3A_10 {strides = array<i32>} : memref<1024xf32, #tpu.memory_space<vmem>>, vector<16xf32>,
      %get3A_1276 = arith.constant 336 : index
      %get3A_1277 = tpu.vector_load %arg7[%get3A_1276] {strides = array<i32>} : memref<1024xf32, #tpu.memory_space<vmem>>, vector<16xf32>,
      %get3A_1278 = arith.constant 336 : index
      %get3A_1279 = tpu.vector_load %arg8[%get3A_1278] {strides = array<i32>} : memref<1024xf32, #tpu.memory_space<vmem>>, vector<16xf32>,
      %sub3A_1280 = arith.subf %get3A_1277, %get3A_1279 : vector<16xf32>
      %mul3A_1281 = arith.mulf %sub3A_1280, %sub3A_1280 : vector<16xf32>
      %add3A_1282 = arith.addf %add3A_1271, %mul3A_1281 : vector<16xf32>
      %swap3A_1283 = arith.constant 336 : index
      %swap3A_1284 = tpu.vector_load %arg7[%swap3A_1283] {strides = array<i32>} : memref<1024xf32, #tpu.memory_space<vmem>>, vector<16xf32>,
      tpu.vector_store %arg7[%swap3A_1283], %broadcast_in_dim3A_10 {strides = array<i32>} : memref<1024xf32, #tpu.memory_space<vmem>>, vector<16xf32>,
      %swap3A_1285 = arith.constant 336 : index
      %swap3A_1286 = tpu.vector_load %arg8[%swap3A_1285] {strides = array<i32>} : memref<1024xf32, #tpu.memory_space<vmem>>, vector<16xf32>,
      tpu.vector_store %arg8[%swap3A_1285], %broadcast_in_dim3A_10 {strides = array<i32>} : memref<1024xf32, #tpu.memory_space<vmem>>, vector<16xf32>,
      %get3A_1287 = arith.constant 352 : index
      %get3A_1288 = tpu.vector_load %arg7[%get3A_1287] {strides = array<i32>} : memref<1024xf32, #tpu.memory_space<vmem>>, vector<16xf32>,
      %get3A_1289 = arith.constant 352 : index
      %get3A_1290 = tpu.vector_load %arg8[%get3A_1289] {strides = array<i32>} : memref<1024xf32, #tpu.memory_space<vmem>>, vector<16xf32>,
      %sub3A_1291 = arith.subf %get3A_1288, %get3A_1290 : vector<16xf32>
      %mul3A_1292 = arith.mulf %sub3A_1291, %sub3A_1291 : vector<16xf32>
      %add3A_1293 = arith.addf %add3A_1282, %mul3A_1292 : vector<16xf32>
      %swap3A_1294 = arith.constant 352 : index
      %swap3A_1295 = tpu.vector_load %arg7[%swap3A_1294] {strides = array<i32>} : memref<1024xf32, #tpu.memory_space<vmem>>, vector<16xf32>,
      tpu.vector_store %arg7[%swap3A_1294], %broadcast_in_dim3A_10 {strides = array<i32>} : memref<1024xf32, #tpu.memory_space<vmem>>, vector<16xf32>,
      %swap3A_1296 = arith.constant 352 : index
      %swap3A_1297 = tpu.vector_load %arg8[%swap3A_1296] {strides = array<i32>} : memref<1024xf32, #tpu.memory_space<vmem>>, vector<16xf32>,
      tpu.vector_store %arg8[%swap3A_1296], %broadcast_in_dim3A_10 {strides = array<i32>} : memref<1024xf32, #tpu.memory_space<vmem>>, vector<16xf32>,
      %get3A_1298 = arith.constant 368 : index
      %get3A_1299 = tpu.vector_load %arg7[%get3A_1298] {strides = array<i32>} : memref<1024xf32, #tpu.memory_space<vmem>>, vector<16xf32>,
      %get3A_1300 = arith.constant 368 : index
      %get3A_1301 = tpu.vector_load %arg8[%get3A_1300] {strides = array<i32>} : memref<1024xf32, #tpu.memory_space<vmem>>, vector<16xf32>,
      %sub3A_1302 = arith.subf %get3A_1299, %get3A_1301 : vector<16xf32>
      %mul3A_1303 = arith.mulf %sub3A_1302, %sub3A_1302 : vector<16xf32>
      %add3A_1304 = arith.addf %add3A_1293, %mul3A_1303 : vector<16xf32>
      %swap3A_1305 = arith.constant 368 : index
      %swap3A_1306 = tpu.vector_load %arg7[%swap3A_1305] {strides = array<i32>} : memref<1024xf32, #tpu.memory_space<vmem>>, vector<16xf32>,
      tpu.vector_store %arg7[%swap3A_1305], %broadcast_in_dim3A_10 {strides = array<i32>} : memref<1024xf32, #tpu.memory_space<vmem>>, vector<16xf32>,
      %swap3A_1307 = arith.constant 368 : index
      %swap3A_1308 = tpu.vector_load %arg8[%swap3A_1307] {strides = array<i32>} : memref<1024xf32, #tpu.memory_space<vmem>>, vector<16xf32>,
      tpu.vector_store %arg8[%swap3A_1307], %broadcast_in_dim3A_10 {strides = array<i32>} : memref<1024xf32, #tpu.memory_space<vmem>>, vector<16xf32>,
      %get3A_1309 = arith.constant 384 : index
      %get3A_1310 = tpu.vector_load %arg7[%get3A_1309] {strides = array<i32>} : memref<1024xf32, #tpu.memory_space<vmem>>, vector<16xf32>,
      %get3A_1311 = arith.constant 384 : index
      %get3A_1312 = tpu.vector_load %arg8[%get3A_1311] {strides = array<i32>} : memref<1024xf32, #tpu.memory_space<vmem>>, vector<16xf32>,
      %sub3A_1313 = arith.subf %get3A_1310, %get3A_1312 : vector<16xf32>
      %mul3A_1314 = arith.mulf %sub3A_1313, %sub3A_1313 : vector<16xf32>
      %add3A_1315 = arith.addf %add3A_1304, %mul3A_1314 : vector<16xf32>
      %swap3A_1316 = arith.constant 384 : index
      %swap3A_1317 = tpu.vector_load %arg7[%swap3A_1316] {strides = array<i32>} : memref<1024xf32, #tpu.memory_space<vmem>>, vector<16xf32>,
      tpu.vector_store %arg7[%swap3A_1316], %broadcast_in_dim3A_10 {strides = array<i32>} : memref<1024xf32, #tpu.memory_space<vmem>>, vector<16xf32>,
      %swap3A_1318 = arith.constant 384 : index
      %swap3A_1319 = tpu.vector_load %arg8[%swap3A_1318] {strides = array<i32>} : memref<1024xf32, #tpu.memory_space<vmem>>, vector<16xf32>,
      tpu.vector_store %arg8[%swap3A_1318], %broadcast_in_dim3A_10 {strides = array<i32>} : memref<1024xf32, #tpu.memory_space<vmem>>, vector<16xf32>,
      %get3A_1320 = arith.constant 400 : index
      %get3A_1321 = tpu.vector_load %arg7[%get3A_1320] {strides = array<i32>} : memref<1024xf32, #tpu.memory_space<vmem>>, vector<16xf32>,
      %get3A_1322 = arith.constant 400 : index
      %get3A_1323 = tpu.vector_load %arg8[%get3A_1322] {strides = array<i32>} : memref<1024xf32, #tpu.memory_space<vmem>>, vector<16xf32>,
      %sub3A_1324 = arith.subf %get3A_1321, %get3A_1323 : vector<16xf32>
      %mul3A_1325 = arith.mulf %sub3A_1324, %sub3A_1324 : vector<16xf32>
      %add3A_1326 = arith.addf %add3A_1315, %mul3A_1325 : vector<16xf32>
      %swap3A_1327 = arith.constant 400 : index
      %swap3A_1328 = tpu.vector_load %arg7[%swap3A_1327] {strides = array<i32>} : memref<1024xf32, #tpu.memory_space<vmem>>, vector<16xf32>,
      tpu.vector_store %arg7[%swap3A_1327], %broadcast_in_dim3A_10 {strides = array<i32>} : memref<1024xf32, #tpu.memory_space<vmem>>, vector<16xf32>,
      %swap3A_1329 = arith.constant 400 : index
      %swap3A_1330 = tpu.vector_load %arg8[%swap3A_1329] {strides = array<i32>} : memref<1024xf32, #tpu.memory_space<vmem>>, vector<16xf32>,
      tpu.vector_store %arg8[%swap3A_1329], %broadcast_in_dim3A_10 {strides = array<i32>} : memref<1024xf32, #tpu.memory_space<vmem>>, vector<16xf32>,
      %get3A_1331 = arith.constant 416 : index
      %get3A_1332 = tpu.vector_load %arg7[%get3A_1331] {strides = array<i32>} : memref<1024xf32, #tpu.memory_space<vmem>>, vector<16xf32>,
      %get3A_1333 = arith.constant 416 : index
      %get3A_1334 = tpu.vector_load %arg8[%get3A_1333] {strides = array<i32>} : memref<1024xf32, #tpu.memory_space<vmem>>, vector<16xf32>,
      %sub3A_1335 = arith.subf %get3A_1332, %get3A_1334 : vector<16xf32>
      %mul3A_1336 = arith.mulf %sub3A_1335, %sub3A_1335 : vector<16xf32>
      %add3A_1337 = arith.addf %add3A_1326, %mul3A_1336 : vector<16xf32>
      %swap3A_1338 = arith.constant 416 : index
      %swap3A_1339 = tpu.vector_load %arg7[%swap3A_1338] {strides = array<i32>} : memref<1024xf32, #tpu.memory_space<vmem>>, vector<16xf32>,
      tpu.vector_store %arg7[%swap3A_1338], %broadcast_in_dim3A_10 {strides = array<i32>} : memref<1024xf32, #tpu.memory_space<vmem>>, vector<16xf32>,
      %swap3A_1340 = arith.constant 416 : index
      %swap3A_1341 = tpu.vector_load %arg8[%swap3A_1340] {strides = array<i32>} : memref<1024xf32, #tpu.memory_space<vmem>>, vector<16xf32>,
      tpu.vector_store %arg8[%swap3A_1340], %broadcast_in_dim3A_10 {strides = array<i32>} : memref<1024xf32, #tpu.memory_space<vmem>>, vector<16xf32>,
      %get3A_1342 = arith.constant 432 : index
      %get3A_1343 = tpu.vector_load %arg7[%get3A_1342] {strides = array<i32>} : memref<1024xf32, #tpu.memory_space<vmem>>, vector<16xf32>,
      %get3A_1344 = arith.constant 432 : index
      %get3A_1345 = tpu.vector_load %arg8[%get3A_1344] {strides = array<i32>} : memref<1024xf32, #tpu.memory_space<vmem>>, vector<16xf32>,
      %sub3A_1346 = arith.subf %get3A_1343, %get3A_1345 : vector<16xf32>
      %mul3A_1347 = arith.mulf %sub3A_1346, %sub3A_1346 : vector<16xf32>
      %add3A_1348 = arith.addf %add3A_1337, %mul3A_1347 : vector<16xf32>
      %swap3A_1349 = arith.constant 432 : index
      %swap3A_1350 = tpu.vector_load %arg7[%swap3A_1349] {strides = array<i32>} : memref<1024xf32, #tpu.memory_space<vmem>>, vector<16xf32>,
      tpu.vector_store %arg7[%swap3A_1349], %broadcast_in_dim3A_10 {strides = array<i32>} : memref<1024xf32, #tpu.memory_space<vmem>>, vector<16xf32>,
      %swap3A_1351 = arith.constant 432 : index
      %swap3A_1352 = tpu.vector_load %arg8[%swap3A_1351] {strides = array<i32>} : memref<1024xf32, #tpu.memory_space<vmem>>, vector<16xf32>,
      tpu.vector_store %arg8[%swap3A_1351], %broadcast_in_dim3A_10 {strides = array<i32>} : memref<1024xf32, #tpu.memory_space<vmem>>, vector<16xf32>,
      %get3A_1353 = arith.constant 448 : index
      %get3A_1354 = tpu.vector_load %arg7[%get3A_1353] {strides = array<i32>} : memref<1024xf32, #tpu.memory_space<vmem>>, vector<16xf32>,
      %get3A_1355 = arith.constant 448 : index
      %get3A_1356 = tpu.vector_load %arg8[%get3A_1355] {strides = array<i32>} : memref<1024xf32, #tpu.memory_space<vmem>>, vector<16xf32>,
      %sub3A_1357 = arith.subf %get3A_1354, %get3A_1356 : vector<16xf32>
      %mul3A_1358 = arith.mulf %sub3A_1357, %sub3A_1357 : vector<16xf32>
      %add3A_1359 = arith.addf %add3A_1348, %mul3A_1358 : vector<16xf32>
      %swap3A_1360 = arith.constant 448 : index
      %swap3A_1361 = tpu.vector_load %arg7[%swap3A_1360] {strides = array<i32>} : memref<1024xf32, #tpu.memory_space<vmem>>, vector<16xf32>,
      tpu.vector_store %arg7[%swap3A_1360], %broadcast_in_dim3A_10 {strides = array<i32>} : memref<1024xf32, #tpu.memory_space<vmem>>, vector<16xf32>,
      %swap3A_1362 = arith.constant 448 : index
      %swap3A_1363 = tpu.vector_load %arg8[%swap3A_1362] {strides = array<i32>} : memref<1024xf32, #tpu.memory_space<vmem>>, vector<16xf32>,
      tpu.vector_store %arg8[%swap3A_1362], %broadcast_in_dim3A_10 {strides = array<i32>} : memref<1024xf32, #tpu.memory_space<vmem>>, vector<16xf32>,
      %get3A_1364 = arith.constant 464 : index
      %get3A_1365 = tpu.vector_load %arg7[%get3A_1364] {strides = array<i32>} : memref<1024xf32, #tpu.memory_space<vmem>>, vector<16xf32>,
      %get3A_1366 = arith.constant 464 : index
      %get3A_1367 = tpu.vector_load %arg8[%get3A_1366] {strides = array<i32>} : memref<1024xf32, #tpu.memory_space<vmem>>, vector<16xf32>,
      %sub3A_1368 = arith.subf %get3A_1365, %get3A_1367 : vector<16xf32>
      %mul3A_1369 = arith.mulf %sub3A_1368, %sub3A_1368 : vector<16xf32>
      %add3A_1370 = arith.addf %add3A_1359, %mul3A_1369 : vector<16xf32>
      %swap3A_1371 = arith.constant 464 : index
      %swap3A_1372 = tpu.vector_load %arg7[%swap3A_1371] {strides = array<i32>} : memref<1024xf32, #tpu.memory_space<vmem>>, vector<16xf32>,
      tpu.vector_store %arg7[%swap3A_1371], %broadcast_in_dim3A_10 {strides = array<i32>} : memref<1024xf32, #tpu.memory_space<vmem>>, vector<16xf32>,
      %swap3A_1373 = arith.constant 464 : index
      %swap3A_1374 = tpu.vector_load %arg8[%swap3A_1373] {strides = array<i32>} : memref<1024xf32, #tpu.memory_space<vmem>>, vector<16xf32>,
      tpu.vector_store %arg8[%swap3A_1373], %broadcast_in_dim3A_10 {strides = array<i32>} : memref<1024xf32, #tpu.memory_space<vmem>>, vector<16xf32>,
      %get3A_1375 = arith.constant 480 : index
      %get3A_1376 = tpu.vector_load %arg7[%get3A_1375] {strides = array<i32>} : memref<1024xf32, #tpu.memory_space<vmem>>, vector<16xf32>,
      %get3A_1377 = arith.constant 480 : index
      %get3A_1378 = tpu.vector_load %arg8[%get3A_1377] {strides = array<i32>} : memref<1024xf32, #tpu.memory_space<vmem>>, vector<16xf32>,
      %sub3A_1379 = arith.subf %get3A_1376, %get3A_1378 : vector<16xf32>
      %mul3A_1380 = arith.mulf %sub3A_1379, %sub3A_1379 : vector<16xf32>
      %add3A_1381 = arith.addf %add3A_1370, %mul3A_1380 : vector<16xf32>
      %swap3A_1382 = arith.constant 480 : index
      %swap3A_1383 = tpu.vector_load %arg7[%swap3A_1382] {strides = array<i32>} : memref<1024xf32, #tpu.memory_space<vmem>>, vector<16xf32>,
      tpu.vector_store %arg7[%swap3A_1382], %broadcast_in_dim3A_10 {strides = array<i32>} : memref<1024xf32, #tpu.memory_space<vmem>>, vector<16xf32>,
      %swap3A_1384 = arith.constant 480 : index
      %swap3A_1385 = tpu.vector_load %arg8[%swap3A_1384] {strides = array<i32>} : memref<1024xf32, #tpu.memory_space<vmem>>, vector<16xf32>,
      tpu.vector_store %arg8[%swap3A_1384], %broadcast_in_dim3A_10 {strides = array<i32>} : memref<1024xf32, #tpu.memory_space<vmem>>, vector<16xf32>,
      %get3A_1386 = arith.constant 496 : index
      %get3A_1387 = tpu.vector_load %arg7[%get3A_1386] {strides = array<i32>} : memref<1024xf32, #tpu.memory_space<vmem>>, vector<16xf32>,
      %get3A_1388 = arith.constant 496 : index
      %get3A_1389 = tpu.vector_load %arg8[%get3A_1388] {strides = array<i32>} : memref<1024xf32, #tpu.memory_space<vmem>>, vector<16xf32>,
      %sub3A_1390 = arith.subf %get3A_1387, %get3A_1389 : vector<16xf32>
      %mul3A_1391 = arith.mulf %sub3A_1390, %sub3A_1390 : vector<16xf32>
      %add3A_1392 = arith.addf %add3A_1381, %mul3A_1391 : vector<16xf32>
      %swap3A_1393 = arith.constant 496 : index
      %swap3A_1394 = tpu.vector_load %arg7[%swap3A_1393] {strides = array<i32>} : memref<1024xf32, #tpu.memory_space<vmem>>, vector<16xf32>,
      tpu.vector_store %arg7[%swap3A_1393], %broadcast_in_dim3A_10 {strides = array<i32>} : memref<1024xf32, #tpu.memory_space<vmem>>, vector<16xf32>,
      %swap3A_1395 = arith.constant 496 : index
      %swap3A_1396 = tpu.vector_load %arg8[%swap3A_1395] {strides = array<i32>} : memref<1024xf32, #tpu.memory_space<vmem>>, vector<16xf32>,
      tpu.vector_store %arg8[%swap3A_1395], %broadcast_in_dim3A_10 {strides = array<i32>} : memref<1024xf32, #tpu.memory_space<vmem>>, vector<16xf32>,
      %get3A_1397 = arith.constant 512 : index
      %get3A_1398 = tpu.vector_load %arg7[%get3A_1397] {strides = array<i32>} : memref<1024xf32, #tpu.memory_space<vmem>>, vector<16xf32>,
      %get3A_1399 = arith.constant 512 : index
      %get3A_1400 = tpu.vector_load %arg8[%get3A_1399] {strides = array<i32>} : memref<1024xf32, #tpu.memory_space<vmem>>, vector<16xf32>,
      %sub3A_1401 = arith.subf %get3A_1398, %get3A_1400 : vector<16xf32>
      %mul3A_1402 = arith.mulf %sub3A_1401, %sub3A_1401 : vector<16xf32>
      %add3A_1403 = arith.addf %add3A_1392, %mul3A_1402 : vector<16xf32>
      %swap3A_1404 = arith.constant 512 : index
      %swap3A_1405 = tpu.vector_load %arg7[%swap3A_1404] {strides = array<i32>} : memref<1024xf32, #tpu.memory_space<vmem>>, vector<16xf32>,
      tpu.vector_store %arg7[%swap3A_1404], %broadcast_in_dim3A_10 {strides = array<i32>} : memref<1024xf32, #tpu.memory_space<vmem>>, vector<16xf32>,
      %swap3A_1406 = arith.constant 512 : index
      %swap3A_1407 = tpu.vector_load %arg8[%swap3A_1406] {strides = array<i32>} : memref<1024xf32, #tpu.memory_space<vmem>>, vector<16xf32>,
      tpu.vector_store %arg8[%swap3A_1406], %broadcast_in_dim3A_10 {strides = array<i32>} : memref<1024xf32, #tpu.memory_space<vmem>>, vector<16xf32>,
      %get3A_1408 = arith.constant 528 : index
      %get3A_1409 = tpu.vector_load %arg7[%get3A_1408] {strides = array<i32>} : memref<1024xf32, #tpu.memory_space<vmem>>, vector<16xf32>,
      %get3A_1410 = arith.constant 528 : index
      %get3A_1411 = tpu.vector_load %arg8[%get3A_1410] {strides = array<i32>} : memref<1024xf32, #tpu.memory_space<vmem>>, vector<16xf32>,
      %sub3A_1412 = arith.subf %get3A_1409, %get3A_1411 : vector<16xf32>
      %mul3A_1413 = arith.mulf %sub3A_1412, %sub3A_1412 : vector<16xf32>
      %add3A_1414 = arith.addf %add3A_1403, %mul3A_1413 : vector<16xf32>
      %swap3A_1415 = arith.constant 528 : index
      %swap3A_1416 = tpu.vector_load %arg7[%swap3A_1415] {strides = array<i32>} : memref<1024xf32, #tpu.memory_space<vmem>>, vector<16xf32>,
      tpu.vector_store %arg7[%swap3A_1415], %broadcast_in_dim3A_10 {strides = array<i32>} : memref<1024xf32, #tpu.memory_space<vmem>>, vector<16xf32>,
      %swap3A_1417 = arith.constant 528 : index
      %swap3A_1418 = tpu.vector_load %arg8[%swap3A_1417] {strides = array<i32>} : memref<1024xf32, #tpu.memory_space<vmem>>, vector<16xf32>,
      tpu.vector_store %arg8[%swap3A_1417], %broadcast_in_dim3A_10 {strides = array<i32>} : memref<1024xf32, #tpu.memory_space<vmem>>, vector<16xf32>,
      %get3A_1419 = arith.constant 544 : index
      %get3A_1420 = tpu.vector_load %arg7[%get3A_1419] {strides = array<i32>} : memref<1024xf32, #tpu.memory_space<vmem>>, vector<16xf32>,
      %get3A_1421 = arith.constant 544 : index
      %get3A_1422 = tpu.vector_load %arg8[%get3A_1421] {strides = array<i32>} : memref<1024xf32, #tpu.memory_space<vmem>>, vector<16xf32>,
      %sub3A_1423 = arith.subf %get3A_1420, %get3A_1422 : vector<16xf32>
      %mul3A_1424 = arith.mulf %sub3A_1423, %sub3A_1423 : vector<16xf32>
      %add3A_1425 = arith.addf %add3A_1414, %mul3A_1424 : vector<16xf32>
      %swap3A_1426 = arith.constant 544 : index
      %swap3A_1427 = tpu.vector_load %arg7[%swap3A_1426] {strides = array<i32>} : memref<1024xf32, #tpu.memory_space<vmem>>, vector<16xf32>,
      tpu.vector_store %arg7[%swap3A_1426], %broadcast_in_dim3A_10 {strides = array<i32>} : memref<1024xf32, #tpu.memory_space<vmem>>, vector<16xf32>,
      %swap3A_1428 = arith.constant 544 : index
      %swap3A_1429 = tpu.vector_load %arg8[%swap3A_1428] {strides = array<i32>} : memref<1024xf32, #tpu.memory_space<vmem>>, vector<16xf32>,
      tpu.vector_store %arg8[%swap3A_1428], %broadcast_in_dim3A_10 {strides = array<i32>} : memref<1024xf32, #tpu.memory_space<vmem>>, vector<16xf32>,
      %get3A_1430 = arith.constant 560 : index
      %get3A_1431 = tpu.vector_load %arg7[%get3A_1430] {strides = array<i32>} : memref<1024xf32, #tpu.memory_space<vmem>>, vector<16xf32>,
      %get3A_1432 = arith.constant 560 : index
      %get3A_1433 = tpu.vector_load %arg8[%get3A_1432] {strides = array<i32>} : memref<1024xf32, #tpu.memory_space<vmem>>, vector<16xf32>,
      %sub3A_1434 = arith.subf %get3A_1431, %get3A_1433 : vector<16xf32>
      %mul3A_1435 = arith.mulf %sub3A_1434, %sub3A_1434 : vector<16xf32>
      %add3A_1436 = arith.addf %add3A_1425, %mul3A_1435 : vector<16xf32>
      %swap3A_1437 = arith.constant 560 : index
      %swap3A_1438 = tpu.vector_load %arg7[%swap3A_1437] {strides = array<i32>} : memref<1024xf32, #tpu.memory_space<vmem>>, vector<16xf32>,
      tpu.vector_store %arg7[%swap3A_1437], %broadcast_in_dim3A_10 {strides = array<i32>} : memref<1024xf32, #tpu.memory_space<vmem>>, vector<16xf32>,
      %swap3A_1439 = arith.constant 560 : index
      %swap3A_1440 = tpu.vector_load %arg8[%swap3A_1439] {strides = array<i32>} : memref<1024xf32, #tpu.memory_space<vmem>>, vector<16xf32>,
      tpu.vector_store %arg8[%swap3A_1439], %broadcast_in_dim3A_10 {strides = array<i32>} : memref<1024xf32, #tpu.memory_space<vmem>>, vector<16xf32>,
      %get3A_1441 = arith.constant 576 : index
      %get3A_1442 = tpu.vector_load %arg7[%get3A_1441] {strides = array<i32>} : memref<1024xf32, #tpu.memory_space<vmem>>, vector<16xf32>,
      %get3A_1443 = arith.constant 576 : index
      %get3A_1444 = tpu.vector_load %arg8[%get3A_1443] {strides = array<i32>} : memref<1024xf32, #tpu.memory_space<vmem>>, vector<16xf32>,
      %sub3A_1445 = arith.subf %get3A_1442, %get3A_1444 : vector<16xf32>
      %mul3A_1446 = arith.mulf %sub3A_1445, %sub3A_1445 : vector<16xf32>
      %add3A_1447 = arith.addf %add3A_1436, %mul3A_1446 : vector<16xf32>
      %swap3A_1448 = arith.constant 576 : index
      %swap3A_1449 = tpu.vector_load %arg7[%swap3A_1448] {strides = array<i32>} : memref<1024xf32, #tpu.memory_space<vmem>>, vector<16xf32>,
      tpu.vector_store %arg7[%swap3A_1448], %broadcast_in_dim3A_10 {strides = array<i32>} : memref<1024xf32, #tpu.memory_space<vmem>>, vector<16xf32>,
      %swap3A_1450 = arith.constant 576 : index
      %swap3A_1451 = tpu.vector_load %arg8[%swap3A_1450] {strides = array<i32>} : memref<1024xf32, #tpu.memory_space<vmem>>, vector<16xf32>,
      tpu.vector_store %arg8[%swap3A_1450], %broadcast_in_dim3A_10 {strides = array<i32>} : memref<1024xf32, #tpu.memory_space<vmem>>, vector<16xf32>,
      %get3A_1452 = arith.constant 592 : index
      %get3A_1453 = tpu.vector_load %arg7[%get3A_1452] {strides = array<i32>} : memref<1024xf32, #tpu.memory_space<vmem>>, vector<16xf32>,
      %get3A_1454 = arith.constant 592 : index
      %get3A_1455 = tpu.vector_load %arg8[%get3A_1454] {strides = array<i32>} : memref<1024xf32, #tpu.memory_space<vmem>>, vector<16xf32>,
      %sub3A_1456 = arith.subf %get3A_1453, %get3A_1455 : vector<16xf32>
      %mul3A_1457 = arith.mulf %sub3A_1456, %sub3A_1456 : vector<16xf32>
      %add3A_1458 = arith.addf %add3A_1447, %mul3A_1457 : vector<16xf32>
      %swap3A_1459 = arith.constant 592 : index
      %swap3A_1460 = tpu.vector_load %arg7[%swap3A_1459] {strides = array<i32>} : memref<1024xf32, #tpu.memory_space<vmem>>, vector<16xf32>,
      tpu.vector_store %arg7[%swap3A_1459], %broadcast_in_dim3A_10 {strides = array<i32>} : memref<1024xf32, #tpu.memory_space<vmem>>, vector<16xf32>,
      %swap3A_1461 = arith.constant 592 : index
      %swap3A_1462 = tpu.vector_load %arg8[%swap3A_1461] {strides = array<i32>} : memref<1024xf32, #tpu.memory_space<vmem>>, vector<16xf32>,
      tpu.vector_store %arg8[%swap3A_1461], %broadcast_in_dim3A_10 {strides = array<i32>} : memref<1024xf32, #tpu.memory_space<vmem>>, vector<16xf32>,
      %get3A_1463 = arith.constant 608 : index
      %get3A_1464 = tpu.vector_load %arg7[%get3A_1463] {strides = array<i32>} : memref<1024xf32, #tpu.memory_space<vmem>>, vector<16xf32>,
      %get3A_1465 = arith.constant 608 : index
      %get3A_1466 = tpu.vector_load %arg8[%get3A_1465] {strides = array<i32>} : memref<1024xf32, #tpu.memory_space<vmem>>, vector<16xf32>,
      %sub3A_1467 = arith.subf %get3A_1464, %get3A_1466 : vector<16xf32>
      %mul3A_1468 = arith.mulf %sub3A_1467, %sub3A_1467 : vector<16xf32>
      %add3A_1469 = arith.addf %add3A_1458, %mul3A_1468 : vector<16xf32>
      %swap3A_1470 = arith.constant 608 : index
      %swap3A_1471 = tpu.vector_load %arg7[%swap3A_1470] {strides = array<i32>} : memref<1024xf32, #tpu.memory_space<vmem>>, vector<16xf32>,
      tpu.vector_store %arg7[%swap3A_1470], %broadcast_in_dim3A_10 {strides = array<i32>} : memref<1024xf32, #tpu.memory_space<vmem>>, vector<16xf32>,
      %swap3A_1472 = arith.constant 608 : index
      %swap3A_1473 = tpu.vector_load %arg8[%swap3A_1472] {strides = array<i32>} : memref<1024xf32, #tpu.memory_space<vmem>>, vector<16xf32>,
      tpu.vector_store %arg8[%swap3A_1472], %broadcast_in_dim3A_10 {strides = array<i32>} : memref<1024xf32, #tpu.memory_space<vmem>>, vector<16xf32>,
      %get3A_1474 = arith.constant 624 : index
      %get3A_1475 = tpu.vector_load %arg7[%get3A_1474] {strides = array<i32>} : memref<1024xf32, #tpu.memory_space<vmem>>, vector<16xf32>,
      %get3A_1476 = arith.constant 624 : index
      %get3A_1477 = tpu.vector_load %arg8[%get3A_1476] {strides = array<i32>} : memref<1024xf32, #tpu.memory_space<vmem>>, vector<16xf32>,
      %sub3A_1478 = arith.subf %get3A_1475, %get3A_1477 : vector<16xf32>
      %mul3A_1479 = arith.mulf %sub3A_1478, %sub3A_1478 : vector<16xf32>
      %add3A_1480 = arith.addf %add3A_1469, %mul3A_1479 : vector<16xf32>
      %swap3A_1481 = arith.constant 624 : index
      %swap3A_1482 = tpu.vector_load %arg7[%swap3A_1481] {strides = array<i32>} : memref<1024xf32, #tpu.memory_space<vmem>>, vector<16xf32>,
      tpu.vector_store %arg7[%swap3A_1481], %broadcast_in_dim3A_10 {strides = array<i32>} : memref<1024xf32, #tpu.memory_space<vmem>>, vector<16xf32>,
      %swap3A_1483 = arith.constant 624 : index
      %swap3A_1484 = tpu.vector_load %arg8[%swap3A_1483] {strides = array<i32>} : memref<1024xf32, #tpu.memory_space<vmem>>, vector<16xf32>,
      tpu.vector_store %arg8[%swap3A_1483], %broadcast_in_dim3A_10 {strides = array<i32>} : memref<1024xf32, #tpu.memory_space<vmem>>, vector<16xf32>,
      %get3A_1485 = arith.constant 640 : index
      %get3A_1486 = tpu.vector_load %arg7[%get3A_1485] {strides = array<i32>} : memref<1024xf32, #tpu.memory_space<vmem>>, vector<16xf32>,
      %get3A_1487 = arith.constant 640 : index
      %get3A_1488 = tpu.vector_load %arg8[%get3A_1487] {strides = array<i32>} : memref<1024xf32, #tpu.memory_space<vmem>>, vector<16xf32>,
      %sub3A_1489 = arith.subf %get3A_1486, %get3A_1488 : vector<16xf32>
      %mul3A_1490 = arith.mulf %sub3A_1489, %sub3A_1489 : vector<16xf32>
      %add3A_1491 = arith.addf %add3A_1480, %mul3A_1490 : vector<16xf32>
      %swap3A_1492 = arith.constant 640 : index
      %swap3A_1493 = tpu.vector_load %arg7[%swap3A_1492] {strides = array<i32>} : memref<1024xf32, #tpu.memory_space<vmem>>, vector<16xf32>,
      tpu.vector_store %arg7[%swap3A_1492], %broadcast_in_dim3A_10 {strides = array<i32>} : memref<1024xf32, #tpu.memory_space<vmem>>, vector<16xf32>,
      %swap3A_1494 = arith.constant 640 : index
      %swap3A_1495 = tpu.vector_load %arg8[%swap3A_1494] {strides = array<i32>} : memref<1024xf32, #tpu.memory_space<vmem>>, vector<16xf32>,
      tpu.vector_store %arg8[%swap3A_1494], %broadcast_in_dim3A_10 {strides = array<i32>} : memref<1024xf32, #tpu.memory_space<vmem>>, vector<16xf32>,
      %get3A_1496 = arith.constant 656 : index
      %get3A_1497 = tpu.vector_load %arg7[%get3A_1496] {strides = array<i32>} : memref<1024xf32, #tpu.memory_space<vmem>>, vector<16xf32>,
      %get3A_1498 = arith.constant 656 : index
      %get3A_1499 = tpu.vector_load %arg8[%get3A_1498] {strides = array<i32>} : memref<1024xf32, #tpu.memory_space<vmem>>, vector<16xf32>,
      %sub3A_1500 = arith.subf %get3A_1497, %get3A_1499 : vector<16xf32>
      %mul3A_1501 = arith.mulf %sub3A_1500, %sub3A_1500 : vector<16xf32>
      %add3A_1502 = arith.addf %add3A_1491, %mul3A_1501 : vector<16xf32>
      %swap3A_1503 = arith.constant 656 : index
      %swap3A_1504 = tpu.vector_load %arg7[%swap3A_1503] {strides = array<i32>} : memref<1024xf32, #tpu.memory_space<vmem>>, vector<16xf32>,
      tpu.vector_store %arg7[%swap3A_1503], %broadcast_in_dim3A_10 {strides = array<i32>} : memref<1024xf32, #tpu.memory_space<vmem>>, vector<16xf32>,
      %swap3A_1505 = arith.constant 656 : index
      %swap3A_1506 = tpu.vector_load %arg8[%swap3A_1505] {strides = array<i32>} : memref<1024xf32, #tpu.memory_space<vmem>>, vector<16xf32>,
      tpu.vector_store %arg8[%swap3A_1505], %broadcast_in_dim3A_10 {strides = array<i32>} : memref<1024xf32, #tpu.memory_space<vmem>>, vector<16xf32>,
      %get3A_1507 = arith.constant 672 : index
      %get3A_1508 = tpu.vector_load %arg7[%get3A_1507] {strides = array<i32>} : memref<1024xf32, #tpu.memory_space<vmem>>, vector<16xf32>,
      %get3A_1509 = arith.constant 672 : index
      %get3A_1510 = tpu.vector_load %arg8[%get3A_1509] {strides = array<i32>} : memref<1024xf32, #tpu.memory_space<vmem>>, vector<16xf32>,
      %sub3A_1511 = arith.subf %get3A_1508, %get3A_1510 : vector<16xf32>
      %mul3A_1512 = arith.mulf %sub3A_1511, %sub3A_1511 : vector<16xf32>
      %add3A_1513 = arith.addf %add3A_1502, %mul3A_1512 : vector<16xf32>
      %swap3A_1514 = arith.constant 672 : index
      %swap3A_1515 = tpu.vector_load %arg7[%swap3A_1514] {strides = array<i32>} : memref<1024xf32, #tpu.memory_space<vmem>>, vector<16xf32>,
      tpu.vector_store %arg7[%swap3A_1514], %broadcast_in_dim3A_10 {strides = array<i32>} : memref<1024xf32, #tpu.memory_space<vmem>>, vector<16xf32>,
      %swap3A_1516 = arith.constant 672 : index
      %swap3A_1517 = tpu.vector_load %arg8[%swap3A_1516] {strides = array<i32>} : memref<1024xf32, #tpu.memory_space<vmem>>, vector<16xf32>,
      tpu.vector_store %arg8[%swap3A_1516], %broadcast_in_dim3A_10 {strides = array<i32>} : memref<1024xf32, #tpu.memory_space<vmem>>, vector<16xf32>,
      %get3A_1518 = arith.constant 688 : index
      %get3A_1519 = tpu.vector_load %arg7[%get3A_1518] {strides = array<i32>} : memref<1024xf32, #tpu.memory_space<vmem>>, vector<16xf32>,
      %get3A_1520 = arith.constant 688 : index
      %get3A_1521 = tpu.vector_load %arg8[%get3A_1520] {strides = array<i32>} : memref<1024xf32, #tpu.memory_space<vmem>>, vector<16xf32>,
      %sub3A_1522 = arith.subf %get3A_1519, %get3A_1521 : vector<16xf32>
      %mul3A_1523 = arith.mulf %sub3A_1522, %sub3A_1522 : vector<16xf32>
      %add3A_1524 = arith.addf %add3A_1513, %mul3A_1523 : vector<16xf32>
      %swap3A_1525 = arith.constant 688 : index
      %swap3A_1526 = tpu.vector_load %arg7[%swap3A_1525] {strides = array<i32>} : memref<1024xf32, #tpu.memory_space<vmem>>, vector<16xf32>,
      tpu.vector_store %arg7[%swap3A_1525], %broadcast_in_dim3A_10 {strides = array<i32>} : memref<1024xf32, #tpu.memory_space<vmem>>, vector<16xf32>,
      %swap3A_1527 = arith.constant 688 : index
      %swap3A_1528 = tpu.vector_load %arg8[%swap3A_1527] {strides = array<i32>} : memref<1024xf32, #tpu.memory_space<vmem>>, vector<16xf32>,
      tpu.vector_store %arg8[%swap3A_1527], %broadcast_in_dim3A_10 {strides = array<i32>} : memref<1024xf32, #tpu.memory_space<vmem>>, vector<16xf32>,
      %get3A_1529 = arith.constant 704 : index
      %get3A_1530 = tpu.vector_load %arg7[%get3A_1529] {strides = array<i32>} : memref<1024xf32, #tpu.memory_space<vmem>>, vector<16xf32>,
      %get3A_1531 = arith.constant 704 : index
      %get3A_1532 = tpu.vector_load %arg8[%get3A_1531] {strides = array<i32>} : memref<1024xf32, #tpu.memory_space<vmem>>, vector<16xf32>,
      %sub3A_1533 = arith.subf %get3A_1530, %get3A_1532 : vector<16xf32>
      %mul3A_1534 = arith.mulf %sub3A_1533, %sub3A_1533 : vector<16xf32>
      %add3A_1535 = arith.addf %add3A_1524, %mul3A_1534 : vector<16xf32>
      %swap3A_1536 = arith.constant 704 : index
      %swap3A_1537 = tpu.vector_load %arg7[%swap3A_1536] {strides = array<i32>} : memref<1024xf32, #tpu.memory_space<vmem>>, vector<16xf32>,
      tpu.vector_store %arg7[%swap3A_1536], %broadcast_in_dim3A_10 {strides = array<i32>} : memref<1024xf32, #tpu.memory_space<vmem>>, vector<16xf32>,
      %swap3A_1538 = arith.constant 704 : index
      %swap3A_1539 = tpu.vector_load %arg8[%swap3A_1538] {strides = array<i32>} : memref<1024xf32, #tpu.memory_space<vmem>>, vector<16xf32>,
      tpu.vector_store %arg8[%swap3A_1538], %broadcast_in_dim3A_10 {strides = array<i32>} : memref<1024xf32, #tpu.memory_space<vmem>>, vector<16xf32>,
      %get3A_1540 = arith.constant 720 : index
      %get3A_1541 = tpu.vector_load %arg7[%get3A_1540] {strides = array<i32>} : memref<1024xf32, #tpu.memory_space<vmem>>, vector<16xf32>,
      %get3A_1542 = arith.constant 720 : index
      %get3A_1543 = tpu.vector_load %arg8[%get3A_1542] {strides = array<i32>} : memref<1024xf32, #tpu.memory_space<vmem>>, vector<16xf32>,
      %sub3A_1544 = arith.subf %get3A_1541, %get3A_1543 : vector<16xf32>
      %mul3A_1545 = arith.mulf %sub3A_1544, %sub3A_1544 : vector<16xf32>
      %add3A_1546 = arith.addf %add3A_1535, %mul3A_1545 : vector<16xf32>
      %swap3A_1547 = arith.constant 720 : index
      %swap3A_1548 = tpu.vector_load %arg7[%swap3A_1547] {strides = array<i32>} : memref<1024xf32, #tpu.memory_space<vmem>>, vector<16xf32>,
      tpu.vector_store %arg7[%swap3A_1547], %broadcast_in_dim3A_10 {strides = array<i32>} : memref<1024xf32, #tpu.memory_space<vmem>>, vector<16xf32>,
      %swap3A_1549 = arith.constant 720 : index
      %swap3A_1550 = tpu.vector_load %arg8[%swap3A_1549] {strides = array<i32>} : memref<1024xf32, #tpu.memory_space<vmem>>, vector<16xf32>,
      tpu.vector_store %arg8[%swap3A_1549], %broadcast_in_dim3A_10 {strides = array<i32>} : memref<1024xf32, #tpu.memory_space<vmem>>, vector<16xf32>,
      %get3A_1551 = arith.constant 736 : index
      %get3A_1552 = tpu.vector_load %arg7[%get3A_1551] {strides = array<i32>} : memref<1024xf32, #tpu.memory_space<vmem>>, vector<16xf32>,
      %get3A_1553 = arith.constant 736 : index
      %get3A_1554 = tpu.vector_load %arg8[%get3A_1553] {strides = array<i32>} : memref<1024xf32, #tpu.memory_space<vmem>>, vector<16xf32>,
      %sub3A_1555 = arith.subf %get3A_1552, %get3A_1554 : vector<16xf32>
      %mul3A_1556 = arith.mulf %sub3A_1555, %sub3A_1555 : vector<16xf32>
      %add3A_1557 = arith.addf %add3A_1546, %mul3A_1556 : vector<16xf32>
      %swap3A_1558 = arith.constant 736 : index
      %swap3A_1559 = tpu.vector_load %arg7[%swap3A_1558] {strides = array<i32>} : memref<1024xf32, #tpu.memory_space<vmem>>, vector<16xf32>,
      tpu.vector_store %arg7[%swap3A_1558], %broadcast_in_dim3A_10 {strides = array<i32>} : memref<1024xf32, #tpu.memory_space<vmem>>, vector<16xf32>,
      %swap3A_1560 = arith.constant 736 : index
      %swap3A_1561 = tpu.vector_load %arg8[%swap3A_1560] {strides = array<i32>} : memref<1024xf32, #tpu.memory_space<vmem>>, vector<16xf32>,
      tpu.vector_store %arg8[%swap3A_1560], %broadcast_in_dim3A_10 {strides = array<i32>} : memref<1024xf32, #tpu.memory_space<vmem>>, vector<16xf32>,
      %get3A_1562 = arith.constant 752 : index
      %get3A_1563 = tpu.vector_load %arg7[%get3A_1562] {strides = array<i32>} : memref<1024xf32, #tpu.memory_space<vmem>>, vector<16xf32>,
      %get3A_1564 = arith.constant 752 : index
      %get3A_1565 = tpu.vector_load %arg8[%get3A_1564] {strides = array<i32>} : memref<1024xf32, #tpu.memory_space<vmem>>, vector<16xf32>,
      %sub3A_1566 = arith.subf %get3A_1563, %get3A_1565 : vector<16xf32>
      %mul3A_1567 = arith.mulf %sub3A_1566, %sub3A_1566 : vector<16xf32>
      %add3A_1568 = arith.addf %add3A_1557, %mul3A_1567 : vector<16xf32>
      %swap3A_1569 = arith.constant 752 : index
      %swap3A_1570 = tpu.vector_load %arg7[%swap3A_1569] {strides = array<i32>} : memref<1024xf32, #tpu.memory_space<vmem>>, vector<16xf32>,
      tpu.vector_store %arg7[%swap3A_1569], %broadcast_in_dim3A_10 {strides = array<i32>} : memref<1024xf32, #tpu.memory_space<vmem>>, vector<16xf32>,
      %swap3A_1571 = arith.constant 752 : index
      %swap3A_1572 = tpu.vector_load %arg8[%swap3A_1571] {strides = array<i32>} : memref<1024xf32, #tpu.memory_space<vmem>>, vector<16xf32>,
      tpu.vector_store %arg8[%swap3A_1571], %broadcast_in_dim3A_10 {strides = array<i32>} : memref<1024xf32, #tpu.memory_space<vmem>>, vector<16xf32>,
      %get3A_1573 = arith.constant 768 : index
      %get3A_1574 = tpu.vector_load %arg7[%get3A_1573] {strides = array<i32>} : memref<1024xf32, #tpu.memory_space<vmem>>, vector<16xf32>,
      %get3A_1575 = arith.constant 768 : index
      %get3A_1576 = tpu.vector_load %arg8[%get3A_1575] {strides = array<i32>} : memref<1024xf32, #tpu.memory_space<vmem>>, vector<16xf32>,
      %sub3A_1577 = arith.subf %get3A_1574, %get3A_1576 : vector<16xf32>
      %mul3A_1578 = arith.mulf %sub3A_1577, %sub3A_1577 : vector<16xf32>
      %add3A_1579 = arith.addf %add3A_1568, %mul3A_1578 : vector<16xf32>
      %swap3A_1580 = arith.constant 768 : index
      %swap3A_1581 = tpu.vector_load %arg7[%swap3A_1580] {strides = array<i32>} : memref<1024xf32, #tpu.memory_space<vmem>>, vector<16xf32>,
      tpu.vector_store %arg7[%swap3A_1580], %broadcast_in_dim3A_10 {strides = array<i32>} : memref<1024xf32, #tpu.memory_space<vmem>>, vector<16xf32>,
      %swap3A_1582 = arith.constant 768 : index
      %swap3A_1583 = tpu.vector_load %arg8[%swap3A_1582] {strides = array<i32>} : memref<1024xf32, #tpu.memory_space<vmem>>, vector<16xf32>,
      tpu.vector_store %arg8[%swap3A_1582], %broadcast_in_dim3A_10 {strides = array<i32>} : memref<1024xf32, #tpu.memory_space<vmem>>, vector<16xf32>,
      %get3A_1584 = arith.constant 784 : index
      %get3A_1585 = tpu.vector_load %arg7[%get3A_1584] {strides = array<i32>} : memref<1024xf32, #tpu.memory_space<vmem>>, vector<16xf32>,
      %get3A_1586 = arith.constant 784 : index
      %get3A_1587 = tpu.vector_load %arg8[%get3A_1586] {strides = array<i32>} : memref<1024xf32, #tpu.memory_space<vmem>>, vector<16xf32>,
      %sub3A_1588 = arith.subf %get3A_1585, %get3A_1587 : vector<16xf32>
      %mul3A_1589 = arith.mulf %sub3A_1588, %sub3A_1588 : vector<16xf32>
      %add3A_1590 = arith.addf %add3A_1579, %mul3A_1589 : vector<16xf32>
      %swap3A_1591 = arith.constant 784 : index
      %swap3A_1592 = tpu.vector_load %arg7[%swap3A_1591] {strides = array<i32>} : memref<1024xf32, #tpu.memory_space<vmem>>, vector<16xf32>,
      tpu.vector_store %arg7[%swap3A_1591], %broadcast_in_dim3A_10 {strides = array<i32>} : memref<1024xf32, #tpu.memory_space<vmem>>, vector<16xf32>,
      %swap3A_1593 = arith.constant 784 : index
      %swap3A_1594 = tpu.vector_load %arg8[%swap3A_1593] {strides = array<i32>} : memref<1024xf32, #tpu.memory_space<vmem>>, vector<16xf32>,
      tpu.vector_store %arg8[%swap3A_1593], %broadcast_in_dim3A_10 {strides = array<i32>} : memref<1024xf32, #tpu.memory_space<vmem>>, vector<16xf32>,
      %get3A_1595 = arith.constant 800 : index
      %get3A_1596 = tpu.vector_load %arg7[%get3A_1595] {strides = array<i32>} : memref<1024xf32, #tpu.memory_space<vmem>>, vector<16xf32>,
      %get3A_1597 = arith.constant 800 : index
      %get3A_1598 = tpu.vector_load %arg8[%get3A_1597] {strides = array<i32>} : memref<1024xf32, #tpu.memory_space<vmem>>, vector<16xf32>,
      %sub3A_1599 = arith.subf %get3A_1596, %get3A_1598 : vector<16xf32>
      %mul3A_1600 = arith.mulf %sub3A_1599, %sub3A_1599 : vector<16xf32>
      %add3A_1601 = arith.addf %add3A_1590, %mul3A_1600 : vector<16xf32>
      %swap3A_1602 = arith.constant 800 : index
      %swap3A_1603 = tpu.vector_load %arg7[%swap3A_1602] {strides = array<i32>} : memref<1024xf32, #tpu.memory_space<vmem>>, vector<16xf32>,
      tpu.vector_store %arg7[%swap3A_1602], %broadcast_in_dim3A_10 {strides = array<i32>} : memref<1024xf32, #tpu.memory_space<vmem>>, vector<16xf32>,
      %swap3A_1604 = arith.constant 800 : index
      %swap3A_1605 = tpu.vector_load %arg8[%swap3A_1604] {strides = array<i32>} : memref<1024xf32, #tpu.memory_space<vmem>>, vector<16xf32>,
      tpu.vector_store %arg8[%swap3A_1604], %broadcast_in_dim3A_10 {strides = array<i32>} : memref<1024xf32, #tpu.memory_space<vmem>>, vector<16xf32>,
      %get3A_1606 = arith.constant 816 : index
      %get3A_1607 = tpu.vector_load %arg7[%get3A_1606] {strides = array<i32>} : memref<1024xf32, #tpu.memory_space<vmem>>, vector<16xf32>,
      %get3A_1608 = arith.constant 816 : index
      %get3A_1609 = tpu.vector_load %arg8[%get3A_1608] {strides = array<i32>} : memref<1024xf32, #tpu.memory_space<vmem>>, vector<16xf32>,
      %sub3A_1610 = arith.subf %get3A_1607, %get3A_1609 : vector<16xf32>
      %mul3A_1611 = arith.mulf %sub3A_1610, %sub3A_1610 : vector<16xf32>
      %add3A_1612 = arith.addf %add3A_1601, %mul3A_1611 : vector<16xf32>
      %swap3A_1613 = arith.constant 816 : index
      %swap3A_1614 = tpu.vector_load %arg7[%swap3A_1613] {strides = array<i32>} : memref<1024xf32, #tpu.memory_space<vmem>>, vector<16xf32>,
      tpu.vector_store %arg7[%swap3A_1613], %broadcast_in_dim3A_10 {strides = array<i32>} : memref<1024xf32, #tpu.memory_space<vmem>>, vector<16xf32>,
      %swap3A_1615 = arith.constant 816 : index
      %swap3A_1616 = tpu.vector_load %arg8[%swap3A_1615] {strides = array<i32>} : memref<1024xf32, #tpu.memory_space<vmem>>, vector<16xf32>,
      tpu.vector_store %arg8[%swap3A_1615], %broadcast_in_dim3A_10 {strides = array<i32>} : memref<1024xf32, #tpu.memory_space<vmem>>, vector<16xf32>,
      %get3A_1617 = arith.constant 832 : index
      %get3A_1618 = tpu.vector_load %arg7[%get3A_1617] {strides = array<i32>} : memref<1024xf32, #tpu.memory_space<vmem>>, vector<16xf32>,
      %get3A_1619 = arith.constant 832 : index
      %get3A_1620 = tpu.vector_load %arg8[%get3A_1619] {strides = array<i32>} : memref<1024xf32, #tpu.memory_space<vmem>>, vector<16xf32>,
      %sub3A_1621 = arith.subf %get3A_1618, %get3A_1620 : vector<16xf32>
      %mul3A_1622 = arith.mulf %sub3A_1621, %sub3A_1621 : vector<16xf32>
      %add3A_1623 = arith.addf %add3A_1612, %mul3A_1622 : vector<16xf32>
      %swap3A_1624 = arith.constant 832 : index
      %swap3A_1625 = tpu.vector_load %arg7[%swap3A_1624] {strides = array<i32>} : memref<1024xf32, #tpu.memory_space<vmem>>, vector<16xf32>,
      tpu.vector_store %arg7[%swap3A_1624], %broadcast_in_dim3A_10 {strides = array<i32>} : memref<1024xf32, #tpu.memory_space<vmem>>, vector<16xf32>,
      %swap3A_1626 = arith.constant 832 : index
      %swap3A_1627 = tpu.vector_load %arg8[%swap3A_1626] {strides = array<i32>} : memref<1024xf32, #tpu.memory_space<vmem>>, vector<16xf32>,
      tpu.vector_store %arg8[%swap3A_1626], %broadcast_in_dim3A_10 {strides = array<i32>} : memref<1024xf32, #tpu.memory_space<vmem>>, vector<16xf32>,
      %get3A_1628 = arith.constant 848 : index
      %get3A_1629 = tpu.vector_load %arg7[%get3A_1628] {strides = array<i32>} : memref<1024xf32, #tpu.memory_space<vmem>>, vector<16xf32>,
      %get3A_1630 = arith.constant 848 : index
      %get3A_1631 = tpu.vector_load %arg8[%get3A_1630] {strides = array<i32>} : memref<1024xf32, #tpu.memory_space<vmem>>, vector<16xf32>,
      %sub3A_1632 = arith.subf %get3A_1629, %get3A_1631 : vector<16xf32>
      %mul3A_1633 = arith.mulf %sub3A_1632, %sub3A_1632 : vector<16xf32>
      %add3A_1634 = arith.addf %add3A_1623, %mul3A_1633 : vector<16xf32>
      %swap3A_1635 = arith.constant 848 : index
      %swap3A_1636 = tpu.vector_load %arg7[%swap3A_1635] {strides = array<i32>} : memref<1024xf32, #tpu.memory_space<vmem>>, vector<16xf32>,
      tpu.vector_store %arg7[%swap3A_1635], %broadcast_in_dim3A_10 {strides = array<i32>} : memref<1024xf32, #tpu.memory_space<vmem>>, vector<16xf32>,
      %swap3A_1637 = arith.constant 848 : index
      %swap3A_1638 = tpu.vector_load %arg8[%swap3A_1637] {strides = array<i32>} : memref<1024xf32, #tpu.memory_space<vmem>>, vector<16xf32>,
      tpu.vector_store %arg8[%swap3A_1637], %broadcast_in_dim3A_10 {strides = array<i32>} : memref<1024xf32, #tpu.memory_space<vmem>>, vector<16xf32>,
      %get3A_1639 = arith.constant 864 : index
      %get3A_1640 = tpu.vector_load %arg7[%get3A_1639] {strides = array<i32>} : memref<1024xf32, #tpu.memory_space<vmem>>, vector<16xf32>,
      %get3A_1641 = arith.constant 864 : index
      %get3A_1642 = tpu.vector_load %arg8[%get3A_1641] {strides = array<i32>} : memref<1024xf32, #tpu.memory_space<vmem>>, vector<16xf32>,
      %sub3A_1643 = arith.subf %get3A_1640, %get3A_1642 : vector<16xf32>
      %mul3A_1644 = arith.mulf %sub3A_1643, %sub3A_1643 : vector<16xf32>
      %add3A_1645 = arith.addf %add3A_1634, %mul3A_1644 : vector<16xf32>
      %swap3A_1646 = arith.constant 864 : index
      %swap3A_1647 = tpu.vector_load %arg7[%swap3A_1646] {strides = array<i32>} : memref<1024xf32, #tpu.memory_space<vmem>>, vector<16xf32>,
      tpu.vector_store %arg7[%swap3A_1646], %broadcast_in_dim3A_10 {strides = array<i32>} : memref<1024xf32, #tpu.memory_space<vmem>>, vector<16xf32>,
      %swap3A_1648 = arith.constant 864 : index
      %swap3A_1649 = tpu.vector_load %arg8[%swap3A_1648] {strides = array<i32>} : memref<1024xf32, #tpu.memory_space<vmem>>, vector<16xf32>,
      tpu.vector_store %arg8[%swap3A_1648], %broadcast_in_dim3A_10 {strides = array<i32>} : memref<1024xf32, #tpu.memory_space<vmem>>, vector<16xf32>,
      %get3A_1650 = arith.constant 880 : index
      %get3A_1651 = tpu.vector_load %arg7[%get3A_1650] {strides = array<i32>} : memref<1024xf32, #tpu.memory_space<vmem>>, vector<16xf32>,
      %get3A_1652 = arith.constant 880 : index
      %get3A_1653 = tpu.vector_load %arg8[%get3A_1652] {strides = array<i32>} : memref<1024xf32, #tpu.memory_space<vmem>>, vector<16xf32>,
      %sub3A_1654 = arith.subf %get3A_1651, %get3A_1653 : vector<16xf32>
      %mul3A_1655 = arith.mulf %sub3A_1654, %sub3A_1654 : vector<16xf32>
      %add3A_1656 = arith.addf %add3A_1645, %mul3A_1655 : vector<16xf32>
      %swap3A_1657 = arith.constant 880 : index
      %swap3A_1658 = tpu.vector_load %arg7[%swap3A_1657] {strides = array<i32>} : memref<1024xf32, #tpu.memory_space<vmem>>, vector<16xf32>,
      tpu.vector_store %arg7[%swap3A_1657], %broadcast_in_dim3A_10 {strides = array<i32>} : memref<1024xf32, #tpu.memory_space<vmem>>, vector<16xf32>,
      %swap3A_1659 = arith.constant 880 : index
      %swap3A_1660 = tpu.vector_load %arg8[%swap3A_1659] {strides = array<i32>} : memref<1024xf32, #tpu.memory_space<vmem>>, vector<16xf32>,
      tpu.vector_store %arg8[%swap3A_1659], %broadcast_in_dim3A_10 {strides = array<i32>} : memref<1024xf32, #tpu.memory_space<vmem>>, vector<16xf32>,
      %get3A_1661 = arith.constant 896 : index
      %get3A_1662 = tpu.vector_load %arg7[%get3A_1661] {strides = array<i32>} : memref<1024xf32, #tpu.memory_space<vmem>>, vector<16xf32>,
      %get3A_1663 = arith.constant 896 : index
      %get3A_1664 = tpu.vector_load %arg8[%get3A_1663] {strides = array<i32>} : memref<1024xf32, #tpu.memory_space<vmem>>, vector<16xf32>,
      %sub3A_1665 = arith.subf %get3A_1662, %get3A_1664 : vector<16xf32>
      %mul3A_1666 = arith.mulf %sub3A_1665, %sub3A_1665 : vector<16xf32>
      %add3A_1667 = arith.addf %add3A_1656, %mul3A_1666 : vector<16xf32>
      %swap3A_1668 = arith.constant 896 : index
      %swap3A_1669 = tpu.vector_load %arg7[%swap3A_1668] {strides = array<i32>} : memref<1024xf32, #tpu.memory_space<vmem>>, vector<16xf32>,
      tpu.vector_store %arg7[%swap3A_1668], %broadcast_in_dim3A_10 {strides = array<i32>} : memref<1024xf32, #tpu.memory_space<vmem>>, vector<16xf32>,
      %swap3A_1670 = arith.constant 896 : index
      %swap3A_1671 = tpu.vector_load %arg8[%swap3A_1670] {strides = array<i32>} : memref<1024xf32, #tpu.memory_space<vmem>>, vector<16xf32>,
      tpu.vector_store %arg8[%swap3A_1670], %broadcast_in_dim3A_10 {strides = array<i32>} : memref<1024xf32, #tpu.memory_space<vmem>>, vector<16xf32>,
      %get3A_1672 = arith.constant 912 : index
      %get3A_1673 = tpu.vector_load %arg7[%get3A_1672] {strides = array<i32>} : memref<1024xf32, #tpu.memory_space<vmem>>, vector<16xf32>,
      %get3A_1674 = arith.constant 912 : index
      %get3A_1675 = tpu.vector_load %arg8[%get3A_1674] {strides = array<i32>} : memref<1024xf32, #tpu.memory_space<vmem>>, vector<16xf32>,
      %sub3A_1676 = arith.subf %get3A_1673, %get3A_1675 : vector<16xf32>
      %mul3A_1677 = arith.mulf %sub3A_1676, %sub3A_1676 : vector<16xf32>
      %add3A_1678 = arith.addf %add3A_1667, %mul3A_1677 : vector<16xf32>
      %swap3A_1679 = arith.constant 912 : index
      %swap3A_1680 = tpu.vector_load %arg7[%swap3A_1679] {strides = array<i32>} : memref<1024xf32, #tpu.memory_space<vmem>>, vector<16xf32>,
      tpu.vector_store %arg7[%swap3A_1679], %broadcast_in_dim3A_10 {strides = array<i32>} : memref<1024xf32, #tpu.memory_space<vmem>>, vector<16xf32>,
      %swap3A_1681 = arith.constant 912 : index
      %swap3A_1682 = tpu.vector_load %arg8[%swap3A_1681] {strides = array<i32>} : memref<1024xf32, #tpu.memory_space<vmem>>, vector<16xf32>,
      tpu.vector_store %arg8[%swap3A_1681], %broadcast_in_dim3A_10 {strides = array<i32>} : memref<1024xf32, #tpu.memory_space<vmem>>, vector<16xf32>,
      %get3A_1683 = arith.constant 928 : index
      %get3A_1684 = tpu.vector_load %arg7[%get3A_1683] {strides = array<i32>} : memref<1024xf32, #tpu.memory_space<vmem>>, vector<16xf32>,
      %get3A_1685 = arith.constant 928 : index
      %get3A_1686 = tpu.vector_load %arg8[%get3A_1685] {strides = array<i32>} : memref<1024xf32, #tpu.memory_space<vmem>>, vector<16xf32>,
      %sub3A_1687 = arith.subf %get3A_1684, %get3A_1686 : vector<16xf32>
      %mul3A_1688 = arith.mulf %sub3A_1687, %sub3A_1687 : vector<16xf32>
      %add3A_1689 = arith.addf %add3A_1678, %mul3A_1688 : vector<16xf32>
      %swap3A_1690 = arith.constant 928 : index
      %swap3A_1691 = tpu.vector_load %arg7[%swap3A_1690] {strides = array<i32>} : memref<1024xf32, #tpu.memory_space<vmem>>, vector<16xf32>,
      tpu.vector_store %arg7[%swap3A_1690], %broadcast_in_dim3A_10 {strides = array<i32>} : memref<1024xf32, #tpu.memory_space<vmem>>, vector<16xf32>,
      %swap3A_1692 = arith.constant 928 : index
      %swap3A_1693 = tpu.vector_load %arg8[%swap3A_1692] {strides = array<i32>} : memref<1024xf32, #tpu.memory_space<vmem>>, vector<16xf32>,
      tpu.vector_store %arg8[%swap3A_1692], %broadcast_in_dim3A_10 {strides = array<i32>} : memref<1024xf32, #tpu.memory_space<vmem>>, vector<16xf32>,
      %get3A_1694 = arith.constant 944 : index
      %get3A_1695 = tpu.vector_load %arg7[%get3A_1694] {strides = array<i32>} : memref<1024xf32, #tpu.memory_space<vmem>>, vector<16xf32>,
      %get3A_1696 = arith.constant 944 : index
      %get3A_1697 = tpu.vector_load %arg8[%get3A_1696] {strides = array<i32>} : memref<1024xf32, #tpu.memory_space<vmem>>, vector<16xf32>,
      %sub3A_1698 = arith.subf %get3A_1695, %get3A_1697 : vector<16xf32>
      %mul3A_1699 = arith.mulf %sub3A_1698, %sub3A_1698 : vector<16xf32>
      %add3A_1700 = arith.addf %add3A_1689, %mul3A_1699 : vector<16xf32>
      %swap3A_1701 = arith.constant 944 : index
      %swap3A_1702 = tpu.vector_load %arg7[%swap3A_1701] {strides = array<i32>} : memref<1024xf32, #tpu.memory_space<vmem>>, vector<16xf32>,
      tpu.vector_store %arg7[%swap3A_1701], %broadcast_in_dim3A_10 {strides = array<i32>} : memref<1024xf32, #tpu.memory_space<vmem>>, vector<16xf32>,
      %swap3A_1703 = arith.constant 944 : index
      %swap3A_1704 = tpu.vector_load %arg8[%swap3A_1703] {strides = array<i32>} : memref<1024xf32, #tpu.memory_space<vmem>>, vector<16xf32>,
      tpu.vector_store %arg8[%swap3A_1703], %broadcast_in_dim3A_10 {strides = array<i32>} : memref<1024xf32, #tpu.memory_space<vmem>>, vector<16xf32>,
      %get3A_1705 = arith.constant 960 : index
      %get3A_1706 = tpu.vector_load %arg7[%get3A_1705] {strides = array<i32>} : memref<1024xf32, #tpu.memory_space<vmem>>, vector<16xf32>,
      %get3A_1707 = arith.constant 960 : index
      %get3A_1708 = tpu.vector_load %arg8[%get3A_1707] {strides = array<i32>} : memref<1024xf32, #tpu.memory_space<vmem>>, vector<16xf32>,
      %sub3A_1709 = arith.subf %get3A_1706, %get3A_1708 : vector<16xf32>
      %mul3A_1710 = arith.mulf %sub3A_1709, %sub3A_1709 : vector<16xf32>
      %add3A_1711 = arith.addf %add3A_1700, %mul3A_1710 : vector<16xf32>
      %swap3A_1712 = arith.constant 960 : index
      %swap3A_1713 = tpu.vector_load %arg7[%swap3A_1712] {strides = array<i32>} : memref<1024xf32, #tpu.memory_space<vmem>>, vector<16xf32>,
      tpu.vector_store %arg7[%swap3A_1712], %broadcast_in_dim3A_10 {strides = array<i32>} : memref<1024xf32, #tpu.memory_space<vmem>>, vector<16xf32>,
      %swap3A_1714 = arith.constant 960 : index
      %swap3A_1715 = tpu.vector_load %arg8[%swap3A_1714] {strides = array<i32>} : memref<1024xf32, #tpu.memory_space<vmem>>, vector<16xf32>,
      tpu.vector_store %arg8[%swap3A_1714], %broadcast_in_dim3A_10 {strides = array<i32>} : memref<1024xf32, #tpu.memory_space<vmem>>, vector<16xf32>,
      %get3A_1716 = arith.constant 976 : index
      %get3A_1717 = tpu.vector_load %arg7[%get3A_1716] {strides = array<i32>} : memref<1024xf32, #tpu.memory_space<vmem>>, vector<16xf32>,
      %get3A_1718 = arith.constant 976 : index
      %get3A_1719 = tpu.vector_load %arg8[%get3A_1718] {strides = array<i32>} : memref<1024xf32, #tpu.memory_space<vmem>>, vector<16xf32>,
      %sub3A_1720 = arith.subf %get3A_1717, %get3A_1719 : vector<16xf32>
      %mul3A_1721 = arith.mulf %sub3A_1720, %sub3A_1720 : vector<16xf32>
      %add3A_1722 = arith.addf %add3A_1711, %mul3A_1721 : vector<16xf32>
      %swap3A_1723 = arith.constant 976 : index
      %swap3A_1724 = tpu.vector_load %arg7[%swap3A_1723] {strides = array<i32>} : memref<1024xf32, #tpu.memory_space<vmem>>, vector<16xf32>,
      tpu.vector_store %arg7[%swap3A_1723], %broadcast_in_dim3A_10 {strides = array<i32>} : memref<1024xf32, #tpu.memory_space<vmem>>, vector<16xf32>,
      %swap3A_1725 = arith.constant 976 : index
      %swap3A_1726 = tpu.vector_load %arg8[%swap3A_1725] {strides = array<i32>} : memref<1024xf32, #tpu.memory_space<vmem>>, vector<16xf32>,
      tpu.vector_store %arg8[%swap3A_1725], %broadcast_in_dim3A_10 {strides = array<i32>} : memref<1024xf32, #tpu.memory_space<vmem>>, vector<16xf32>,
      %get3A_1727 = arith.constant 992 : index
      %get3A_1728 = tpu.vector_load %arg7[%get3A_1727] {strides = array<i32>} : memref<1024xf32, #tpu.memory_space<vmem>>, vector<16xf32>,
      %get3A_1729 = arith.constant 992 : index
      %get3A_1730 = tpu.vector_load %arg8[%get3A_1729] {strides = array<i32>} : memref<1024xf32, #tpu.memory_space<vmem>>, vector<16xf32>,
      %sub3A_1731 = arith.subf %get3A_1728, %get3A_1730 : vector<16xf32>
      %mul3A_1732 = arith.mulf %sub3A_1731, %sub3A_1731 : vector<16xf32>
      %add3A_1733 = arith.addf %add3A_1722, %mul3A_1732 : vector<16xf32>
      %swap3A_1734 = arith.constant 992 : index
      %swap3A_1735 = tpu.vector_load %arg7[%swap3A_1734] {strides = array<i32>} : memref<1024xf32, #tpu.memory_space<vmem>>, vector<16xf32>,
      tpu.vector_store %arg7[%swap3A_1734], %broadcast_in_dim3A_10 {strides = array<i32>} : memref<1024xf32, #tpu.memory_space<vmem>>, vector<16xf32>,
      %swap3A_1736 = arith.constant 992 : index
      %swap3A_1737 = tpu.vector_load %arg8[%swap3A_1736] {strides = array<i32>} : memref<1024xf32, #tpu.memory_space<vmem>>, vector<16xf32>,
      tpu.vector_store %arg8[%swap3A_1736], %broadcast_in_dim3A_10 {strides = array<i32>} : memref<1024xf32, #tpu.memory_space<vmem>>, vector<16xf32>,
      %get3A_1738 = arith.constant 1008 : index
      %get3A_1739 = tpu.vector_load %arg7[%get3A_1738] {strides = array<i32>} : memref<1024xf32, #tpu.memory_space<vmem>>, vector<16xf32>,
      %get3A_1740 = arith.constant 1008 : index
      %get3A_1741 = tpu.vector_load %arg8[%get3A_1740] {strides = array<i32>} : memref<1024xf32, #tpu.memory_space<vmem>>, vector<16xf32>,
      %sub3A_1742 = arith.subf %get3A_1739, %get3A_1741 : vector<16xf32>
      %mul3A_1743 = arith.mulf %sub3A_1742, %sub3A_1742 : vector<16xf32>
      %add3A_1744 = arith.addf %add3A_1733, %mul3A_1743 : vector<16xf32>
      %swap3A_1745 = arith.constant 1008 : index
      %swap3A_1746 = tpu.vector_load %arg7[%swap3A_1745] {strides = array<i32>} : memref<1024xf32, #tpu.memory_space<vmem>>, vector<16xf32>,
      tpu.vector_store %arg7[%swap3A_1745], %broadcast_in_dim3A_10 {strides = array<i32>} : memref<1024xf32, #tpu.memory_space<vmem>>, vector<16xf32>,
      %swap3A_1747 = arith.constant 1008 : index
      %swap3A_1748 = tpu.vector_load %arg8[%swap3A_1747] {strides = array<i32>} : memref<1024xf32, #tpu.memory_space<vmem>>, vector<16xf32>,
      tpu.vector_store %arg8[%swap3A_1747], %broadcast_in_dim3A_10 {strides = array<i32>} : memref<1024xf32, #tpu.memory_space<vmem>>, vector<16xf32>,
      scf.yield %add3A_1744 : vector<16xf32>
    }
    %scan3A_279 = arith.constant 64 : i32
    %swap3A_280 = arith.constant 0 : index
    %swap3A_281 = tpu.vector_load %arg9[%swap3A_280] {strides = array<i32>} : memref<16xf32, #tpu.memory_space<vmem>>, vector<16xf32>,
    tpu.vector_store %arg9[%swap3A_280], %scan3A_278 {strides = array<i32>} : memref<16xf32, #tpu.memory_space<vmem>>, vector<16xf32>,
    "tpu.region"() ({
      %run_scoped3A = tpu.sem_alloc : memref<!tpu.dma_semaphore, #tpu.memory_space<semaphore_mem>>
      %dma_start3A_282 = arith.constant 0 : i32
      %dma_start3A_283 = tpu.memref_slice %arg4[%add3A, %dma_start3A_282] : memref<32x16xf32, #tpu.memory_space<hbm>> -> memref<1x16xf32, #tpu.memory_space<hbm>>
      %dma_start3A_284 = tpu.memref_squeeze %dma_start3A_283 : memref<1x16xf32, #tpu.memory_space<hbm>> -> memref<16xf32, #tpu.memory_space<hbm>>
      %dma_start3A_285 = arith.constant 0 : i32
      %dma_start3A_286 = tpu.memref_slice %arg4[%add3A, %dma_start3A_285] : memref<32x16xf32, #tpu.memory_space<hbm>> -> memref<1x16xf32, #tpu.memory_space<hbm>>
      %dma_start3A_287 = tpu.memref_squeeze %dma_start3A_286 : memref<1x16xf32, #tpu.memory_space<hbm>> -> memref<16xf32, #tpu.memory_space<hbm>>
      tpu.enqueue_dma source(%arg9 : memref<16xf32, #tpu.memory_space<vmem>>) target(%dma_start3A_287 : memref<16xf32, #tpu.memory_space<hbm>>) target_semaphore(%run_scoped3A : memref<!tpu.dma_semaphore, #tpu.memory_space<semaphore_mem>>)
      %dma_wait3A_288 = arith.constant 0 : i32
      %dma_wait3A_289 = tpu.memref_slice %arg4[%add3A, %dma_wait3A_288] : memref<32x16xf32, #tpu.memory_space<hbm>> -> memref<1x16xf32, #tpu.memory_space<hbm>>
      %dma_wait3A_290 = tpu.memref_squeeze %dma_wait3A_289 : memref<1x16xf32, #tpu.memory_space<hbm>> -> memref<16xf32, #tpu.memory_space<hbm>>
      %dma_wait3A_291 = arith.constant 0 : i32
      %dma_wait3A_292 = tpu.memref_slice %arg4[%add3A, %dma_wait3A_291] : memref<32x16xf32, #tpu.memory_space<hbm>> -> memref<1x16xf32, #tpu.memory_space<hbm>>
      %dma_wait3A_293 = tpu.memref_squeeze %dma_wait3A_292 : memref<1x16xf32, #tpu.memory_space<hbm>> -> memref<16xf32, #tpu.memory_space<hbm>>
      tpu.wait_dma2 semaphore(%run_scoped3A : memref<!tpu.dma_semaphore, #tpu.memory_space<semaphore_mem>>) src(%arg9 : memref<16xf32, #tpu.memory_space<vmem>>) dst(%dma_wait3A_293 : memref<16xf32, #tpu.memory_space<hbm>>)
      tpu.yield
    }) : () -> ()
    return
  }
}

</mosaic_0001>

<sc_bundles>
// kernel: kernel.3.cloned.1.call-start
scs
__scs_entry_jumppad:
0x0: {  	(pc) =	sbr.rel $0x88, $3  }
0x1: {  	(tag) =	ssettag $0x0;
	lr =	simm.s32 $0x1  }
0x2: {  	[smem:$0x3F9F] =	sst lr;
	_ =	strace $0xD0000000  }
0x3: {  	_ = 	snop  }
0x4: {  	_ = 	snop  }
0x5: {  	_ = 	snop  }
0x6: {  	_ = 	snop  }
0x7: {  	_ = 	snop  }
__scs_overlays_trampoline_lowered:
0x8: {  	[smem:$0x3FAE] =	sst s0  }
0x9: {  	[smem:$0x3FAF] =	sst s1  }
0xa: {  	[smem:$0x3FB0] =	sst s2  }
0xb: {  	[smem:$0x3FB1] =	sst s3  }
0xc: {  	[smem:$0x3FB2] =	sst s4  }
0xd: {  	[smem:$0x3FB3] =	sst s5  }
0xe: {  	[smem:$0x3FB4] =	sst s6  }
0xf: {  	[smem:$0x3FB5] =	sst s7  }
0x10: {  	[smem:$0x3FB6] =	sst s8  }
0x11: {  	[smem:$0x3FB7] =	sst s9;
	s0 =	simm.s32 @!p0 $0x0  }
0x12: {  	s1 =	sld [smem:$0x3F9D];
	s0 =	simm.s32 @p0 $0x1  }
0x13: {  	[smem:$0x3FB8] =	sst s0;
	s0 =	simm.s32 @!p1 $0x0  }
0x14: {  	s2 =	sld [smem:$0x3F9C];
	s0 =	simm.s32 @p1 $0x1  }
0x15: {  	[smem:$0x3FB9] =	sst s0;
	s0 =	simm.s32 @!p2 $0x0  }
0x16: {  	s3 =	sld [smem:$0x3FDB];
	s0 =	simm.s32 @p2 $0x1  }
0x17: {  	s4 =	simm.s32 $0x1BF5;
	[smem:$0x3FBB] =	sst s0  }
0x18: {  	s0 =	sld [smem:$0x3F9E];
	_ =	swait.ge [sflag:s4], $0x0  }
0x19: {  	s7 =	sld [smem:$0x3F9F]  }
0x1a: {  	s8 =	sadd.s32 $0xFFFFE003, lr  }
0x1b: {  	s9 =	sadd.s32 $0xFFFFFEF7, lr;
	s5 =	simm.s32 $0xFFFFFFFF;
	p2 =	slt.u32 s8, $0xFFFFF086  }
0x1c: {  	p1 =	slt.u32 s9, $0xF7A;
	s5 =	simm.s32 @!p2 $0x0  }
0x1d: {  	s5 =	simm.s32 @p1 $0x1;
	p0 =	seq.s32 s7, s2  }
0x1e: {  	s7 =	smul.u32 @!p0 $0xF7A, s2;
	p2 =	seq.s32 @!p0 s5, $0x0  }
0x1f: {  	s9 =	smul.u32 $0xF7A, s1;
	s8 =	simm.s32 @!p0 $0x1BF5;
	p2 =	por !p2, p0  }
0x20: {  	[sflag:s8] =	ssyncset.s32 @!p0 $0xFFFFF086;
	s6 =	sadd.s32 @!p0 s3, s7;
	s7 =	simm.s32 @!p0 $0x108  }
0x21: {  	s3 =	sadd.s32 s3, s9;
	s6 =	sadd.s32 @!p0 $0x88, s6;
	s7 =	simm.s32 @p2 $0x1082  }
0x22: {  	[simem:s7], [sflag:s8] =	dma.local @!p0 [hbm:s6], $0xF7A  }
0x23: {  	s9 =	sor.u32 $0xD0000000, s2;
	s6 =	simm.s32 $0x108;
	_ =	swait.ge @!p0 [sflag:s8], $0x0  }
0x24: {  	s3 =	sadd.s32 $0x88, s3;
	s6 =	simm.s32 @!p1 $0x1082;
	[sflag:s4] =	ssyncset.s32 $0xFFFFF086  }
0x25: {  	[simem:s6], [sflag:s4] =	dma.local [hbm:s3], $0xF7A  }
0x26: {  	[smem:$0x3F9F] =	sst s1;
	(tag) =	ssettag s2;
	_ =	strace s9  }
0x27: {  	s1 =	sld [smem:$0x3FAF]  }
0x28: {  	s2 =	sld [smem:$0x3FB0]  }
0x29: {  	s4 =	sld [smem:$0x3FB2]  }
0x2a: {  	p0 =	seq.s32 s5, $0x0;
	s5 =	sld [smem:$0x3FB3]  }
0x2b: {  	s6 =	sld [smem:$0x3FB4]  }
0x2c: {  	s7 =	sld [smem:$0x3FB5]  }
0x2d: {  	s3 =	simm.s32 $0x108;
	s8 =	sld [smem:$0x3FB6]  }
0x2e: {  	s3 =	simm.s32 @!p0 $0x1082;
	s9 =	sld [smem:$0x3FB7]  }
0x2f: {  	lr =	sadd.s32 s0, s3;
	s0 =	sld [smem:$0x3FAE]  }
0x30: {  	s3 =	sld [smem:$0x3FB1]  }
0x31: {  	[smem:$0x3FBA] =	sst s10  }
0x32: {  	s10 =	sld [smem:$0x3FB8];
	_ =	sdelay $0x3  }
0x33: {  	p0 =	seq.s32 s10, $0x1;
	s10 =	sld [smem:$0x3FBA];
	_ =	sdelay $0x3  }
0x34: {  	[smem:$0x3FBA] =	sst s10  }
0x35: {  	s10 =	sld [smem:$0x3FB9];
	_ =	sdelay $0x3  }
0x36: {  	p1 =	seq.s32 s10, $0x1;
	s10 =	sld [smem:$0x3FBA];
	_ =	sdelay $0x3  }
0x37: {  	[smem:$0x3FBA] =	sst s10  }
0x38: {  	s10 =	sld [smem:$0x3FBB]  }
0x39: {  	_ = 	snop;
	(pc) =	sbr.ind lr, $3  }
0x3a: {  	_ = 	snop  }
0x3b: {  	_ = 	snop  }
0x3c: {  	p2 =	seq.s32 s10, $0x1;
	s10 =	sld [smem:$0x3FBA]  }
0x3d: {  	_ =	shalt  }
0x3e: {  	_ =	shalt  }
0x3f: {  	_ =	shalt  }
0x40: {  	_ =	shalt  }
0x41: {  	_ =	shalt  }
0x42: {  	_ =	shalt  }
0x43: {  	_ =	shalt  }
0x44: {  	_ =	shalt  }
0x45: {  	_ =	shalt  }
0x46: {  	_ =	shalt  }
0x47: {  	_ =	shalt  }
0x48: {  	_ =	shalt  }
0x49: {  	_ =	shalt  }
0x4a: {  	_ =	shalt  }
0x4b: {  	_ =	shalt  }
0x4c: {  	_ =	shalt  }
0x4d: {  	_ =	shalt  }
0x4e: {  	_ =	shalt  }
0x4f: {  	_ =	shalt  }
0x50: {  	_ =	shalt  }
0x51: {  	_ =	shalt  }
0x52: {  	_ =	shalt  }
0x53: {  	_ =	shalt  }
0x54: {  	_ =	shalt  }
0x55: {  	_ =	shalt  }
0x56: {  	_ =	shalt  }
0x57: {  	_ =	shalt  }
0x58: {  	_ =	shalt  }
0x59: {  	_ =	shalt  }
0x5a: {  	_ =	shalt  }
0x5b: {  	_ =	shalt  }
0x5c: {  	_ =	shalt  }
0x5d: {  	_ =	shalt  }
0x5e: {  	_ =	shalt  }
0x5f: {  	_ =	shalt  }
0x60: {  	_ =	shalt  }
0x61: {  	_ =	shalt  }
0x62: {  	_ =	shalt  }
0x63: {  	_ =	shalt  }
0x64: {  	_ =	shalt  }
0x65: {  	_ =	shalt  }
0x66: {  	_ =	shalt  }
0x67: {  	_ =	shalt  }
0x68: {  	_ =	shalt  }
0x69: {  	_ =	shalt  }
0x6a: {  	_ =	shalt  }
0x6b: {  	_ =	shalt  }
0x6c: {  	_ =	shalt  }
0x6d: {  	_ =	shalt  }
0x6e: {  	_ =	shalt  }
0x6f: {  	_ =	shalt  }
0x70: {  	_ =	shalt  }
0x71: {  	_ =	shalt  }
0x72: {  	_ =	shalt  }
0x73: {  	_ =	shalt  }
0x74: {  	_ =	shalt  }
0x75: {  	_ =	shalt  }
0x76: {  	_ =	shalt  }
0x77: {  	_ =	shalt  }
0x78: {  	_ =	shalt  }
0x79: {  	_ =	shalt  }
0x7a: {  	_ =	shalt  }
0x7b: {  	_ =	shalt  }
0x7c: {  	_ =	shalt  }
0x7d: {  	_ =	shalt  }
0x7e: {  	_ =	shalt  }
0x7f: {  	_ =	shalt  }
0x80: {  	_ =	shalt  }
0x81: {  	_ =	shalt  }
0x82: {  	_ =	shalt  }
0x83: {  	_ =	shalt  }
0x84: {  	_ =	shalt  }
0x85: {  	_ =	shalt  }
0x86: {  	_ =	shalt  }
0x87: {  	_ =	shalt  }
.Lfunc_end0:
.L_simem_size_0:
called_computation_lowered:
.L_overlay_start_0:
0x88: {  	s2 =	sld [smem:$0x3FD9]  }
0x89: {  	s3 =	sld [smem:$0x3FFE];
	_ =	sdelay $0x1  }
0x8a: {  	s1 =	srdreg.scid  }
0x8b: {  	s0 =	sand.u32 $0x1, s1  }
0x8c: {  	s17 =	sshll.u32 s0, $0xA;
	s2 =	sadd.s32 s3, s2  }
0x8d: {  	s2 =	sadd.s32 s2, s17  }
0x8e: {  	[smem:$0x3FC6] =	sst s2  }
0x8f: {  	_ = 	snop  }
0x90: {  	s2 =	sld [smem:$0x3FC9]  }
0x91: {  	s18 =	sld [smem:$0x3FC8];
	(tm) =	ssettm $0x1  }
0x92: {  	s4 =	sld [smem:$0x3FFB];
	_ =	sdelay $0x3  }
0x93: {  	_ =	strace s4  }
0x94: {  	s4 =	sld [smem:$0x3FFC];
	_ =	sdelay $0x3  }
0x95: {  	_ =	strace s4  }
0x96: {  	s4 =	sld [smem:$0x3FFD];
	_ =	sdelay $0x3  }
0x97: {  	_ =	strace s4  }
0x98: {  	_ =	strace $0x8FFFFFFF  }
0x99: {  	s19 =	sld [smem:$0x3FDB];
	_ =	sdelay $0x1  }
0x9a: {  	s5 =	simm.s32 $_scs_section_size  }
0x9b: {  	s6 =	simm.s32 $_size__tile_overlayer_lowered;
	s7 =	simm.s32 $_tile_overlayer_lowered  }
0x9c: {  	s22 =	simm.s32 $0x1BFF;
	s21 =	sshll.u32 s7, $0x1;
	s4 =	sadd.s32 s5, s19  }
0x9d: {  	s8 =	simm.s32 $0x0;
	s20 =	sshll.u32 s6, $0x1;
	s6 =	sadd.s32 s21, s4  }
0x9e: {  	[timem:s8], [sflag:s22] =	dma.local [hbm:s6], s20  }
0x9f: {  	_ =	swait.ge [sflag:s22], s20  }
0xa0: {  	s5 =	ssub.s32 $0x0, s20;
	[sflag:s22] =	ssyncset.done $0x0  }
0xa1: {  	[sflag:s22] =	ssyncadd.s32 s5;
	_ =	sdelay $0x1  }
0xa2: {  	s23 =	simm.s32 $0x1B8B  }
0xa3: {  	_ =	swait.ge [sflag:s23], $0x1  }
0xa4: {  	[sflag:s23] =	ssyncset.done $0x0  }
0xa5: {  	s25 =	simm.s32 $0x1B8E;
	s24 =	sld [smem:$0x3FFE];
	[sflag:s23] =	ssyncadd.s32 $0xFFFFFFFF  }
0xa6: {  	s26 =	simm.s32 $execute0_lowered;
	[smem:$0x3FD2] =	sst s25  }
0xa7: {  	s6 =	sshll.u32 s26, $0x1;
	_ =	strace $0x80000046;
	[dreg:$0x1] =	wrdreg $0xFFFFFFFF  }
0xa8: {  	s28 =	simm.s32 $_size_execute0_lowered;
	s4 =	sadd.s32 s4, s6;
	[dreg:$0x0] =	wrdreg $0x0  }
0xa9: {  	s6 =	sshll.u32 s28, $0x1;
	[dreg:$0x2] =	wrdreg s4  }
0xaa: {  	[dreg:$0x3] =	wrdreg s6  }
0xab: {  	[dreg:$0x4] =	wrdreg $0xC0  }
0xac: {  	_ =	task [dreg:s8], $0x5FFFF  }
0xad: {  	[dreg:$0x1] =	wrdreg $0xFFFFFFFF  }
0xae: {  	[dreg:$0x0] =	wrdreg $0x60  }
0xaf: {  	[dreg:$0x2] =	wrdreg s2  }
0xb0: {  	[dreg:$0x3] =	wrdreg s18  }
0xb1: {  	[dreg:$0x4] =	wrdreg s24  }
0xb2: {  	[dreg:$0x5] =	wrdreg $0x9  }
0xb3: {  	_ =	task.clear_ibuf [dreg:s8], $0x6FFFF;
	_ =	strace $0x90000046  }
0xb4: {  	s29 =	simm.s32 $0x9;
	_ =	strace $0x80000048  }
0xb5: {  	_ =	swait.ge [sflag:s29], $0x1  }
0xb6: {  	[sflag:s29] =	ssyncadd.s32 $0xFFFFFFFF  }
0xb7: {  	_ =	strace $0x90000048  }
0xb8: {  	_ =	sfence  }
0xb9: {  	s30 =	sld [smem:$0x0];
	_ =	sdelay $0x2  }
0xba: {  	s31 =	sshll.u32 s1, $0xD;
	s1 =	sshrl.u32 s1, $0x2  }
0xbb: {  	s3 =	sand.u32 $0x4000, s31;
	s1 =	sadd.s32 s1, s30  }
0xbc: {  	s0 =	sor.u32 s3, s0;
	s1 =	sshll.u32 s1, $0x11  }
0xbd: {  	s0 =	sor.u32 s1, s0  }
0xbe: {  	s0 =	sadd.s32 $0x8F2B, s0  }
0xbf: {  	[sflag:s0] =	ssyncadd.remote.s32 $0x1  }
0xc0: {  	_ =	sfence.sel $0xFFFF  }
0xc1: {  	[dreg:$0x0] =	wrdreg $0xFFFFFFFF;
	(pc) =	sbr.abs _section_cstart, $3  }
0xc2: {  	[dreg:$0x1] =	wrdreg $0xFFFFFFFF  }
0xc3: {  	_ =	task.clear_ibuf [dreg:s8], $0x2FFFF;
	_ =	strace $0x9FFFFFFF  }
0xc4: {  	(tm) =	ssettm $0x7FFFFFFF  }
0xc5: {  	_ =	shalt  }
tec
execute0_lowered:
.L_overlay_start_1:
0x0: {  	(tag) =	ssettag $0x1  }
0x1: {  	v0 =	vimm.f32 $1.500000000e+01;
	vm14 =	vcmask $0x300  }
0x2: {  	vm13 =	vcmask $0x704;
	vm12 =	vcmask $0xB08;
	vm11 =	vcmask $0xF0C  }
0x3: {  	vm10 =	vcmask $0x1310;
	vm9 =	vcmask $0x1714;
	vm8 =	vcmask $0x1B18  }
0x4: {  	vm7 =	vcmask $0x1F1C;
	vm6 =	vcmask $0x2320;
	vm5 =	vcmask $0x2724  }
0x5: {  	vm4 =	vcmask $0x2B28;
	vm3 =	vcmask $0x2F2C;
	vm2 =	vcmask $0x3330  }
0x6: {  	vm1 =	vcmask $0x3734;
	vm0 =	vcmask $0x3B38;
	v1 =	vimm.f32 $0.0e+00  }
0x7: {  	v2 =	vimm.f32 $3.100000000e+01;
	v3 =	vimm.f32 $4.700000000e+01;
	v4 =	vimm.f32 $6.300000000e+01  }
0x8: {  	v5 =	vimm.f32 $7.900000000e+01;
	v6 =	vimm.f32 $9.500000000e+01;
	v7 =	vimm.f32 $1.110000000e+02  }
0x9: {  	v8 =	vimm.f32 $1.270000000e+02;
	v9 =	vimm.f32 $1.430000000e+02;
	v10 =	vimm.f32 $1.590000000e+02  }
0xa: {  	v11 =	vimm.f32 $1.750000000e+02;
	v12 =	vimm.f32 $1.910000000e+02;
	v13 =	vimm.f32 $2.070000000e+02  }
0xb: {  	v14 =	vimm.f32 $2.230000000e+02;
	v15 =	vimm.f32 $2.390000000e+02;
	v16 =	vimm.f32 $2.550000000e+02  }
0xc: {  	v0 =	vsel vm14, $0x0, v0;
	v2 =	vsel vm14, $0x41800000, v2;
	v3 =	vsel vm14, $0x42000000, v3  }
0xd: {  	v4 =	vsel vm14, $0x42400000, v4;
	v5 =	vsel vm14, $0x42800000, v5;
	v6 =	vsel vm14, $0x42A00000, v6  }
0xe: {  	v7 =	vsel vm14, $0x42C00000, v7;
	v8 =	vsel vm14, $0x42E00000, v8;
	v9 =	vsel vm14, $0x43000000, v9  }
0xf: {  	v10 =	vsel vm14, $0x43100000, v10;
	v11 =	vsel vm14, $0x43200000, v11;
	v12 =	vsel vm14, $0x43300000, v12  }
0x10: {  	v13 =	vsel vm14, $0x43400000, v13;
	v14 =	vsel vm14, $0x43500000, v14;
	v15 =	vsel vm14, $0x43600000, v15  }
0x11: {  	v16 =	vsel vm14, $0x43700000, v16;
	v0 =	vsel vm13, $0x3F800000, v0;
	v2 =	vsel vm13, $0x41880000, v2  }
0x12: {  	v3 =	vsel vm13, $0x42040000, v3;
	v4 =	vsel vm13, $0x42440000, v4;
	v5 =	vsel vm13, $0x42820000, v5  }
0x13: {  	v6 =	vsel vm13, $0x42A20000, v6;
	v7 =	vsel vm13, $0x42C20000, v7;
	v8 =	vsel vm13, $0x42E20000, v8  }
0x14: {  	v9 =	vsel vm13, $0x43010000, v9;
	v10 =	vsel vm13, $0x43110000, v10;
	v11 =	vsel vm13, $0x43210000, v11  }
0x15: {  	v12 =	vsel vm13, $0x43310000, v12;
	v13 =	vsel vm13, $0x43410000, v13;
	v14 =	vsel vm13, $0x43510000, v14  }
0x16: {  	v15 =	vsel vm13, $0x43610000, v15;
	v16 =	vsel vm13, $0x43710000, v16;
	v0 =	vsel vm12, $0x40000000, v0  }
0x17: {  	v2 =	vsel vm12, $0x41900000, v2;
	v3 =	vsel vm12, $0x42080000, v3;
	v4 =	vsel vm12, $0x42480000, v4  }
0x18: {  	v5 =	vsel vm12, $0x42840000, v5;
	v6 =	vsel vm12, $0x42A40000, v6;
	v7 =	vsel vm12, $0x42C40000, v7  }
0x19: {  	v8 =	vsel vm12, $0x42E40000, v8;
	v9 =	vsel vm12, $0x43020000, v9;
	v10 =	vsel vm12, $0x43120000, v10  }
0x1a: {  	v11 =	vsel vm12, $0x43220000, v11;
	v12 =	vsel vm12, $0x43320000, v12;
	v13 =	vsel vm12, $0x43420000, v13  }
0x1b: {  	v14 =	vsel vm12, $0x43520000, v14;
	v15 =	vsel vm12, $0x43620000, v15;
	v16 =	vsel vm12, $0x43720000, v16  }
0x1c: {  	v0 =	vsel vm11, $0x40400000, v0;
	v2 =	vsel vm11, $0x41980000, v2;
	v3 =	vsel vm11, $0x420C0000, v3  }
0x1d: {  	v4 =	vsel vm11, $0x424C0000, v4;
	v5 =	vsel vm11, $0x42860000, v5;
	v6 =	vsel vm11, $0x42A60000, v6  }
0x1e: {  	v7 =	vsel vm11, $0x42C60000, v7;
	v8 =	vsel vm11, $0x42E60000, v8;
	v9 =	vsel vm11, $0x43030000, v9  }
0x1f: {  	v10 =	vsel vm11, $0x43130000, v10;
	v11 =	vsel vm11, $0x43230000, v11;
	v12 =	vsel vm11, $0x43330000, v12  }
0x20: {  	v13 =	vsel vm11, $0x43430000, v13;
	v14 =	vsel vm11, $0x43530000, v14;
	v15 =	vsel vm11, $0x43630000, v15  }
0x21: {  	v16 =	vsel vm11, $0x43730000, v16;
	v0 =	vsel vm10, $0x40800000, v0;
	v2 =	vsel vm10, $0x41A00000, v2  }
0x22: {  	v3 =	vsel vm10, $0x42100000, v3;
	v4 =	vsel vm10, $0x42500000, v4;
	v5 =	vsel vm10, $0x42880000, v5  }
0x23: {  	v6 =	vsel vm10, $0x42A80000, v6;
	v7 =	vsel vm10, $0x42C80000, v7;
	v8 =	vsel vm10, $0x42E80000, v8  }
0x24: {  	v9 =	vsel vm10, $0x43040000, v9;
	v10 =	vsel vm10, $0x43140000, v10;
	v11 =	vsel vm10, $0x43240000, v11  }
0x25: {  	v12 =	vsel vm10, $0x43340000, v12;
	v13 =	vsel vm10, $0x43440000, v13;
	v14 =	vsel vm10, $0x43540000, v14  }
0x26: {  	v15 =	vsel vm10, $0x43640000, v15;
	v16 =	vsel vm10, $0x43740000, v16;
	v0 =	vsel vm9, $0x40A00000, v0  }
0x27: {  	v2 =	vsel vm9, $0x41A80000, v2;
	v3 =	vsel vm9, $0x42140000, v3;
	v4 =	vsel vm9, $0x42540000, v4  }
0x28: {  	v5 =	vsel vm9, $0x428A0000, v5;
	v6 =	vsel vm9, $0x42AA0000, v6;
	v7 =	vsel vm9, $0x42CA0000, v7  }
0x29: {  	v8 =	vsel vm9, $0x42EA0000, v8;
	v9 =	vsel vm9, $0x43050000, v9;
	v10 =	vsel vm9, $0x43150000, v10  }
0x2a: {  	v11 =	vsel vm9, $0x43250000, v11;
	v12 =	vsel vm9, $0x43350000, v12;
	v13 =	vsel vm9, $0x43450000, v13  }
0x2b: {  	v14 =	vsel vm9, $0x43550000, v14;
	v15 =	vsel vm9, $0x43650000, v15;
	v16 =	vsel vm9, $0x43750000, v16  }
0x2c: {  	v0 =	vsel vm8, $0x40C00000, v0;
	v2 =	vsel vm8, $0x41B00000, v2;
	v3 =	vsel vm8, $0x42180000, v3  }
0x2d: {  	v4 =	vsel vm8, $0x42580000, v4;
	v5 =	vsel vm8, $0x428C0000, v5;
	v6 =	vsel vm8, $0x42AC0000, v6  }
0x2e: {  	v7 =	vsel vm8, $0x42CC0000, v7;
	v8 =	vsel vm8, $0x42EC0000, v8;
	v9 =	vsel vm8, $0x43060000, v9  }
0x2f: {  	v10 =	vsel vm8, $0x43160000, v10;
	v11 =	vsel vm8, $0x43260000, v11;
	v12 =	vsel vm8, $0x43360000, v12  }
0x30: {  	v13 =	vsel vm8, $0x43460000, v13;
	v14 =	vsel vm8, $0x43560000, v14;
	v15 =	vsel vm8, $0x43660000, v15  }
0x31: {  	v16 =	vsel vm8, $0x43760000, v16;
	v0 =	vsel vm7, $0x40E00000, v0;
	v2 =	vsel vm7, $0x41B80000, v2  }
0x32: {  	v3 =	vsel vm7, $0x421C0000, v3;
	v4 =	vsel vm7, $0x425C0000, v4;
	v5 =	vsel vm7, $0x428E0000, v5  }
0x33: {  	v6 =	vsel vm7, $0x42AE0000, v6;
	v7 =	vsel vm7, $0x42CE0000, v7;
	v8 =	vsel vm7, $0x42EE0000, v8  }
0x34: {  	v9 =	vsel vm7, $0x43070000, v9;
	v10 =	vsel vm7, $0x43170000, v10;
	v11 =	vsel vm7, $0x43270000, v11  }
0x35: {  	v12 =	vsel vm7, $0x43370000, v12;
	v13 =	vsel vm7, $0x43470000, v13;
	v14 =	vsel vm7, $0x43570000, v14  }
0x36: {  	v15 =	vsel vm7, $0x43670000, v15;
	v16 =	vsel vm7, $0x43770000, v16;
	v0 =	vsel vm6, $0x41000000, v0  }
0x37: {  	v2 =	vsel vm6, $0x41C00000, v2;
	v3 =	vsel vm6, $0x42200000, v3;
	v4 =	vsel vm6, $0x42600000, v4  }
0x38: {  	v5 =	vsel vm6, $0x42900000, v5;
	v6 =	vsel vm6, $0x42B00000, v6;
	v7 =	vsel vm6, $0x42D00000, v7  }
0x39: {  	v8 =	vsel vm6, $0x42F00000, v8;
	v9 =	vsel vm6, $0x43080000, v9;
	v10 =	vsel vm6, $0x43180000, v10  }
0x3a: {  	v11 =	vsel vm6, $0x43280000, v11;
	v12 =	vsel vm6, $0x43380000, v12;
	v13 =	vsel vm6, $0x43480000, v13  }
0x3b: {  	v14 =	vsel vm6, $0x43580000, v14;
	v15 =	vsel vm6, $0x43680000, v15;
	v16 =	vsel vm6, $0x43780000, v16  }
0x3c: {  	v0 =	vsel vm5, $0x41100000, v0;
	v2 =	vsel vm5, $0x41C80000, v2;
	v3 =	vsel vm5, $0x42240000, v3  }
0x3d: {  	v4 =	vsel vm5, $0x42640000, v4;
	v5 =	vsel vm5, $0x42920000, v5;
	v6 =	vsel vm5, $0x42B20000, v6  }
0x3e: {  	v7 =	vsel vm5, $0x42D20000, v7;
	v8 =	vsel vm5, $0x42F20000, v8;
	v9 =	vsel vm5, $0x43090000, v9  }
0x3f: {  	v10 =	vsel vm5, $0x43190000, v10;
	v11 =	vsel vm5, $0x43290000, v11;
	v12 =	vsel vm5, $0x43390000, v12  }
0x40: {  	v13 =	vsel vm5, $0x43490000, v13;
	v14 =	vsel vm5, $0x43590000, v14;
	v15 =	vsel vm5, $0x43690000, v15  }
0x41: {  	v16 =	vsel vm5, $0x43790000, v16;
	v0 =	vsel vm4, $0x41200000, v0;
	v2 =	vsel vm4, $0x41D00000, v2  }
0x42: {  	v3 =	vsel vm4, $0x42280000, v3;
	v4 =	vsel vm4, $0x42680000, v4;
	v5 =	vsel vm4, $0x42940000, v5  }
0x43: {  	v6 =	vsel vm4, $0x42B40000, v6;
	v7 =	vsel vm4, $0x42D40000, v7;
	v8 =	vsel vm4, $0x42F40000, v8  }
0x44: {  	v9 =	vsel vm4, $0x430A0000, v9;
	v10 =	vsel vm4, $0x431A0000, v10;
	v11 =	vsel vm4, $0x432A0000, v11  }
0x45: {  	v12 =	vsel vm4, $0x433A0000, v12;
	v13 =	vsel vm4, $0x434A0000, v13;
	v14 =	vsel vm4, $0x435A0000, v14  }
0x46: {  	v15 =	vsel vm4, $0x436A0000, v15;
	v16 =	vsel vm4, $0x437A0000, v16;
	v0 =	vsel vm3, $0x41300000, v0  }
0x47: {  	v2 =	vsel vm3, $0x41D80000, v2;
	v3 =	vsel vm3, $0x422C0000, v3;
	v4 =	vsel vm3, $0x426C0000, v4  }
0x48: {  	v5 =	vsel vm3, $0x42960000, v5;
	v6 =	vsel vm3, $0x42B60000, v6;
	v7 =	vsel vm3, $0x42D60000, v7  }
0x49: {  	v8 =	vsel vm3, $0x42F60000, v8;
	v9 =	vsel vm3, $0x430B0000, v9;
	v10 =	vsel vm3, $0x431B0000, v10  }
0x4a: {  	v11 =	vsel vm3, $0x432B0000, v11;
	v12 =	vsel vm3, $0x433B0000, v12;
	v13 =	vsel vm3, $0x434B0000, v13  }
0x4b: {  	v14 =	vsel vm3, $0x435B0000, v14;
	v15 =	vsel vm3, $0x436B0000, v15;
	v16 =	vsel vm3, $0x437B0000, v16  }
0x4c: {  	v0 =	vsel vm2, $0x41400000, v0;
	v2 =	vsel vm2, $0x41E00000, v2;
	v3 =	vsel vm2, $0x42300000, v3  }
0x4d: {  	v4 =	vsel vm2, $0x42700000, v4;
	v5 =	vsel vm2, $0x42980000, v5;
	v6 =	vsel vm2, $0x42B80000, v6  }
0x4e: {  	v7 =	vsel vm2, $0x42D80000, v7;
	v8 =	vsel vm2, $0x42F80000, v8;
	v9 =	vsel vm2, $0x430C0000, v9  }
0x4f: {  	s3 =	rddreg [dreg:$0x0];
	v10 =	vsel vm2, $0x431C0000, v10;
	v11 =	vsel vm2, $0x432C0000, v11;
	v12 =	vsel vm2, $0x433C0000, v12  }
0x50: {  	s4 =	rddreg [dreg:$0x1];
	v13 =	vsel vm2, $0x434C0000, v13;
	v14 =	vsel vm2, $0x435C0000, v14;
	v15 =	vsel vm2, $0x436C0000, v15  }
0x51: {  	s5 =	rddreg [dreg:$0x2];
	v16 =	vsel vm2, $0x437C0000, v16;
	v0 =	vsel vm1, $0x41500000, v0;
	v2 =	vsel vm1, $0x41E80000, v2  }
0x52: {  	s0 =	rddreg [dreg:$0x3];
	s1 =	simm.s32 $0x0;
	s2 =	srdreg.scid;
	v3 =	vsel vm1, $0x42340000, v3;
	v4 =	vsel vm1, $0x42740000, v4;
	v5 =	vsel vm1, $0x429A0000, v5  }
0x53: {  	s10 =	simm.s32 $0x8000;
	s11 =	simm.s32 $0x8400;
	s12 =	simm.s32 $0x8800;
	v6 =	vsel vm1, $0x42BA0000, v6;
	v7 =	vsel vm1, $0x42DA0000, v7;
	v8 =	vsel vm1, $0x42FA0000, v8  }
0x54: {  	s13 =	simm.s32 $0x3;
	s14 =	simm.s32 $0x0;
	[smem:$0x7FF] =	sst s1;
	v9 =	vsel vm1, $0x430D0000, v9;
	v10 =	vsel vm1, $0x431D0000, v10;
	v11 =	vsel vm1, $0x432D0000, v11  }
0x55: {  	s6 =	sand.u32 $0x1, s2;
	s2 =	stileid.u32;
	_ =	strace $0x80000047;
	v12 =	vsel vm1, $0x433D0000, v12;
	v13 =	vsel vm1, $0x434D0000, v13;
	v14 =	vsel vm1, $0x435D0000, v14  }
0x56: {  	s7 =	ssub.s32 $0x2, s6;
	s6 =	sshll.u32 s6, $0x4;
	s9 =	sshll.u32 s2, $0x4;
	v15 =	vsel vm1, $0x436D0000, v15;
	v16 =	vsel vm1, $0x437D0000, v16;
	v0 =	vsel vm0, $0x41600000, v0  }
0x57: {  	s8 =	sshrl.u32 s7, $0x1;
	s6 =	sor.u32 s2, s6;
	s9 =	sand.u32 $0x70, s9;
	v2 =	vsel vm0, $0x41F00000, v2;
	v3 =	vsel vm0, $0x42380000, v3;
	v4 =	vsel vm0, $0x42780000, v4  }
0x58: {  	s7 =	ssub.s32 s7, s8;
	s31 =	sshll.u32 s6, $0x4;
	s6 =	sshll.u32 s6, $0xB;
	v5 =	vsel vm0, $0x429C0000, v5;
	v6 =	vsel vm0, $0x42BC0000, v6;
	v7 =	vsel vm0, $0x42DC0000, v7  }
0x59: {  	s5 =	sadd.s32 s5, s9;
	s9 =	simm.s32 $0x2;
	s8 =	sand.u32 $0x180, s31;
	v8 =	vsel vm0, $0x42FC0000, v8;
	v9 =	vsel vm0, $0x430E0000, v9;
	v10 =	vsel vm0, $0x431E0000, v10  }
0x5a: {  	s3 =	sadd.s32 s3, s6;
	s4 =	sadd.s32 s4, s6;
	s6 =	smax.u32 s7, $0x1;
	v11 =	vsel vm0, $0x432E0000, v11;
	v12 =	vsel vm0, $0x433E0000, v12;
	v13 =	vsel vm0, $0x434E0000, v13  }
0x5b: {  	s7 =	simm.s32 $0x4000;
	s5 =	sadd.s32 s8, s5;
	s8 =	simm.s32 $0x1;
	v14 =	vsel vm0, $0x435E0000, v14;
	v15 =	vsel vm0, $0x436E0000, v15;
	v16 =	vsel vm0, $0x437E0000, v16  }
.LBB2_1:
0x5c: {  	[tilespmem:s1], [sflag:$0x1] =	stream.linear.gather [hbm4b:s3+s1], $0x4000, $0x38;
	[tilespmem:$0x8880] =	vst v63  }
0x5d: {  	_ = 	snop  }
0x5e: {  	[tilespmem:s7], [sflag:$0x2] =	stream.linear.gather [hbm4b:s4+s1], $0x4000, $0x38;
	[tilespmem:$0x8880] =	vst v63  }
0x5f: {  	[tilespmem:$0x8000] =	vst v1  }
0x60: {  	[tilespmem:$0x8400] =	vst v1  }
0x61: {  	[tilespmem:$0x8010] =	vst v1  }
0x62: {  	[tilespmem:$0x8410] =	vst v1  }
0x63: {  	[tilespmem:$0x8020] =	vst v1  }
0x64: {  	[tilespmem:$0x8420] =	vst v1  }
0x65: {  	[tilespmem:$0x8030] =	vst v1  }
0x66: {  	[tilespmem:$0x8430] =	vst v1  }
0x67: {  	[tilespmem:$0x8040] =	vst v1  }
0x68: {  	[tilespmem:$0x8440] =	vst v1  }
0x69: {  	[tilespmem:$0x8050] =	vst v1  }
0x6a: {  	[tilespmem:$0x8450] =	vst v1  }
0x6b: {  	[tilespmem:$0x8060] =	vst v1  }
0x6c: {  	[tilespmem:$0x8460] =	vst v1  }
0x6d: {  	[tilespmem:$0x8070] =	vst v1  }
0x6e: {  	[tilespmem:$0x8470] =	vst v1  }
0x6f: {  	[tilespmem:$0x8080] =	vst v1  }
0x70: {  	[tilespmem:$0x8480] =	vst v1  }
0x71: {  	[tilespmem:$0x8090] =	vst v1  }
0x72: {  	[tilespmem:$0x8490] =	vst v1  }
0x73: {  	[tilespmem:$0x80A0] =	vst v1  }
0x74: {  	[tilespmem:$0x84A0] =	vst v1  }
0x75: {  	[tilespmem:$0x80B0] =	vst v1  }
0x76: {  	[tilespmem:$0x84B0] =	vst v1  }
0x77: {  	[tilespmem:$0x80C0] =	vst v1  }
0x78: {  	[tilespmem:$0x84C0] =	vst v1  }
0x79: {  	[tilespmem:$0x80D0] =	vst v1  }
0x7a: {  	[tilespmem:$0x84D0] =	vst v1  }
0x7b: {  	[tilespmem:$0x80E0] =	vst v1  }
0x7c: {  	[tilespmem:$0x84E0] =	vst v1  }
0x7d: {  	[tilespmem:$0x80F0] =	vst v1  }
0x7e: {  	[tilespmem:$0x84F0] =	vst v1  }
0x7f: {  	[tilespmem:$0x8100] =	vst v1  }
0x80: {  	[tilespmem:$0x8500] =	vst v1  }
0x81: {  	[tilespmem:$0x8110] =	vst v1  }
0x82: {  	[tilespmem:$0x8510] =	vst v1  }
0x83: {  	[tilespmem:$0x8120] =	vst v1  }
0x84: {  	[tilespmem:$0x8520] =	vst v1  }
0x85: {  	[tilespmem:$0x8130] =	vst v1  }
0x86: {  	[tilespmem:$0x8530] =	vst v1  }
0x87: {  	[tilespmem:$0x8140] =	vst v1  }
0x88: {  	[tilespmem:$0x8540] =	vst v1  }
0x89: {  	[tilespmem:$0x8150] =	vst v1  }
0x8a: {  	[tilespmem:$0x8550] =	vst v1  }
0x8b: {  	[tilespmem:$0x8160] =	vst v1  }
0x8c: {  	[tilespmem:$0x8560] =	vst v1  }
0x8d: {  	[tilespmem:$0x8170] =	vst v1  }
0x8e: {  	[tilespmem:$0x8570] =	vst v1  }
0x8f: {  	[tilespmem:$0x8180] =	vst v1  }
0x90: {  	[tilespmem:$0x8580] =	vst v1  }
0x91: {  	[tilespmem:$0x8190] =	vst v1  }
0x92: {  	[tilespmem:$0x8590] =	vst v1  }
0x93: {  	[tilespmem:$0x81A0] =	vst v1  }
0x94: {  	[tilespmem:$0x85A0] =	vst v1  }
0x95: {  	[tilespmem:$0x81B0] =	vst v1  }
0x96: {  	[tilespmem:$0x85B0] =	vst v1  }
0x97: {  	[tilespmem:$0x81C0] =	vst v1  }
0x98: {  	[tilespmem:$0x85C0] =	vst v1  }
0x99: {  	[tilespmem:$0x81D0] =	vst v1  }
0x9a: {  	[tilespmem:$0x85D0] =	vst v1  }
0x9b: {  	[tilespmem:$0x81E0] =	vst v1  }
0x9c: {  	[tilespmem:$0x85E0] =	vst v1  }
0x9d: {  	[tilespmem:$0x81F0] =	vst v1  }
0x9e: {  	[tilespmem:$0x85F0] =	vst v1  }
0x9f: {  	[tilespmem:$0x8200] =	vst v1  }
0xa0: {  	[tilespmem:$0x8600] =	vst v1  }
0xa1: {  	[tilespmem:$0x8210] =	vst v1  }
0xa2: {  	[tilespmem:$0x8610] =	vst v1  }
0xa3: {  	[tilespmem:$0x8220] =	vst v1  }
0xa4: {  	[tilespmem:$0x8620] =	vst v1  }
0xa5: {  	[tilespmem:$0x8230] =	vst v1  }
0xa6: {  	[tilespmem:$0x8630] =	vst v1  }
0xa7: {  	[tilespmem:$0x8240] =	vst v1  }
0xa8: {  	[tilespmem:$0x8640] =	vst v1  }
0xa9: {  	[tilespmem:$0x8250] =	vst v1  }
0xaa: {  	[tilespmem:$0x8650] =	vst v1  }
0xab: {  	[tilespmem:$0x8260] =	vst v1  }
0xac: {  	[tilespmem:$0x8660] =	vst v1  }
0xad: {  	[tilespmem:$0x8270] =	vst v1  }
0xae: {  	[tilespmem:$0x8670] =	vst v1  }
0xaf: {  	[tilespmem:$0x8280] =	vst v1  }
0xb0: {  	[tilespmem:$0x8680] =	vst v1  }
0xb1: {  	[tilespmem:$0x8290] =	vst v1  }
0xb2: {  	[tilespmem:$0x8690] =	vst v1  }
0xb3: {  	[tilespmem:$0x82A0] =	vst v1  }
0xb4: {  	[tilespmem:$0x86A0] =	vst v1  }
0xb5: {  	[tilespmem:$0x82B0] =	vst v1  }
0xb6: {  	[tilespmem:$0x86B0] =	vst v1  }
0xb7: {  	[tilespmem:$0x82C0] =	vst v1  }
0xb8: {  	[tilespmem:$0x86C0] =	vst v1  }
0xb9: {  	[tilespmem:$0x82D0] =	vst v1  }
0xba: {  	[tilespmem:$0x86D0] =	vst v1  }
0xbb: {  	[tilespmem:$0x82E0] =	vst v1  }
0xbc: {  	[tilespmem:$0x86E0] =	vst v1  }
0xbd: {  	[tilespmem:$0x82F0] =	vst v1  }
0xbe: {  	[tilespmem:$0x86F0] =	vst v1  }
0xbf: {  	[tilespmem:$0x8300] =	vst v1  }
0xc0: {  	[tilespmem:$0x8700] =	vst v1  }
0xc1: {  	[tilespmem:$0x8310] =	vst v1  }
0xc2: {  	[tilespmem:$0x8710] =	vst v1  }
0xc3: {  	[tilespmem:$0x8320] =	vst v1  }
0xc4: {  	[tilespmem:$0x8720] =	vst v1  }
0xc5: {  	[tilespmem:$0x8330] =	vst v1  }
0xc6: {  	[tilespmem:$0x8730] =	vst v1  }
0xc7: {  	[tilespmem:$0x8340] =	vst v1  }
0xc8: {  	[tilespmem:$0x8740] =	vst v1  }
0xc9: {  	[tilespmem:$0x8350] =	vst v1  }
0xca: {  	[tilespmem:$0x8750] =	vst v1  }
0xcb: {  	[tilespmem:$0x8360] =	vst v1  }
0xcc: {  	[tilespmem:$0x8760] =	vst v1  }
0xcd: {  	[tilespmem:$0x8370] =	vst v1  }
0xce: {  	[tilespmem:$0x8770] =	vst v1  }
0xcf: {  	[tilespmem:$0x8380] =	vst v1  }
0xd0: {  	[tilespmem:$0x8780] =	vst v1  }
0xd1: {  	[tilespmem:$0x8390] =	vst v1  }
0xd2: {  	[tilespmem:$0x8790] =	vst v1  }
0xd3: {  	[tilespmem:$0x83A0] =	vst v1  }
0xd4: {  	[tilespmem:$0x87A0] =	vst v1  }
0xd5: {  	[tilespmem:$0x83B0] =	vst v1  }
0xd6: {  	[tilespmem:$0x87B0] =	vst v1  }
0xd7: {  	[tilespmem:$0x83C0] =	vst v1  }
0xd8: {  	[tilespmem:$0x87C0] =	vst v1  }
0xd9: {  	[tilespmem:$0x83D0] =	vst v1  }
0xda: {  	[tilespmem:$0x87D0] =	vst v1  }
0xdb: {  	[tilespmem:$0x83E0] =	vst v1  }
0xdc: {  	[tilespmem:$0x87E0] =	vst v1  }
0xdd: {  	[tilespmem:$0x83F0] =	vst v1  }
0xde: {  	[tilespmem:$0x87F0] =	vst v1  }
0xdf: {  	_ =	swait.ge [sflag:s8], $0x4000  }
0xe0: {  	[sflag:s8] =	ssyncset.done $0x0  }
0xe1: {  	[sflag:s8] =	ssyncadd.s32 $0xFFFFC000  }
0xe2: {  	_ =	swait.ge [sflag:s9], $0x4000  }
0xe3: {  	[sflag:s9] =	ssyncset.done $0x0  }
0xe4: {  	s15 =	simm.s32 $0x0;
	s16 =	simm.s32 $0x0;
	v17 =	vimm.f32 $0.0e+00;
	[sflag:s9] =	ssyncadd.s32 $0xFFFFC000  }
.LBB2_2:
0xe5: {  	s17 =	sand.u32 $0x3800, s16;
	s18 =	sand.u32 $0x380, s15  }
0xe6: {  	s17 =	sor.u32 s18, s17  }
0xe7: {  	v18 =	vld [tilespmem:s17+$0x0];
	_ =	sdelay $0x4  }
0xe8: {  	v19 =	vmul.f32 $1.000000000e+03, v18;
	_ =	sdelay $0x1  }
0xe9: {  	v19 =	vtrunc.f32 v19  }
0xea: {  	v19 =	vcvt.f32.s32 v19;
	_ =	sdelay $0x1  }
0xeb: {  	v19 =	vadd.s32 $0xFFFFFFFF, v19  }
0xec: {  	vm1 =	vlt.f32 v18, $0.0e+00;
	vm2 =	vgt.f32 v18, $0.0e+00;
	vm0 =	vlt.s32 v19, $0x0  }
0xed: {  	vm11 =	vmor vm2, vm1;
	v18 =	vsel vm0, $0x3E7, v19  }
0xee: {  	(xrf1) =	vunique.msk.u32 vm11, v18;
	_ =	sdelay $0xd  }
0xef: {  	_, v19, vm0 =	vpop (xrf1);
	_ =	sdelay $0x5  }
0xf0: {  	[tilespmem:v18+s10+$0x0] =	vst.idx.msk vm0, v0  }
0xf1: {  	v18 =	vld [tilespmem:s17+$0x10];
	_ =	sdelay $0x4  }
0xf2: {  	v19 =	vmul.f32 $1.000000000e+03, v18;
	_ =	sdelay $0x1  }
0xf3: {  	v19 =	vtrunc.f32 v19  }
0xf4: {  	v19 =	vcvt.f32.s32 v19;
	_ =	sdelay $0x1  }
0xf5: {  	v19 =	vadd.s32 $0xFFFFFFFF, v19  }
0xf6: {  	vm13 =	vlt.f32 v18, $0.0e+00;
	vm14 =	vgt.f32 v18, $0.0e+00;
	vm12 =	vlt.s32 v19, $0x0  }
0xf7: {  	vm15 =	vmor vm14, vm13;
	v18 =	vsel vm12, $0x3E7, v19  }
0xf8: {  	(xrf1) =	vunique.msk.u32 vm15, v18;
	_ =	sdelay $0xd  }
0xf9: {  	_, v19, vm0 =	vpop (xrf1);
	_ =	sdelay $0x5  }
0xfa: {  	[tilespmem:v18+s10+$0x0] =	vst.idx.msk vm0, v2  }
0xfb: {  	v18 =	vld [tilespmem:s17+$0x20];
	_ =	sdelay $0x4  }
0xfc: {  	v19 =	vmul.f32 $1.000000000e+03, v18;
	_ =	sdelay $0x1  }
0xfd: {  	v19 =	vtrunc.f32 v19  }
0xfe: {  	v19 =	vcvt.f32.s32 v19;
	_ =	sdelay $0x1  }
0xff: {  	v19 =	vadd.s32 $0xFFFFFFFF, v19  }
0x100: {  	vm5 =	vlt.f32 v18, $0.0e+00;
	vm6 =	vgt.f32 v18, $0.0e+00;
	vm4 =	vlt.s32 v19, $0x0  }
0x101: {  	vm7 =	vmor vm6, vm5;
	v18 =	vsel vm4, $0x3E7, v19  }
0x102: {  	(xrf1) =	vunique.msk.u32 vm7, v18;
	_ =	sdelay $0xd  }
0x103: {  	_, v19, vm0 =	vpop (xrf1);
	_ =	sdelay $0x5  }
0x104: {  	[tilespmem:v18+s10+$0x0] =	vst.idx.msk vm0, v3  }
0x105: {  	v18 =	vld [tilespmem:s17+$0x30];
	_ =	sdelay $0x4  }
0x106: {  	v19 =	vmul.f32 $1.000000000e+03, v18;
	_ =	sdelay $0x1  }
0x107: {  	v19 =	vtrunc.f32 v19  }
0x108: {  	v19 =	vcvt.f32.s32 v19;
	_ =	sdelay $0x1  }
0x109: {  	v19 =	vadd.s32 $0xFFFFFFFF, v19  }
0x10a: {  	vm9 =	vlt.f32 v18, $0.0e+00;
	vm10 =	vgt.f32 v18, $0.0e+00;
	vm8 =	vlt.s32 v19, $0x0  }
0x10b: {  	vm11 =	vmor vm10, vm9;
	v18 =	vsel vm8, $0x3E7, v19  }
0x10c: {  	(xrf1) =	vunique.msk.u32 vm11, v18;
	_ =	sdelay $0xd  }
0x10d: {  	_, v19, vm0 =	vpop (xrf1);
	_ =	sdelay $0x5  }
0x10e: {  	[tilespmem:v18+s10+$0x0] =	vst.idx.msk vm0, v4  }
0x10f: {  	v18 =	vld [tilespmem:s17+$0x40];
	_ =	sdelay $0x4  }
0x110: {  	v19 =	vmul.f32 $1.000000000e+03, v18;
	_ =	sdelay $0x1  }
0x111: {  	v19 =	vtrunc.f32 v19  }
0x112: {  	v19 =	vcvt.f32.s32 v19;
	_ =	sdelay $0x1  }
0x113: {  	v19 =	vadd.s32 $0xFFFFFFFF, v19  }
0x114: {  	vm13 =	vlt.f32 v18, $0.0e+00;
	vm14 =	vgt.f32 v18, $0.0e+00;
	vm12 =	vlt.s32 v19, $0x0  }
0x115: {  	vm15 =	vmor vm14, vm13;
	v18 =	vsel vm12, $0x3E7, v19  }
0x116: {  	(xrf1) =	vunique.msk.u32 vm15, v18;
	_ =	sdelay $0xd  }
0x117: {  	_, v19, vm0 =	vpop (xrf1);
	_ =	sdelay $0x5  }
0x118: {  	[tilespmem:v18+s10+$0x0] =	vst.idx.msk vm0, v5  }
0x119: {  	v18 =	vld [tilespmem:s17+$0x50];
	_ =	sdelay $0x4  }
0x11a: {  	v19 =	vmul.f32 $1.000000000e+03, v18;
	_ =	sdelay $0x1  }
0x11b: {  	v19 =	vtrunc.f32 v19  }
0x11c: {  	v19 =	vcvt.f32.s32 v19;
	_ =	sdelay $0x1  }
0x11d: {  	v19 =	vadd.s32 $0xFFFFFFFF, v19  }
0x11e: {  	vm5 =	vlt.f32 v18, $0.0e+00;
	vm6 =	vgt.f32 v18, $0.0e+00;
	vm4 =	vlt.s32 v19, $0x0  }
0x11f: {  	vm7 =	vmor vm6, vm5;
	v18 =	vsel vm4, $0x3E7, v19  }
0x120: {  	(xrf1) =	vunique.msk.u32 vm7, v18;
	_ =	sdelay $0xd  }
0x121: {  	_, v19, vm0 =	vpop (xrf1);
	_ =	sdelay $0x5  }
0x122: {  	[tilespmem:v18+s10+$0x0] =	vst.idx.msk vm0, v6  }
0x123: {  	v18 =	vld [tilespmem:s17+$0x60];
	_ =	sdelay $0x4  }
0x124: {  	v19 =	vmul.f32 $1.000000000e+03, v18;
	_ =	sdelay $0x1  }
0x125: {  	v19 =	vtrunc.f32 v19  }
0x126: {  	v19 =	vcvt.f32.s32 v19;
	_ =	sdelay $0x1  }
0x127: {  	v19 =	vadd.s32 $0xFFFFFFFF, v19  }
0x128: {  	vm9 =	vlt.f32 v18, $0.0e+00;
	vm10 =	vgt.f32 v18, $0.0e+00;
	vm8 =	vlt.s32 v19, $0x0  }
0x129: {  	vm11 =	vmor vm10, vm9;
	v18 =	vsel vm8, $0x3E7, v19  }
0x12a: {  	(xrf1) =	vunique.msk.u32 vm11, v18;
	_ =	sdelay $0xd  }
0x12b: {  	_, v19, vm0 =	vpop (xrf1);
	_ =	sdelay $0x5  }
0x12c: {  	[tilespmem:v18+s10+$0x0] =	vst.idx.msk vm0, v7  }
0x12d: {  	v18 =	vld [tilespmem:s17+$0x70];
	_ =	sdelay $0x4  }
0x12e: {  	v19 =	vmul.f32 $1.000000000e+03, v18;
	_ =	sdelay $0x1  }
0x12f: {  	v19 =	vtrunc.f32 v19  }
0x130: {  	v19 =	vcvt.f32.s32 v19;
	_ =	sdelay $0x1  }
0x131: {  	v19 =	vadd.s32 $0xFFFFFFFF, v19  }
0x132: {  	vm13 =	vlt.f32 v18, $0.0e+00;
	vm14 =	vgt.f32 v18, $0.0e+00;
	vm12 =	vlt.s32 v19, $0x0  }
0x133: {  	vm15 =	vmor vm14, vm13;
	v18 =	vsel vm12, $0x3E7, v19  }
0x134: {  	(xrf1) =	vunique.msk.u32 vm15, v18;
	_ =	sdelay $0xd  }
0x135: {  	_, v19, vm0 =	vpop (xrf1);
	_ =	sdelay $0x5  }
0x136: {  	[tilespmem:v18+s10+$0x0] =	vst.idx.msk vm0, v8  }
0x137: {  	v18 =	vld [tilespmem:s17+$0x400];
	_ =	sdelay $0x4  }
0x138: {  	v19 =	vmul.f32 $1.000000000e+03, v18;
	_ =	sdelay $0x1  }
0x139: {  	v19 =	vtrunc.f32 v19  }
0x13a: {  	v19 =	vcvt.f32.s32 v19;
	_ =	sdelay $0x1  }
0x13b: {  	v19 =	vadd.s32 $0xFFFFFFFF, v19  }
0x13c: {  	vm5 =	vlt.f32 v18, $0.0e+00;
	vm6 =	vgt.f32 v18, $0.0e+00;
	vm4 =	vlt.s32 v19, $0x0  }
0x13d: {  	vm7 =	vmor vm6, vm5;
	v18 =	vsel vm4, $0x3E7, v19  }
0x13e: {  	(xrf1) =	vunique.msk.u32 vm7, v18;
	_ =	sdelay $0xd  }
0x13f: {  	_, v19, vm0 =	vpop (xrf1);
	_ =	sdelay $0x5  }
0x140: {  	[tilespmem:v18+s10+$0x0] =	vst.idx.msk vm0, v9  }
0x141: {  	v18 =	vld [tilespmem:s17+$0x410];
	_ =	sdelay $0x4  }
0x142: {  	v19 =	vmul.f32 $1.000000000e+03, v18;
	_ =	sdelay $0x1  }
0x143: {  	v19 =	vtrunc.f32 v19  }
0x144: {  	v19 =	vcvt.f32.s32 v19;
	_ =	sdelay $0x1  }
0x145: {  	v19 =	vadd.s32 $0xFFFFFFFF, v19  }
0x146: {  	vm9 =	vlt.f32 v18, $0.0e+00;
	vm10 =	vgt.f32 v18, $0.0e+00;
	vm8 =	vlt.s32 v19, $0x0  }
0x147: {  	vm11 =	vmor vm10, vm9;
	v18 =	vsel vm8, $0x3E7, v19  }
0x148: {  	(xrf1) =	vunique.msk.u32 vm11, v18;
	_ =	sdelay $0xd  }
0x149: {  	_, v19, vm0 =	vpop (xrf1);
	_ =	sdelay $0x5  }
0x14a: {  	[tilespmem:v18+s10+$0x0] =	vst.idx.msk vm0, v10  }
0x14b: {  	v18 =	vld [tilespmem:s17+$0x420];
	_ =	sdelay $0x4  }
0x14c: {  	v19 =	vmul.f32 $1.000000000e+03, v18;
	_ =	sdelay $0x1  }
0x14d: {  	v19 =	vtrunc.f32 v19  }
0x14e: {  	v19 =	vcvt.f32.s32 v19;
	_ =	sdelay $0x1  }
0x14f: {  	v19 =	vadd.s32 $0xFFFFFFFF, v19  }
0x150: {  	vm13 =	vlt.f32 v18, $0.0e+00;
	vm14 =	vgt.f32 v18, $0.0e+00;
	vm12 =	vlt.s32 v19, $0x0  }
0x151: {  	vm15 =	vmor vm14, vm13;
	v18 =	vsel vm12, $0x3E7, v19  }
0x152: {  	(xrf1) =	vunique.msk.u32 vm15, v18;
	_ =	sdelay $0xd  }
0x153: {  	_, v19, vm0 =	vpop (xrf1);
	_ =	sdelay $0x5  }
0x154: {  	[tilespmem:v18+s10+$0x0] =	vst.idx.msk vm0, v11  }
0x155: {  	v18 =	vld [tilespmem:s17+$0x430];
	_ =	sdelay $0x4  }
0x156: {  	v19 =	vmul.f32 $1.000000000e+03, v18;
	_ =	sdelay $0x1  }
0x157: {  	v19 =	vtrunc.f32 v19  }
0x158: {  	v19 =	vcvt.f32.s32 v19;
	_ =	sdelay $0x1  }
0x159: {  	v19 =	vadd.s32 $0xFFFFFFFF, v19  }
0x15a: {  	vm5 =	vlt.f32 v18, $0.0e+00;
	vm6 =	vgt.f32 v18, $0.0e+00;
	vm4 =	vlt.s32 v19, $0x0  }
0x15b: {  	vm7 =	vmor vm6, vm5;
	v18 =	vsel vm4, $0x3E7, v19  }
0x15c: {  	(xrf1) =	vunique.msk.u32 vm7, v18;
	_ =	sdelay $0xd  }
0x15d: {  	_, v19, vm0 =	vpop (xrf1);
	_ =	sdelay $0x5  }
0x15e: {  	[tilespmem:v18+s10+$0x0] =	vst.idx.msk vm0, v12  }
0x15f: {  	v18 =	vld [tilespmem:s17+$0x440];
	_ =	sdelay $0x4  }
0x160: {  	v19 =	vmul.f32 $1.000000000e+03, v18;
	_ =	sdelay $0x1  }
0x161: {  	v19 =	vtrunc.f32 v19  }
0x162: {  	v19 =	vcvt.f32.s32 v19;
	_ =	sdelay $0x1  }
0x163: {  	v19 =	vadd.s32 $0xFFFFFFFF, v19  }
0x164: {  	vm9 =	vlt.f32 v18, $0.0e+00;
	vm10 =	vgt.f32 v18, $0.0e+00;
	vm8 =	vlt.s32 v19, $0x0  }
0x165: {  	vm11 =	vmor vm10, vm9;
	v18 =	vsel vm8, $0x3E7, v19  }
0x166: {  	(xrf1) =	vunique.msk.u32 vm11, v18;
	_ =	sdelay $0xd  }
0x167: {  	_, v19, vm0 =	vpop (xrf1);
	_ =	sdelay $0x5  }
0x168: {  	[tilespmem:v18+s10+$0x0] =	vst.idx.msk vm0, v13  }
0x169: {  	v18 =	vld [tilespmem:s17+$0x450];
	_ =	sdelay $0x4  }
0x16a: {  	v19 =	vmul.f32 $1.000000000e+03, v18;
	_ =	sdelay $0x1  }
0x16b: {  	v19 =	vtrunc.f32 v19  }
0x16c: {  	v19 =	vcvt.f32.s32 v19;
	_ =	sdelay $0x1  }
0x16d: {  	v19 =	vadd.s32 $0xFFFFFFFF, v19  }
0x16e: {  	vm13 =	vlt.f32 v18, $0.0e+00;
	vm14 =	vgt.f32 v18, $0.0e+00;
	vm12 =	vlt.s32 v19, $0x0  }
0x16f: {  	vm15 =	vmor vm14, vm13;
	v18 =	vsel vm12, $0x3E7, v19  }
0x170: {  	(xrf1) =	vunique.msk.u32 vm15, v18;
	_ =	sdelay $0xd  }
0x171: {  	_, v19, vm0 =	vpop (xrf1);
	_ =	sdelay $0x5  }
0x172: {  	[tilespmem:v18+s10+$0x0] =	vst.idx.msk vm0, v14  }
0x173: {  	v18 =	vld [tilespmem:s17+$0x460];
	_ =	sdelay $0x4  }
0x174: {  	v19 =	vmul.f32 $1.000000000e+03, v18;
	_ =	sdelay $0x1  }
0x175: {  	v19 =	vtrunc.f32 v19  }
0x176: {  	v19 =	vcvt.f32.s32 v19;
	_ =	sdelay $0x1  }
0x177: {  	v19 =	vadd.s32 $0xFFFFFFFF, v19  }
0x178: {  	vm5 =	vlt.f32 v18, $0.0e+00;
	vm6 =	vgt.f32 v18, $0.0e+00;
	vm4 =	vlt.s32 v19, $0x0  }
0x179: {  	vm7 =	vmor vm6, vm5;
	v18 =	vsel vm4, $0x3E7, v19  }
0x17a: {  	(xrf1) =	vunique.msk.u32 vm7, v18;
	_ =	sdelay $0xd  }
0x17b: {  	_, v19, vm0 =	vpop (xrf1);
	_ =	sdelay $0x5  }
0x17c: {  	[tilespmem:v18+s10+$0x0] =	vst.idx.msk vm0, v15  }
0x17d: {  	v18 =	vld [tilespmem:s17+$0x470];
	_ =	sdelay $0x4  }
0x17e: {  	v19 =	vmul.f32 $1.000000000e+03, v18;
	_ =	sdelay $0x1  }
0x17f: {  	v19 =	vtrunc.f32 v19  }
0x180: {  	v19 =	vcvt.f32.s32 v19;
	_ =	sdelay $0x1  }
0x181: {  	v19 =	vadd.s32 $0xFFFFFFFF, v19  }
0x182: {  	vm9 =	vlt.f32 v18, $0.0e+00;
	vm10 =	vgt.f32 v18, $0.0e+00;
	vm8 =	vlt.s32 v19, $0x0  }
0x183: {  	vm11 =	vmor vm10, vm9;
	v18 =	vsel vm8, $0x3E7, v19  }
0x184: {  	(xrf1) =	vunique.msk.u32 vm11, v18;
	_ =	sdelay $0xd  }
0x185: {  	_, v19, vm0 =	vpop (xrf1);
	_ =	sdelay $0x5  }
0x186: {  	[tilespmem:v18+s10+$0x0] =	vst.idx.msk vm0, v16  }
0x187: {  	v18 =	vld [tilespmem:s17+$0x4000];
	_ =	sdelay $0x4  }
0x188: {  	v19 =	vmul.f32 $1.000000000e+03, v18;
	_ =	sdelay $0x1  }
0x189: {  	v19 =	vtrunc.f32 v19  }
0x18a: {  	v19 =	vcvt.f32.s32 v19;
	_ =	sdelay $0x1  }
0x18b: {  	v19 =	vadd.s32 $0xFFFFFFFF, v19  }
0x18c: {  	vm13 =	vlt.f32 v18, $0.0e+00;
	vm14 =	vgt.f32 v18, $0.0e+00;
	vm12 =	vlt.s32 v19, $0x0  }
0x18d: {  	vm15 =	vmor vm14, vm13;
	v18 =	vsel vm12, $0x3E7, v19  }
0x18e: {  	(xrf1) =	vunique.msk.u32 vm15, v18;
	_ =	sdelay $0xd  }
0x18f: {  	_, v19, vm0 =	vpop (xrf1);
	_ =	sdelay $0x5  }
0x190: {  	[tilespmem:v18+s11+$0x0] =	vst.idx.msk vm0, v0  }
0x191: {  	v18 =	vld [tilespmem:s17+$0x4010];
	_ =	sdelay $0x4  }
0x192: {  	v19 =	vmul.f32 $1.000000000e+03, v18;
	_ =	sdelay $0x1  }
0x193: {  	v19 =	vtrunc.f32 v19  }
0x194: {  	v19 =	vcvt.f32.s32 v19;
	_ =	sdelay $0x1  }
0x195: {  	v19 =	vadd.s32 $0xFFFFFFFF, v19  }
0x196: {  	vm5 =	vlt.f32 v18, $0.0e+00;
	vm6 =	vgt.f32 v18, $0.0e+00;
	vm4 =	vlt.s32 v19, $0x0  }
0x197: {  	vm7 =	vmor vm6, vm5;
	v18 =	vsel vm4, $0x3E7, v19  }
0x198: {  	(xrf1) =	vunique.msk.u32 vm7, v18;
	_ =	sdelay $0xd  }
0x199: {  	_, v19, vm0 =	vpop (xrf1);
	_ =	sdelay $0x5  }
0x19a: {  	[tilespmem:v18+s11+$0x0] =	vst.idx.msk vm0, v2  }
0x19b: {  	v18 =	vld [tilespmem:s17+$0x4020];
	_ =	sdelay $0x4  }
0x19c: {  	v19 =	vmul.f32 $1.000000000e+03, v18;
	_ =	sdelay $0x1  }
0x19d: {  	v19 =	vtrunc.f32 v19  }
0x19e: {  	v19 =	vcvt.f32.s32 v19;
	_ =	sdelay $0x1  }
0x19f: {  	v19 =	vadd.s32 $0xFFFFFFFF, v19  }
0x1a0: {  	vm9 =	vlt.f32 v18, $0.0e+00;
	vm10 =	vgt.f32 v18, $0.0e+00;
	vm8 =	vlt.s32 v19, $0x0  }
0x1a1: {  	vm11 =	vmor vm10, vm9;
	v18 =	vsel vm8, $0x3E7, v19  }
0x1a2: {  	(xrf1) =	vunique.msk.u32 vm11, v18;
	_ =	sdelay $0xd  }
0x1a3: {  	_, v19, vm0 =	vpop (xrf1);
	_ =	sdelay $0x5  }
0x1a4: {  	[tilespmem:v18+s11+$0x0] =	vst.idx.msk vm0, v3  }
0x1a5: {  	v18 =	vld [tilespmem:s17+$0x4030];
	_ =	sdelay $0x4  }
0x1a6: {  	v19 =	vmul.f32 $1.000000000e+03, v18;
	_ =	sdelay $0x1  }
0x1a7: {  	v19 =	vtrunc.f32 v19  }
0x1a8: {  	v19 =	vcvt.f32.s32 v19;
	_ =	sdelay $0x1  }
0x1a9: {  	v19 =	vadd.s32 $0xFFFFFFFF, v19  }
0x1aa: {  	vm13 =	vlt.f32 v18, $0.0e+00;
	vm14 =	vgt.f32 v18, $0.0e+00;
	vm12 =	vlt.s32 v19, $0x0  }
0x1ab: {  	vm15 =	vmor vm14, vm13;
	v18 =	vsel vm12, $0x3E7, v19  }
0x1ac: {  	(xrf1) =	vunique.msk.u32 vm15, v18;
	_ =	sdelay $0xd  }
0x1ad: {  	_, v19, vm0 =	vpop (xrf1);
	_ =	sdelay $0x5  }
0x1ae: {  	[tilespmem:v18+s11+$0x0] =	vst.idx.msk vm0, v4  }
0x1af: {  	v18 =	vld [tilespmem:s17+$0x4040];
	_ =	sdelay $0x4  }
0x1b0: {  	v19 =	vmul.f32 $1.000000000e+03, v18;
	_ =	sdelay $0x1  }
0x1b1: {  	v19 =	vtrunc.f32 v19  }
0x1b2: {  	v19 =	vcvt.f32.s32 v19;
	_ =	sdelay $0x1  }
0x1b3: {  	v19 =	vadd.s32 $0xFFFFFFFF, v19  }
0x1b4: {  	vm5 =	vlt.f32 v18, $0.0e+00;
	vm6 =	vgt.f32 v18, $0.0e+00;
	vm4 =	vlt.s32 v19, $0x0  }
0x1b5: {  	vm7 =	vmor vm6, vm5;
	v18 =	vsel vm4, $0x3E7, v19  }
0x1b6: {  	(xrf1) =	vunique.msk.u32 vm7, v18;
	_ =	sdelay $0xd  }
0x1b7: {  	_, v19, vm0 =	vpop (xrf1);
	_ =	sdelay $0x5  }
0x1b8: {  	[tilespmem:v18+s11+$0x0] =	vst.idx.msk vm0, v5  }
0x1b9: {  	v18 =	vld [tilespmem:s17+$0x4050];
	_ =	sdelay $0x4  }
0x1ba: {  	v19 =	vmul.f32 $1.000000000e+03, v18;
	_ =	sdelay $0x1  }
0x1bb: {  	v19 =	vtrunc.f32 v19  }
0x1bc: {  	v19 =	vcvt.f32.s32 v19;
	_ =	sdelay $0x1  }
0x1bd: {  	v19 =	vadd.s32 $0xFFFFFFFF, v19  }
0x1be: {  	vm9 =	vlt.f32 v18, $0.0e+00;
	vm10 =	vgt.f32 v18, $0.0e+00;
	vm8 =	vlt.s32 v19, $0x0  }
0x1bf: {  	vm11 =	vmor vm10, vm9;
	v18 =	vsel vm8, $0x3E7, v19  }
0x1c0: {  	(xrf1) =	vunique.msk.u32 vm11, v18;
	_ =	sdelay $0xd  }
0x1c1: {  	_, v19, vm0 =	vpop (xrf1);
	_ =	sdelay $0x5  }
0x1c2: {  	[tilespmem:v18+s11+$0x0] =	vst.idx.msk vm0, v6  }
0x1c3: {  	v18 =	vld [tilespmem:s17+$0x4060];
	_ =	sdelay $0x4  }
0x1c4: {  	v19 =	vmul.f32 $1.000000000e+03, v18;
	_ =	sdelay $0x1  }
0x1c5: {  	v19 =	vtrunc.f32 v19  }
0x1c6: {  	v19 =	vcvt.f32.s32 v19;
	_ =	sdelay $0x1  }
0x1c7: {  	v19 =	vadd.s32 $0xFFFFFFFF, v19  }
0x1c8: {  	vm13 =	vlt.f32 v18, $0.0e+00;
	vm14 =	vgt.f32 v18, $0.0e+00;
	vm12 =	vlt.s32 v19, $0x0  }
0x1c9: {  	vm15 =	vmor vm14, vm13;
	v18 =	vsel vm12, $0x3E7, v19  }
0x1ca: {  	(xrf1) =	vunique.msk.u32 vm15, v18;
	_ =	sdelay $0xd  }
0x1cb: {  	_, v19, vm0 =	vpop (xrf1);
	_ =	sdelay $0x5  }
0x1cc: {  	[tilespmem:v18+s11+$0x0] =	vst.idx.msk vm0, v7  }
0x1cd: {  	v18 =	vld [tilespmem:s17+$0x4070];
	_ =	sdelay $0x4  }
0x1ce: {  	v19 =	vmul.f32 $1.000000000e+03, v18;
	_ =	sdelay $0x1  }
0x1cf: {  	v19 =	vtrunc.f32 v19  }
0x1d0: {  	v19 =	vcvt.f32.s32 v19;
	_ =	sdelay $0x1  }
0x1d1: {  	v19 =	vadd.s32 $0xFFFFFFFF, v19  }
0x1d2: {  	vm5 =	vlt.f32 v18, $0.0e+00;
	vm6 =	vgt.f32 v18, $0.0e+00;
	vm4 =	vlt.s32 v19, $0x0  }
0x1d3: {  	vm7 =	vmor vm6, vm5;
	v18 =	vsel vm4, $0x3E7, v19  }
0x1d4: {  	(xrf1) =	vunique.msk.u32 vm7, v18;
	_ =	sdelay $0xd  }
0x1d5: {  	_, v19, vm0 =	vpop (xrf1);
	_ =	sdelay $0x5  }
0x1d6: {  	[tilespmem:v18+s11+$0x0] =	vst.idx.msk vm0, v8  }
0x1d7: {  	v18 =	vld [tilespmem:s17+$0x4400];
	_ =	sdelay $0x4  }
0x1d8: {  	v19 =	vmul.f32 $1.000000000e+03, v18;
	_ =	sdelay $0x1  }
0x1d9: {  	v19 =	vtrunc.f32 v19  }
0x1da: {  	v19 =	vcvt.f32.s32 v19;
	_ =	sdelay $0x1  }
0x1db: {  	v19 =	vadd.s32 $0xFFFFFFFF, v19  }
0x1dc: {  	vm9 =	vlt.f32 v18, $0.0e+00;
	vm10 =	vgt.f32 v18, $0.0e+00;
	vm8 =	vlt.s32 v19, $0x0  }
0x1dd: {  	vm11 =	vmor vm10, vm9;
	v18 =	vsel vm8, $0x3E7, v19  }
0x1de: {  	(xrf1) =	vunique.msk.u32 vm11, v18;
	_ =	sdelay $0xd  }
0x1df: {  	_, v19, vm0 =	vpop (xrf1);
	_ =	sdelay $0x5  }
0x1e0: {  	[tilespmem:v18+s11+$0x0] =	vst.idx.msk vm0, v9  }
0x1e1: {  	v18 =	vld [tilespmem:s17+$0x4410];
	_ =	sdelay $0x4  }
0x1e2: {  	v19 =	vmul.f32 $1.000000000e+03, v18;
	_ =	sdelay $0x1  }
0x1e3: {  	v19 =	vtrunc.f32 v19  }
0x1e4: {  	v19 =	vcvt.f32.s32 v19;
	_ =	sdelay $0x1  }
0x1e5: {  	v19 =	vadd.s32 $0xFFFFFFFF, v19  }
0x1e6: {  	vm13 =	vlt.f32 v18, $0.0e+00;
	vm14 =	vgt.f32 v18, $0.0e+00;
	vm12 =	vlt.s32 v19, $0x0  }
0x1e7: {  	vm15 =	vmor vm14, vm13;
	v18 =	vsel vm12, $0x3E7, v19  }
0x1e8: {  	(xrf1) =	vunique.msk.u32 vm15, v18;
	_ =	sdelay $0xd  }
0x1e9: {  	_, v19, vm0 =	vpop (xrf1);
	_ =	sdelay $0x5  }
0x1ea: {  	[tilespmem:v18+s11+$0x0] =	vst.idx.msk vm0, v10  }
0x1eb: {  	v18 =	vld [tilespmem:s17+$0x4420];
	_ =	sdelay $0x4  }
0x1ec: {  	v19 =	vmul.f32 $1.000000000e+03, v18;
	_ =	sdelay $0x1  }
0x1ed: {  	v19 =	vtrunc.f32 v19  }
0x1ee: {  	v19 =	vcvt.f32.s32 v19;
	_ =	sdelay $0x1  }
0x1ef: {  	v19 =	vadd.s32 $0xFFFFFFFF, v19  }
0x1f0: {  	vm5 =	vlt.f32 v18, $0.0e+00;
	vm6 =	vgt.f32 v18, $0.0e+00;
	vm4 =	vlt.s32 v19, $0x0  }
0x1f1: {  	vm7 =	vmor vm6, vm5;
	v18 =	vsel vm4, $0x3E7, v19  }
0x1f2: {  	(xrf1) =	vunique.msk.u32 vm7, v18;
	_ =	sdelay $0xd  }
0x1f3: {  	_, v19, vm0 =	vpop (xrf1);
	_ =	sdelay $0x5  }
0x1f4: {  	[tilespmem:v18+s11+$0x0] =	vst.idx.msk vm0, v11  }
0x1f5: {  	v18 =	vld [tilespmem:s17+$0x4430];
	_ =	sdelay $0x4  }
0x1f6: {  	v19 =	vmul.f32 $1.000000000e+03, v18;
	_ =	sdelay $0x1  }
0x1f7: {  	v19 =	vtrunc.f32 v19  }
0x1f8: {  	v19 =	vcvt.f32.s32 v19;
	_ =	sdelay $0x1  }
0x1f9: {  	v19 =	vadd.s32 $0xFFFFFFFF, v19  }
0x1fa: {  	vm9 =	vlt.f32 v18, $0.0e+00;
	vm10 =	vgt.f32 v18, $0.0e+00;
	vm8 =	vlt.s32 v19, $0x0  }
0x1fb: {  	vm11 =	vmor vm10, vm9;
	v18 =	vsel vm8, $0x3E7, v19  }
0x1fc: {  	(xrf1) =	vunique.msk.u32 vm11, v18;
	_ =	sdelay $0xd  }
0x1fd: {  	_, v19, vm0 =	vpop (xrf1);
	_ =	sdelay $0x5  }
0x1fe: {  	[tilespmem:v18+s11+$0x0] =	vst.idx.msk vm0, v12  }
0x1ff: {  	v18 =	vld [tilespmem:s17+$0x4440];
	_ =	sdelay $0x4  }
0x200: {  	v19 =	vmul.f32 $1.000000000e+03, v18;
	_ =	sdelay $0x1  }
0x201: {  	v19 =	vtrunc.f32 v19  }
0x202: {  	v19 =	vcvt.f32.s32 v19;
	_ =	sdelay $0x1  }
0x203: {  	v19 =	vadd.s32 $0xFFFFFFFF, v19  }
0x204: {  	vm13 =	vlt.f32 v18, $0.0e+00;
	vm14 =	vgt.f32 v18, $0.0e+00;
	vm12 =	vlt.s32 v19, $0x0  }
0x205: {  	vm15 =	vmor vm14, vm13;
	v18 =	vsel vm12, $0x3E7, v19  }
0x206: {  	(xrf1) =	vunique.msk.u32 vm15, v18;
	_ =	sdelay $0xd  }
0x207: {  	_, v19, vm0 =	vpop (xrf1);
	_ =	sdelay $0x5  }
0x208: {  	[tilespmem:v18+s11+$0x0] =	vst.idx.msk vm0, v13  }
0x209: {  	v18 =	vld [tilespmem:s17+$0x4450];
	_ =	sdelay $0x4  }
0x20a: {  	v19 =	vmul.f32 $1.000000000e+03, v18;
	_ =	sdelay $0x1  }
0x20b: {  	v19 =	vtrunc.f32 v19  }
0x20c: {  	v19 =	vcvt.f32.s32 v19;
	_ =	sdelay $0x1  }
0x20d: {  	v19 =	vadd.s32 $0xFFFFFFFF, v19  }
0x20e: {  	vm5 =	vlt.f32 v18, $0.0e+00;
	vm6 =	vgt.f32 v18, $0.0e+00;
	vm4 =	vlt.s32 v19, $0x0  }
0x20f: {  	vm7 =	vmor vm6, vm5;
	v18 =	vsel vm4, $0x3E7, v19  }
0x210: {  	(xrf1) =	vunique.msk.u32 vm7, v18;
	_ =	sdelay $0xd  }
0x211: {  	_, v19, vm0 =	vpop (xrf1);
	_ =	sdelay $0x5  }
0x212: {  	[tilespmem:v18+s11+$0x0] =	vst.idx.msk vm0, v14  }
0x213: {  	v18 =	vld [tilespmem:s17+$0x4460];
	_ =	sdelay $0x4  }
0x214: {  	v19 =	vmul.f32 $1.000000000e+03, v18;
	_ =	sdelay $0x1  }
0x215: {  	v19 =	vtrunc.f32 v19  }
0x216: {  	v19 =	vcvt.f32.s32 v19;
	_ =	sdelay $0x1  }
0x217: {  	v19 =	vadd.s32 $0xFFFFFFFF, v19  }
0x218: {  	vm9 =	vlt.f32 v18, $0.0e+00;
	vm10 =	vgt.f32 v18, $0.0e+00;
	vm8 =	vlt.s32 v19, $0x0  }
0x219: {  	vm11 =	vmor vm10, vm9;
	v18 =	vsel vm8, $0x3E7, v19  }
0x21a: {  	(xrf1) =	vunique.msk.u32 vm11, v18;
	_ =	sdelay $0xd  }
0x21b: {  	_, v19, vm0 =	vpop (xrf1);
	_ =	sdelay $0x5  }
0x21c: {  	[tilespmem:v18+s11+$0x0] =	vst.idx.msk vm0, v15  }
0x21d: {  	v18 =	vld [tilespmem:s17+$0x4470];
	_ =	sdelay $0x4  }
0x21e: {  	v19 =	vmul.f32 $1.000000000e+03, v18;
	_ =	sdelay $0x1  }
0x21f: {  	v19 =	vtrunc.f32 v19  }
0x220: {  	v19 =	vcvt.f32.s32 v19;
	_ =	sdelay $0x1  }
0x221: {  	v19 =	vadd.s32 $0xFFFFFFFF, v19  }
0x222: {  	vm13 =	vlt.f32 v18, $0.0e+00;
	vm14 =	vgt.f32 v18, $0.0e+00;
	vm12 =	vlt.s32 v19, $0x0  }
0x223: {  	vm15 =	vmor vm14, vm13;
	v18 =	vsel vm12, $0x3E7, v19  }
0x224: {  	(xrf1) =	vunique.msk.u32 vm15, v18;
	_ =	sdelay $0xd  }
0x225: {  	_, v19, vm0 =	vpop (xrf1);
	_ =	sdelay $0x5  }
0x226: {  	[tilespmem:v18+s11+$0x0] =	vst.idx.msk vm0, v16  }
0x227: {  	v18 =	vld [tilespmem:$0x8000]  }
0x228: {  	v19 =	vld [tilespmem:$0x8400]  }
0x229: {  	v20 =	vld [tilespmem:$0x8010]  }
0x22a: {  	v21 =	vld [tilespmem:$0x8410]  }
0x22b: {  	v22 =	vld [tilespmem:$0x8020]  }
0x22c: {  	v23 =	vld [tilespmem:$0x8420]  }
0x22d: {  	v24 =	vld [tilespmem:$0x8430];
	v18 =	vsub.f32 v18, v19  }
0x22e: {  	v19 =	vld [tilespmem:$0x8030]  }
0x22f: {  	v52 =	vld [tilespmem:$0x8040];
	v20 =	vsub.f32 v20, v21;
	v18 =	vmul.f32 v18, v18  }
0x230: {  	[tilespmem:$0x8000] =	vst v1;
	v25 =	vld [tilespmem:$0x8440]  }
0x231: {  	[tilespmem:$0x8400] =	vst v1;
	v54 =	vld [tilespmem:$0x8050];
	v53 =	vsub.f32 v22, v23;
	v17 =	vadd.f32 v18, v17;
	v18 =	vmul.f32 v20, v20  }
0x232: {  	[tilespmem:$0x8010] =	vst v1;
	v55 =	vld [tilespmem:$0x8450]  }
0x233: {  	[tilespmem:$0x8410] =	vst v1;
	v56 =	vld [tilespmem:$0x8060];
	v19 =	vsub.f32 v19, v24;
	v17 =	vadd.f32 v18, v17;
	v18 =	vmul.f32 v53, v53  }
0x234: {  	[tilespmem:$0x8020] =	vst v1;
	v57 =	vld [tilespmem:$0x8460]  }
0x235: {  	[tilespmem:$0x8420] =	vst v1;
	v58 =	vld [tilespmem:$0x8070];
	v17 =	vadd.f32 v18, v17;
	v18 =	vmul.f32 v19, v19;
	v19 =	vsub.f32 v52, v25  }
0x236: {  	v59 =	vld [tilespmem:$0x8470];
	[tilespmem:$0x8430] =	vst v1  }
0x237: {  	v60 =	vld [tilespmem:$0x8080];
	[tilespmem:$0x8040] =	vst v1;
	v17 =	vadd.f32 v18, v17;
	v18 =	vmul.f32 v19, v19;
	v19 =	vsub.f32 v54, v55  }
0x238: {  	v61 =	vld [tilespmem:$0x8480];
	[tilespmem:$0x8440] =	vst v1  }
0x239: {  	v62 =	vld [tilespmem:$0x8090];
	[tilespmem:$0x8050] =	vst v1;
	v17 =	vadd.f32 v18, v17;
	v18 =	vmul.f32 v19, v19;
	v19 =	vsub.f32 v56, v57  }
0x23a: {  	v63 =	vld [tilespmem:$0x8490];
	[tilespmem:$0x8450] =	vst v1  }
0x23b: {  	v28 =	vld [tilespmem:$0x80A0];
	[tilespmem:$0x8060] =	vst v1;
	v17 =	vadd.f32 v18, v17;
	v18 =	vmul.f32 v19, v19;
	v19 =	vsub.f32 v58, v59  }
0x23c: {  	v29 =	vld [tilespmem:$0x84A0];
	[tilespmem:$0x8460] =	vst v1  }
0x23d: {  	v30 =	vld [tilespmem:$0x80B0];
	[tilespmem:$0x8070] =	vst v1;
	v17 =	vadd.f32 v18, v17;
	v18 =	vmul.f32 v19, v19;
	v19 =	vsub.f32 v60, v61  }
0x23e: {  	v31 =	vld [tilespmem:$0x84B0];
	[tilespmem:$0x8470] =	vst v1  }
0x23f: {  	v32 =	vld [tilespmem:$0x80C0];
	[tilespmem:$0x8080] =	vst v1;
	v17 =	vadd.f32 v18, v17;
	v18 =	vmul.f32 v19, v19;
	v19 =	vsub.f32 v62, v63  }
0x240: {  	v33 =	vld [tilespmem:$0x84C0];
	[tilespmem:$0x8480] =	vst v1  }
0x241: {  	v34 =	vld [tilespmem:$0x80D0];
	[tilespmem:$0x8090] =	vst v1;
	v17 =	vadd.f32 v18, v17;
	v18 =	vmul.f32 v19, v19;
	v19 =	vsub.f32 v28, v29  }
0x242: {  	v35 =	vld [tilespmem:$0x84D0];
	[tilespmem:$0x8490] =	vst v1  }
0x243: {  	v36 =	vld [tilespmem:$0x80E0];
	[tilespmem:$0x80A0] =	vst v1;
	v17 =	vadd.f32 v18, v17;
	v18 =	vmul.f32 v19, v19;
	v19 =	vsub.f32 v30, v31  }
0x244: {  	v37 =	vld [tilespmem:$0x84E0];
	[tilespmem:$0x84A0] =	vst v1  }
0x245: {  	v38 =	vld [tilespmem:$0x80F0];
	[tilespmem:$0x80B0] =	vst v1;
	v17 =	vadd.f32 v18, v17;
	v18 =	vmul.f32 v19, v19;
	v19 =	vsub.f32 v32, v33  }
0x246: {  	v39 =	vld [tilespmem:$0x84F0];
	[tilespmem:$0x84B0] =	vst v1  }
0x247: {  	v40 =	vld [tilespmem:$0x8100];
	[tilespmem:$0x80C0] =	vst v1;
	v17 =	vadd.f32 v18, v17;
	v18 =	vmul.f32 v19, v19;
	v19 =	vsub.f32 v34, v35  }
0x248: {  	v41 =	vld [tilespmem:$0x8500];
	[tilespmem:$0x84C0] =	vst v1  }
0x249: {  	v42 =	vld [tilespmem:$0x8110];
	[tilespmem:$0x80D0] =	vst v1;
	v17 =	vadd.f32 v18, v17;
	v18 =	vmul.f32 v19, v19;
	v19 =	vsub.f32 v36, v37  }
0x24a: {  	v43 =	vld [tilespmem:$0x8510];
	[tilespmem:$0x84D0] =	vst v1  }
0x24b: {  	v44 =	vld [tilespmem:$0x8120];
	[tilespmem:$0x80E0] =	vst v1;
	v17 =	vadd.f32 v18, v17;
	v18 =	vmul.f32 v19, v19;
	v19 =	vsub.f32 v38, v39  }
0x24c: {  	v45 =	vld [tilespmem:$0x8520];
	[tilespmem:$0x84E0] =	vst v1  }
0x24d: {  	v46 =	vld [tilespmem:$0x8130];
	[tilespmem:$0x80F0] =	vst v1;
	v17 =	vadd.f32 v18, v17;
	v18 =	vmul.f32 v19, v19;
	v19 =	vsub.f32 v40, v41  }
0x24e: {  	v47 =	vld [tilespmem:$0x8530];
	[tilespmem:$0x84F0] =	vst v1  }
0x24f: {  	v48 =	vld [tilespmem:$0x8140];
	[tilespmem:$0x8100] =	vst v1;
	v17 =	vadd.f32 v18, v17;
	v18 =	vmul.f32 v19, v19;
	v19 =	vsub.f32 v42, v43  }
0x250: {  	v49 =	vld [tilespmem:$0x8540];
	[tilespmem:$0x8500] =	vst v1  }
0x251: {  	v50 =	vld [tilespmem:$0x8150];
	[tilespmem:$0x8110] =	vst v1;
	v17 =	vadd.f32 v18, v17;
	v18 =	vmul.f32 v19, v19;
	v19 =	vsub.f32 v44, v45  }
0x252: {  	v51 =	vld [tilespmem:$0x8550];
	[tilespmem:$0x8510] =	vst v1  }
0x253: {  	[tilespmem:$0x8120] =	vst v1;
	v53 =	vld [tilespmem:$0x8560];
	v17 =	vadd.f32 v18, v17;
	v18 =	vmul.f32 v19, v19;
	v19 =	vsub.f32 v46, v47  }
0x254: {  	[tilespmem:$0x8520] =	vst v1;
	v52 =	vld [tilespmem:$0x8160]  }
0x255: {  	[tilespmem:$0x8130] =	vst v1;
	v54 =	vld [tilespmem:$0x8170];
	v17 =	vadd.f32 v18, v17;
	v18 =	vmul.f32 v19, v19;
	v19 =	vsub.f32 v48, v49  }
0x256: {  	[tilespmem:$0x8530] =	vst v1;
	v55 =	vld [tilespmem:$0x8570]  }
0x257: {  	[tilespmem:$0x8140] =	vst v1;
	v56 =	vld [tilespmem:$0x8180];
	v17 =	vadd.f32 v18, v17;
	v18 =	vmul.f32 v19, v19;
	v19 =	vsub.f32 v50, v51  }
0x258: {  	[tilespmem:$0x8540] =	vst v1;
	v57 =	vld [tilespmem:$0x8580]  }
0x259: {  	[tilespmem:$0x8150] =	vst v1;
	v58 =	vld [tilespmem:$0x8190];
	v17 =	vadd.f32 v18, v17;
	v18 =	vmul.f32 v19, v19;
	v19 =	vsub.f32 v52, v53  }
0x25a: {  	[tilespmem:$0x8550] =	vst v1;
	v59 =	vld [tilespmem:$0x8590]  }
0x25b: {  	[tilespmem:$0x8030] =	vst v1;
	v60 =	vld [tilespmem:$0x81A0];
	v17 =	vadd.f32 v18, v17;
	v18 =	vmul.f32 v19, v19;
	v19 =	vsub.f32 v54, v55  }
0x25c: {  	[tilespmem:$0x8560] =	vst v1;
	v61 =	vld [tilespmem:$0x85A0]  }
0x25d: {  	[tilespmem:$0x8160] =	vst v1;
	v62 =	vld [tilespmem:$0x81B0];
	v17 =	vadd.f32 v18, v17;
	v18 =	vmul.f32 v19, v19;
	v19 =	vsub.f32 v56, v57  }
0x25e: {  	[tilespmem:$0x8170] =	vst v1;
	v63 =	vld [tilespmem:$0x85B0]  }
0x25f: {  	[tilespmem:$0x8570] =	vst v1;
	v28 =	vld [tilespmem:$0x81C0];
	v17 =	vadd.f32 v18, v17;
	v18 =	vmul.f32 v19, v19;
	v19 =	vsub.f32 v58, v59  }
0x260: {  	[tilespmem:$0x8180] =	vst v1;
	v29 =	vld [tilespmem:$0x85C0]  }
0x261: {  	[tilespmem:$0x8580] =	vst v1;
	v30 =	vld [tilespmem:$0x81D0];
	v17 =	vadd.f32 v18, v17;
	v18 =	vmul.f32 v19, v19;
	v19 =	vsub.f32 v60, v61  }
0x262: {  	[tilespmem:$0x8190] =	vst v1;
	v31 =	vld [tilespmem:$0x85D0]  }
0x263: {  	[tilespmem:$0x8590] =	vst v1;
	v32 =	vld [tilespmem:$0x81E0];
	v17 =	vadd.f32 v18, v17;
	v18 =	vmul.f32 v19, v19;
	v19 =	vsub.f32 v62, v63  }
0x264: {  	[tilespmem:$0x81A0] =	vst v1;
	v33 =	vld [tilespmem:$0x85E0]  }
0x265: {  	[tilespmem:$0x85A0] =	vst v1;
	v34 =	vld [tilespmem:$0x81F0];
	v17 =	vadd.f32 v18, v17;
	v18 =	vmul.f32 v19, v19;
	v19 =	vsub.f32 v28, v29  }
0x266: {  	[tilespmem:$0x81B0] =	vst v1;
	v35 =	vld [tilespmem:$0x85F0]  }
0x267: {  	[tilespmem:$0x85B0] =	vst v1;
	v36 =	vld [tilespmem:$0x8200];
	v17 =	vadd.f32 v18, v17;
	v18 =	vmul.f32 v19, v19;
	v19 =	vsub.f32 v30, v31  }
0x268: {  	[tilespmem:$0x81C0] =	vst v1;
	v37 =	vld [tilespmem:$0x8600]  }
0x269: {  	[tilespmem:$0x85C0] =	vst v1;
	v38 =	vld [tilespmem:$0x8210];
	v17 =	vadd.f32 v18, v17;
	v18 =	vmul.f32 v19, v19;
	v19 =	vsub.f32 v32, v33  }
0x26a: {  	[tilespmem:$0x81D0] =	vst v1;
	v39 =	vld [tilespmem:$0x8610]  }
0x26b: {  	[tilespmem:$0x85D0] =	vst v1;
	v40 =	vld [tilespmem:$0x8220];
	v17 =	vadd.f32 v18, v17;
	v18 =	vmul.f32 v19, v19;
	v19 =	vsub.f32 v34, v35  }
0x26c: {  	[tilespmem:$0x81E0] =	vst v1;
	v41 =	vld [tilespmem:$0x8620]  }
0x26d: {  	[tilespmem:$0x85E0] =	vst v1;
	v42 =	vld [tilespmem:$0x8230];
	v17 =	vadd.f32 v18, v17;
	v18 =	vmul.f32 v19, v19;
	v19 =	vsub.f32 v36, v37  }
0x26e: {  	[tilespmem:$0x81F0] =	vst v1;
	v43 =	vld [tilespmem:$0x8630]  }
0x26f: {  	[tilespmem:$0x85F0] =	vst v1;
	v44 =	vld [tilespmem:$0x8240];
	v17 =	vadd.f32 v18, v17;
	v18 =	vmul.f32 v19, v19;
	v19 =	vsub.f32 v38, v39  }
0x270: {  	[tilespmem:$0x8200] =	vst v1;
	v45 =	vld [tilespmem:$0x8640]  }
0x271: {  	[tilespmem:$0x8600] =	vst v1;
	v46 =	vld [tilespmem:$0x8250];
	v17 =	vadd.f32 v18, v17;
	v18 =	vmul.f32 v19, v19;
	v19 =	vsub.f32 v40, v41  }
0x272: {  	[tilespmem:$0x8210] =	vst v1;
	v47 =	vld [tilespmem:$0x8650]  }
0x273: {  	[tilespmem:$0x8610] =	vst v1;
	v48 =	vld [tilespmem:$0x8260];
	v17 =	vadd.f32 v18, v17;
	v18 =	vmul.f32 v19, v19;
	v19 =	vsub.f32 v42, v43  }
0x274: {  	[tilespmem:$0x8220] =	vst v1;
	v49 =	vld [tilespmem:$0x8660]  }
0x275: {  	[tilespmem:$0x8620] =	vst v1;
	v50 =	vld [tilespmem:$0x8270];
	v17 =	vadd.f32 v18, v17;
	v18 =	vmul.f32 v19, v19;
	v19 =	vsub.f32 v44, v45  }
0x276: {  	[tilespmem:$0x8230] =	vst v1;
	v51 =	vld [tilespmem:$0x8670]  }
0x277: {  	[tilespmem:$0x8630] =	vst v1;
	v52 =	vld [tilespmem:$0x8280];
	v17 =	vadd.f32 v18, v17;
	v18 =	vmul.f32 v19, v19;
	v19 =	vsub.f32 v46, v47  }
0x278: {  	[tilespmem:$0x8240] =	vst v1;
	v53 =	vld [tilespmem:$0x8680]  }
0x279: {  	[tilespmem:$0x8640] =	vst v1;
	v54 =	vld [tilespmem:$0x8290];
	v17 =	vadd.f32 v18, v17;
	v18 =	vmul.f32 v19, v19;
	v19 =	vsub.f32 v48, v49  }
0x27a: {  	[tilespmem:$0x8250] =	vst v1;
	v55 =	vld [tilespmem:$0x8690]  }
0x27b: {  	[tilespmem:$0x8650] =	vst v1;
	v56 =	vld [tilespmem:$0x82A0];
	v17 =	vadd.f32 v18, v17;
	v18 =	vmul.f32 v19, v19;
	v19 =	vsub.f32 v50, v51  }
0x27c: {  	[tilespmem:$0x8260] =	vst v1;
	v57 =	vld [tilespmem:$0x86A0]  }
0x27d: {  	[tilespmem:$0x8660] =	vst v1;
	v58 =	vld [tilespmem:$0x82B0];
	v17 =	vadd.f32 v18, v17;
	v18 =	vmul.f32 v19, v19;
	v19 =	vsub.f32 v52, v53  }
0x27e: {  	[tilespmem:$0x8270] =	vst v1;
	v59 =	vld [tilespmem:$0x86B0]  }
0x27f: {  	[tilespmem:$0x8670] =	vst v1;
	v60 =	vld [tilespmem:$0x82C0];
	v17 =	vadd.f32 v18, v17;
	v18 =	vmul.f32 v19, v19;
	v19 =	vsub.f32 v54, v55  }
0x280: {  	[tilespmem:$0x8280] =	vst v1;
	v61 =	vld [tilespmem:$0x86C0]  }
0x281: {  	[tilespmem:$0x8680] =	vst v1;
	v62 =	vld [tilespmem:$0x82D0];
	v17 =	vadd.f32 v18, v17;
	v18 =	vmul.f32 v19, v19;
	v19 =	vsub.f32 v56, v57  }
0x282: {  	[tilespmem:$0x8290] =	vst v1;
	v63 =	vld [tilespmem:$0x86D0]  }
0x283: {  	[tilespmem:$0x8690] =	vst v1;
	v28 =	vld [tilespmem:$0x82E0];
	v17 =	vadd.f32 v18, v17;
	v18 =	vmul.f32 v19, v19;
	v19 =	vsub.f32 v58, v59  }
0x284: {  	[tilespmem:$0x82A0] =	vst v1;
	v29 =	vld [tilespmem:$0x86E0]  }
0x285: {  	[tilespmem:$0x86A0] =	vst v1;
	v30 =	vld [tilespmem:$0x82F0];
	v17 =	vadd.f32 v18, v17;
	v18 =	vmul.f32 v19, v19;
	v19 =	vsub.f32 v60, v61  }
0x286: {  	[tilespmem:$0x82B0] =	vst v1;
	v31 =	vld [tilespmem:$0x86F0]  }
0x287: {  	[tilespmem:$0x86B0] =	vst v1;
	v32 =	vld [tilespmem:$0x8300];
	v17 =	vadd.f32 v18, v17;
	v18 =	vmul.f32 v19, v19;
	v19 =	vsub.f32 v62, v63  }
0x288: {  	[tilespmem:$0x82C0] =	vst v1;
	v33 =	vld [tilespmem:$0x8700]  }
0x289: {  	[tilespmem:$0x86C0] =	vst v1;
	v34 =	vld [tilespmem:$0x8310];
	v17 =	vadd.f32 v18, v17;
	v18 =	vmul.f32 v19, v19;
	v19 =	vsub.f32 v28, v29  }
0x28a: {  	[tilespmem:$0x82D0] =	vst v1;
	v35 =	vld [tilespmem:$0x8710]  }
0x28b: {  	[tilespmem:$0x86D0] =	vst v1;
	v36 =	vld [tilespmem:$0x8320];
	v17 =	vadd.f32 v18, v17;
	v18 =	vmul.f32 v19, v19;
	v19 =	vsub.f32 v30, v31  }
0x28c: {  	[tilespmem:$0x82E0] =	vst v1;
	v37 =	vld [tilespmem:$0x8720]  }
0x28d: {  	[tilespmem:$0x86E0] =	vst v1;
	v38 =	vld [tilespmem:$0x8330];
	v17 =	vadd.f32 v18, v17;
	v18 =	vmul.f32 v19, v19;
	v19 =	vsub.f32 v32, v33  }
0x28e: {  	[tilespmem:$0x82F0] =	vst v1;
	v39 =	vld [tilespmem:$0x8730]  }
0x28f: {  	[tilespmem:$0x86F0] =	vst v1;
	v40 =	vld [tilespmem:$0x8340];
	v17 =	vadd.f32 v18, v17;
	v18 =	vmul.f32 v19, v19;
	v19 =	vsub.f32 v34, v35  }
0x290: {  	[tilespmem:$0x8300] =	vst v1;
	v41 =	vld [tilespmem:$0x8740]  }
0x291: {  	[tilespmem:$0x8700] =	vst v1;
	v42 =	vld [tilespmem:$0x8350];
	v17 =	vadd.f32 v18, v17;
	v18 =	vmul.f32 v19, v19;
	v19 =	vsub.f32 v36, v37  }
0x292: {  	[tilespmem:$0x8310] =	vst v1;
	v43 =	vld [tilespmem:$0x8750]  }
0x293: {  	[tilespmem:$0x8710] =	vst v1;
	v44 =	vld [tilespmem:$0x8360];
	v17 =	vadd.f32 v18, v17;
	v18 =	vmul.f32 v19, v19;
	v19 =	vsub.f32 v38, v39  }
0x294: {  	[tilespmem:$0x8320] =	vst v1;
	v45 =	vld [tilespmem:$0x8760]  }
0x295: {  	[tilespmem:$0x8720] =	vst v1;
	v46 =	vld [tilespmem:$0x8370];
	v17 =	vadd.f32 v18, v17;
	v18 =	vmul.f32 v19, v19;
	v19 =	vsub.f32 v40, v41  }
0x296: {  	[tilespmem:$0x8330] =	vst v1;
	v47 =	vld [tilespmem:$0x8770]  }
0x297: {  	[tilespmem:$0x8730] =	vst v1;
	v48 =	vld [tilespmem:$0x8380];
	v17 =	vadd.f32 v18, v17;
	v18 =	vmul.f32 v19, v19;
	v19 =	vsub.f32 v42, v43  }
0x298: {  	[tilespmem:$0x8340] =	vst v1;
	v49 =	vld [tilespmem:$0x8780]  }
0x299: {  	[tilespmem:$0x8740] =	vst v1;
	v50 =	vld [tilespmem:$0x8390];
	v17 =	vadd.f32 v18, v17;
	v18 =	vmul.f32 v19, v19;
	v19 =	vsub.f32 v44, v45  }
0x29a: {  	[tilespmem:$0x8350] =	vst v1;
	v51 =	vld [tilespmem:$0x8790]  }
0x29b: {  	[tilespmem:$0x8750] =	vst v1;
	v52 =	vld [tilespmem:$0x83A0];
	v17 =	vadd.f32 v18, v17;
	v18 =	vmul.f32 v19, v19;
	v19 =	vsub.f32 v46, v47  }
0x29c: {  	[tilespmem:$0x8360] =	vst v1;
	v53 =	vld [tilespmem:$0x87A0]  }
0x29d: {  	[tilespmem:$0x8760] =	vst v1;
	v54 =	vld [tilespmem:$0x83B0];
	v17 =	vadd.f32 v18, v17;
	v18 =	vmul.f32 v19, v19;
	v19 =	vsub.f32 v48, v49  }
0x29e: {  	[tilespmem:$0x8370] =	vst v1;
	v55 =	vld [tilespmem:$0x87B0]  }
0x29f: {  	[tilespmem:$0x8770] =	vst v1;
	v56 =	vld [tilespmem:$0x83C0];
	v17 =	vadd.f32 v18, v17;
	v18 =	vmul.f32 v19, v19;
	v19 =	vsub.f32 v50, v51  }
0x2a0: {  	[tilespmem:$0x8380] =	vst v1;
	v57 =	vld [tilespmem:$0x87C0]  }
0x2a1: {  	[tilespmem:$0x8780] =	vst v1;
	v58 =	vld [tilespmem:$0x83D0];
	v17 =	vadd.f32 v18, v17;
	v18 =	vmul.f32 v19, v19;
	v19 =	vsub.f32 v52, v53  }
0x2a2: {  	[tilespmem:$0x8390] =	vst v1;
	v59 =	vld [tilespmem:$0x87D0]  }
0x2a3: {  	[tilespmem:$0x8790] =	vst v1;
	v60 =	vld [tilespmem:$0x83E0];
	v17 =	vadd.f32 v18, v17;
	v18 =	vmul.f32 v19, v19;
	v19 =	vsub.f32 v54, v55  }
0x2a4: {  	[tilespmem:$0x83A0] =	vst v1;
	v61 =	vld [tilespmem:$0x87E0]  }
0x2a5: {  	[tilespmem:$0x87A0] =	vst v1;
	v62 =	vld [tilespmem:$0x83F0];
	v17 =	vadd.f32 v18, v17;
	v18 =	vmul.f32 v19, v19;
	v19 =	vsub.f32 v56, v57  }
0x2a6: {  	[tilespmem:$0x83B0] =	vst v1;
	v63 =	vld [tilespmem:$0x87F0]  }
0x2a7: {  	[tilespmem:$0x87B0] =	vst v1;
	v17 =	vadd.f32 v18, v17;
	v18 =	vsub.f32 v58, v59;
	v19 =	vmul.f32 v19, v19  }
0x2a8: {  	[tilespmem:$0x83C0] =	vst v1  }
0x2a9: {  	[tilespmem:$0x87C0] =	vst v1;
	v17 =	vadd.f32 v19, v17;
	v19 =	vsub.f32 v60, v61;
	v18 =	vmul.f32 v18, v18  }
0x2aa: {  	p0 =	sne.s32 s16, $0x3F00;
	[tilespmem:$0x83D0] =	vst v1  }
.Ltmp0:
0x2ab: {  	[tilespmem:$0x87D0] =	vst v1;
	v17 =	vadd.f32 v18, v17;
	v18 =	vsub.f32 v62, v63;
	v19 =	vmul.f32 v19, v19;
	(pc) =	sbr.rel @p0 .LBB2_2-.Ltmp0, $4  }
0x2ac: {  	[tilespmem:$0x83E0] =	vst v1  }
0x2ad: {  	[tilespmem:$0x87E0] =	vst v1;
	v17 =	vadd.f32 v19, v17;
	v18 =	vmul.f32 v18, v18  }
0x2ae: {  	[tilespmem:$0x83F0] =	vst v1  }
0x2af: {  	s15 =	sadd.s32 $0x80, s15;
	s16 =	sadd.s32 $0x100, s16;
	[tilespmem:$0x87F0] =	vst v1;
	v17 =	vadd.f32 v18, v17  }
0x2b0: {  	s14 =	sadd.s32 $0x1, s14  }
0x2b1: {  	p0 =	sne.s32 s14, s6  }
.Ltmp1:
0x2b2: {  	[tilespmem:$0x8800] =	vst v17;
	(pc) =	sbr.rel @p0 .LBB2_1-.Ltmp1, $4  }
0x2b3: {  	[hbm4b:s5+s1] =	stream.linear.scatter [tilespmem:s12], [sflag:$0x3], $0x80, $0x38;
	[tilespmem:$0x8880] =	vst v63  }
0x2b4: {  	_ =	swait.ge [sflag:s13], $0x80  }
0x2b5: {  	[sflag:s13] =	ssyncset.done $0x0  }
0x2b6: {  	[sflag:s13] =	ssyncadd.s32 $0xFFFFFF80  }
0x2b7: {  	_ =	sfence.sel $0x180000  }
0x2b8: {  	[bflag:$0x0] =	sbarrier.arrive $0xFFFF  }
0x2b9: {  	p0 =	sne.s32 s2, $0x0;
	_ =	strace $0x90000047  }
0x2ba: {  	s0 =	sadd.s32 @!p0 $0x100000, s0;
	[bflag:$0x2] =	sbarrier.arrive $0xFFFF  }
0x2bb: {  	[sflag:s0] =	ssyncadd.tile.s32 @!p0 $0x1;
	_ =	shalt  }
.Lfunc_end2:
_tile_overlayer_lowered:
.L_overlay_start_2:
0x2bc: {  	(tag) =	ssettag $0x2  }
0x2bd: {  	s0 =	rddreg [dreg:$0x0];
	s2 =	stileid.u32  }
0x2be: {  	s1 =	rddreg [dreg:$0x1];
	p0 =	sne.s32 s2, $0x0  }
0x2bf: {  	s3 =	rddreg [dreg:$0x2];
	[bflag:$0x3] =	sbarrier.arrive $0xFFFF;
	s2 =	simm.s32 @!p0 $0x1C03  }
0x2c0: {  	[timem:s3], [sflag:s2] =	dma.local @!p0 [hbm:s0], s1  }
0x2c1: {  	s0 =	simm.s32 @!p0 $0x3  }
0x2c2: {  	_ =	swait.ge @!p0 [sflag:s0], s1  }
0x2c3: {  	s1 =	ssub.s32 @!p0 $0x0, s1;
	[sflag:s0] =	ssyncset.done @!p0 $0x0  }
0x2c4: {  	[sflag:s0] =	ssyncadd.s32 @!p0 s1  }
0x2c5: {  	[bflag:$0x3] =	sbarrier.arrive $0xFFFF  }
0x2c6: {  	_ =	shalt  }

</sc_bundles>
